<compile_context>
chip_gen: v7x
topology: tpu7x:2x2x1
jax: 0.10.2.dev20260603
libtpu: 0.0.44.dev20260713+nightly
codegen_flags: <defaults>
</compile_context>

<pallas_src>
import functools

import jax
import jax.numpy as jnp
from jax import lax
from jax.experimental import pallas as pl
from jax.experimental.pallas import tpu as pltpu
from jax.experimental.pallas import tpu_sc as plsc

N_G = 262144
N_M = 128
K_TOP = int(N_G * 0.02)
ROWS = 16384
GRID = N_G // ROWS
OUT_R = N_G // 128

NS = 16
E = N_G // NS
NV = E // 16
NBINS = 1 << 16
CB = NBINS // NS
CVEC = CB // 16
HIST = NBINS + 8
NIDX = 128
NDMA = E // NIDX
NREP = 8
HIST_TOT = NREP * HIST


def _matvec_body(x_ref, w_ref, m_ref, o_ref):
    mb = (w_ref[...] * m_ref[...]).astype(jnp.bfloat16).astype(jnp.float32)
    xb = x_ref[...].astype(jnp.bfloat16).astype(jnp.float32)
    g = jnp.sum(mb * xb, axis=1)
    o_ref[...] = g.reshape(ROWS // 128, 128)


def _keys(x):
    bits = lax.bitcast_convert_type(x, jnp.int32)
    flip = jnp.where(bits < 0, jnp.uint32(0xFFFFFFFF), jnp.uint32(0x80000000))
    return bits.astype(jnp.uint32) ^ flip


def _tree_sum(v):
    iota = lax.iota(jnp.int32, 16)
    for sh in (8, 4, 2, 1):
        v = v + jnp.take(v, iota ^ sh)
    return v


def _bcast_lane0(v):
    return jnp.take(v, jnp.zeros((16,), jnp.int32))


def _scan_chunk(chunk_ref, base_bin, running0, k_target):
    iota = lax.iota(jnp.int32, 16)
    zero = jnp.zeros((16,), jnp.int32)

    def vec_body(i, carry):
        running, vi_hit, run_hit, vhit, found = carry
        vi = CVEC - 1 - i
        v = chunk_ref[pl.ds(vi * 16, 16)]
        vec_total = _tree_sum(v)
        hit = jnp.logical_and(found == 0, running + vec_total >= k_target)
        vi_hit = jnp.where(hit, vi, vi_hit)
        run_hit = jnp.where(hit, running, run_hit)
        vhit = jnp.where(hit, v, vhit)
        found = jnp.where(hit, 1, found)
        return running + vec_total, vi_hit, run_hit, vhit, found

    init = (running0, zero, running0, zero, zero)
    _, vi_hit, run_hit, vhit, found1 = lax.fori_loop(0, CVEC, vec_body, init)

    def lane_body(i, carry):
        s, jstar, cnt_sel, found = carry
        l = 15 - i
        s = s + _tree_sum(jnp.where(iota == l, vhit, 0))
        hit = jnp.logical_and(found == 0, run_hit + s >= k_target)
        jstar = jnp.where(hit, l, jstar)
        cnt_sel = jnp.where(hit, run_hit + s, cnt_sel)
        found = jnp.where(hit, 1, found)
        return s, jstar, cnt_sel, found

    init2 = (zero, zero, zero, zero)
    _, jstar, cnt_sel, _ = lax.fori_loop(0, 16, lane_body, init2)
    bin_cnt = _tree_sum(jnp.where(iota == jstar, vhit, 0))
    b = base_bin + vi_hit * 16 + jstar
    return b, cnt_sel - bin_cnt, found1


def _select_body(g_hbm, thr_hbm, out_hbm, gv, idxv, onesv,
                 chunkv, tmpv, zerov, v16a, v16b, idx16v, thrv, hist_sh,
                 sums1_sh, sums2_sh, bk1_sh, bk2_sh, dma_sem):
    cid = lax.axis_index("c")
    wid = lax.axis_index("s")
    iota = lax.iota(jnp.int32, 16)

    @pl.when(cid == 0)
    def _():
        base = wid * E
        pltpu.async_copy(g_hbm.at[pl.ds(base, E)], gv, dma_sem)
        pltpu.sync_copy(thr_hbm, thrv)

        @plsc.parallel_loop(0, CVEC, unroll=8)
        def _(i):
            zerov[pl.ds(i * 16, 16)] = jnp.zeros((16,), jnp.int32)

        @plsc.parallel_loop(0, NV, unroll=8)
        def _(r):
            onesv[pl.ds(r * 16, 16)] = jnp.ones((16,), jnp.int32)

        idx16v[...] = iota

        zbase = (wid % NREP) * HIST + (wid // NREP) * (NBINS // 2)
        for r in range(NS // 2):
            pltpu.sync_copy(zerov, hist_sh.at[pl.ds(zbase + r * CB, CB)])

        @pl.when(wid == 0)
        def _():
            pltpu.sync_copy(zerov.at[pl.ds(0, 16)], sums1_sh)
            pltpu.sync_copy(zerov.at[pl.ds(0, 16)], sums2_sh)
            pltpu.sync_copy(zerov.at[pl.ds(0, 16)], bk1_sh)
            pltpu.sync_copy(zerov.at[pl.ds(0, 16)], bk2_sh)

        pltpu.make_async_copy(g_hbm.at[pl.ds(base, E)], gv, dma_sem).wait()
        plsc.subcore_barrier()

        hist_base = (wid % NREP) * HIST

        @plsc.parallel_loop(0, NV, unroll=8)
        def _(v):
            key = _keys(gv[pl.ds(v * 16, 16)])
            bucket = (key >> jnp.uint32(16)).astype(jnp.int32) + hist_base
            idxv[pl.ds(v * 16, 16)] = bucket

        def scatter_all():
            pltpu.sync_copy(onesv, hist_sh.at[idxv], add=True)

        scatter_all()
        plsc.subcore_barrier()

        def merge_chunk():
            pltpu.sync_copy(hist_sh.at[pl.ds(wid * CB, CB)], chunkv)

            def merge_r(r, _):
                pltpu.sync_copy(hist_sh.at[pl.ds(r * HIST + wid * CB, CB)],
                                tmpv)

                @plsc.parallel_loop(0, CVEC, unroll=8)
                def _(i):
                    chunkv[pl.ds(i * 16, 16)] = (chunkv[pl.ds(i * 16, 16)]
                                                 + tmpv[pl.ds(i * 16, 16)])

                return 0

            lax.fori_loop(1, NREP, merge_r, 0)

        merge_chunk()

        def accum(i, acc):
            return acc + chunkv[pl.ds(i * 16, 16)]

        s_mine = _tree_sum(lax.fori_loop(0, CVEC, accum,
                                         jnp.zeros((16,), jnp.int32)))
        v16a[...] = jnp.where(iota == wid, s_mine, 0)
        pltpu.sync_copy(v16a, sums1_sh.at[idx16v], add=True)
        plsc.subcore_barrier()

        pltpu.sync_copy(sums1_sh, v16b)
        s_vec = v16b[...]
        my_se = _tree_sum(jnp.where(iota > wid, s_vec, 0))
        k1 = jnp.full((16,), K_TOP, jnp.int32)
        b_cand, cnt_hi, found = _scan_chunk(chunkv, wid * CB, my_se, k1)
        is_owner = jnp.logical_and(found > 0, my_se < k1)
        kp_cand = k1 - cnt_hi
        v16a[...] = (jnp.where(jnp.logical_and(is_owner, iota == 0),
                               b_cand, 0)
                     + jnp.where(jnp.logical_and(is_owner, iota == 1),
                                 kp_cand, 0))
        pltpu.sync_copy(v16a, bk1_sh.at[idx16v], add=True)

        for r in range(NS // 2):
            pltpu.sync_copy(zerov, hist_sh.at[pl.ds(zbase + r * CB, CB)])

        plsc.subcore_barrier()

        pltpu.sync_copy(bk1_sh, v16b)
        bk = v16b[...]
        b1 = _bcast_lane0(bk)
        kp = _bcast_lane0(jnp.take(bk, jnp.ones((16,), jnp.int32)))

        @plsc.parallel_loop(0, NV, unroll=8)
        def _(v):
            key = _keys(gv[pl.ds(v * 16, 16)])
            hi = (key >> jnp.uint32(16)).astype(jnp.int32)
            lo = (key & jnp.uint32(0xFFFF)).astype(jnp.int32)
            bucket = jnp.where(hi == b1, lo, jnp.int32(NBINS)) + hist_base
            idxv[pl.ds(v * 16, 16)] = bucket

        scatter_all()
        plsc.subcore_barrier()

        merge_chunk()
        s_mine2 = _tree_sum(lax.fori_loop(0, CVEC, accum,
                                          jnp.zeros((16,), jnp.int32)))
        v16a[...] = jnp.where(iota == wid, s_mine2, 0)
        pltpu.sync_copy(v16a, sums2_sh.at[idx16v], add=True)
        plsc.subcore_barrier()

        pltpu.sync_copy(sums2_sh, v16b)
        s_vec2 = v16b[...]
        my_se2 = _tree_sum(jnp.where(iota > wid, s_vec2, 0))
        l_cand, _cnt, found2 = _scan_chunk(chunkv, wid * CB, my_se2, kp)
        is_owner2 = jnp.logical_and(found2 > 0, my_se2 < kp)
        t_cand = lax.bitcast_convert_type(
            (lax.bitcast_convert_type(b1, jnp.uint32) << jnp.uint32(16))
            | lax.bitcast_convert_type(l_cand, jnp.uint32), jnp.int32)
        v16a[...] = jnp.where(jnp.logical_and(is_owner2, iota == 0),
                              t_cand, 0)
        pltpu.sync_copy(v16a, bk2_sh.at[idx16v], add=True)
        plsc.subcore_barrier()

        pltpu.sync_copy(bk2_sh, v16b)
        t_u32 = lax.bitcast_convert_type(_bcast_lane0(v16b[...]), jnp.uint32)

        th = thrv[...]

        @plsc.parallel_loop(0, NV, unroll=8)
        def _(v):
            x = gv[pl.ds(v * 16, 16)]
            keep = _keys(x) >= t_u32
            gv[pl.ds(v * 16, 16)] = jnp.where(
                keep, jnp.maximum(x - th, 0.0), 0.0)

        pltpu.sync_copy(gv, out_hbm.at[pl.ds(base, E)])


def _build():
    matvec = pl.pallas_call(
        _matvec_body,
        grid=(GRID,),
        in_specs=[
            pl.BlockSpec((1, N_M), lambda i: (0, 0)),
            pl.BlockSpec((ROWS, N_M), lambda i: (i, 0)),
            pl.BlockSpec((ROWS, N_M), lambda i: (i, 0)),
        ],
        out_specs=pl.BlockSpec((ROWS // 128, 128), lambda i: (i, 0)),
        out_shape=jax.ShapeDtypeStruct((OUT_R, 128), jnp.float32),
    )
    mesh = plsc.VectorSubcoreMesh(core_axis_name="c", subcore_axis_name="s")
    select = pl.kernel(
        _select_body,
        out_type=jax.ShapeDtypeStruct((N_G,), jnp.float32),
        mesh=mesh,
        scratch_types=[
            pltpu.VMEM((E,), jnp.float32),
            pltpu.VMEM((E,), jnp.int32),
            pltpu.VMEM((E,), jnp.int32),
            pltpu.VMEM((CB,), jnp.int32),
            pltpu.VMEM((CB,), jnp.int32),
            pltpu.VMEM((CB,), jnp.int32),
            pltpu.VMEM((16,), jnp.int32),
            pltpu.VMEM((16,), jnp.int32),
            pltpu.VMEM((16,), jnp.int32),
            pltpu.VMEM((16,), jnp.float32),
            pltpu.VMEM_SHARED((HIST_TOT,), jnp.int32),
            pltpu.VMEM_SHARED((16,), jnp.int32),
            pltpu.VMEM_SHARED((16,), jnp.int32),
            pltpu.VMEM_SHARED((16,), jnp.int32),
            pltpu.VMEM_SHARED((16,), jnp.int32),
            pltpu.SemaphoreType.DMA,
        ],
    )
    return matvec, select


_matvec, _select = _build()


def kernel(mossy_input, weights, connectivity_mask, threshold):
    x = mossy_input.reshape(1, N_M)
    g = _matvec(x, weights, connectivity_mask)
    thr16 = jnp.full((16,), threshold, jnp.float32)
    out = _select(g.reshape(N_G), thr16)
    return out.reshape(N_G)

# --- scband reference (transcript-rebuilt; emitter-appended) ---
"""Pipeline reference for scband-cerebellum-system42-py-torch-87935160418543 (READ-ONLY COPY).

The authoritative reference and input builder live on the scoring server;
editing this copy changes nothing except your own understanding.
"""

import jax, jax.numpy as jnp
import numpy as np

N_MOSSY = 128
N_GRANULE = 262144
SPARSITY = 0.02
K = int(N_GRANULE * SPARSITY)


def setup_inputs(seed: int = 0) -> dict:
    key = jax.random.key(seed)
    k1, k2, k3 = jax.random.split(key, 3)
    mossy_input = jax.random.normal(k1, (N_MOSSY,), dtype=jnp.float32)
    # learned parameters / buffers per GranuleCellLayer.__init__
    weights = jax.random.normal(k2, (N_GRANULE, N_MOSSY), dtype=jnp.float32) * 0.1
    connectivity_mask = (jax.random.uniform(k3, (N_GRANULE, N_MOSSY)) < 0.2).astype(jnp.float32)
    threshold = jnp.array(1.0, dtype=jnp.float32)
    return {
        "mossy_input": mossy_input,
        "weights": weights,
        "connectivity_mask": connectivity_mask,
        "threshold": threshold,
    }


def reference(mossy_input, weights, connectivity_mask, threshold):
    # Faithful translation of GranuleCellLayer.forward (the top-k masking core
    # of CerebellumSystem42PyTorch): sparse expansion of mossy fiber input.
    masked_weights = weights * connectivity_mask
    granule_input = jnp.matmul(masked_weights, mossy_input)
    top_k_values, top_k_indices = jax.lax.top_k(granule_input, K)
    granule_output = jnp.zeros_like(granule_input).at[top_k_indices].set(
        jax.nn.relu(top_k_values - threshold)
    )
    return granule_output

if __name__ == "__main__":
    import jax
    _d = setup_inputs()
    print(jax.jit(kernel)(*tuple(_d.values())))

</pallas_src>

<mosaic_0001>
#map = affine_map<(d0, d1) -> (0)>
module attributes {stable_mosaic.version = 14 : i64} {
  func.func @_select_body(%arg0: i32, %arg1: i32, %arg2: memref<262144xf32, #tpu.memory_space<hbm>>, %arg3: memref<16xf32, #tpu.memory_space<hbm>>, %arg4: memref<262144xf32, #tpu.memory_space<hbm>>, %arg5: memref<16384xf32, #tpu.memory_space<vmem>>, %arg6: memref<16384xi32, #tpu.memory_space<vmem>>, %arg7: memref<16384xi32, #tpu.memory_space<vmem>>, %arg8: memref<4096xi32, #tpu.memory_space<vmem>>, %arg9: memref<4096xi32, #tpu.memory_space<vmem>>, %arg10: memref<4096xi32, #tpu.memory_space<vmem>>, %arg11: memref<16xi32, #tpu.memory_space<vmem>>, %arg12: memref<16xi32, #tpu.memory_space<vmem>>, %arg13: memref<16xi32, #tpu.memory_space<vmem>>, %arg14: memref<16xf32, #tpu.memory_space<vmem>>, %arg15: memref<524352xi32, #tpu.memory_space<vmem_shared>>, %arg16: memref<16xi32, #tpu.memory_space<vmem_shared>>, %arg17: memref<16xi32, #tpu.memory_space<vmem_shared>>, %arg18: memref<16xi32, #tpu.memory_space<vmem_shared>>, %arg19: memref<16xi32, #tpu.memory_space<vmem_shared>>, %arg20: memref<!tpu.dma_semaphore, #tpu.memory_space<semaphore_mem>>) attributes {dimension_semantics = [#tpu.dimension_semantics<core_parallel>, #tpu.dimension_semantics<subcore_parallel>], iteration_bounds = array<i64: 2, 16>, scalar_prefetch = 0 : i64, scratch_operands = 16 : i64, tpu.core_type = #tpu.core_type<sc_vector_subcore>, window_params = [{transform_indices = #map}, {transform_indices = #map}, {transform_indices = #map}]} {
    %iota3A = tpu.iota {dimensions = array<i32: 0>} : vector<16xi32>
    %eq3A = arith.constant 0 : i32
    %eq3A_0 = arith.cmpi eq, %arg0, %eq3A : i32
    %convert_element_type3A = arith.extui %eq3A_0 : i1 to i32
    %cond3A = arith.constant 0 : i32
    %cond3A_1 = arith.cmpi ne, %convert_element_type3A, %cond3A : i32
    scf.if %cond3A_1 {
      %mul3A = arith.constant 16384 : i32
      %mul3A_2 = arith.muli %arg1, %mul3A : i32
      %dma_start3A = tpu.memref_slice %arg2[%mul3A_2] : memref<262144xf32, #tpu.memory_space<hbm>> -> memref<16384xf32, #tpu.memory_space<hbm>>
      %dma_start3A_3 = tpu.memref_slice %arg2[%mul3A_2] : memref<262144xf32, #tpu.memory_space<hbm>> -> memref<16384xf32, #tpu.memory_space<hbm>>
      tpu.enqueue_dma source(%dma_start3A_3 : memref<16384xf32, #tpu.memory_space<hbm>>) target(%arg5 : memref<16384xf32, #tpu.memory_space<vmem>>) target_semaphore(%arg20 : memref<!tpu.dma_semaphore, #tpu.memory_space<semaphore_mem>>)
      "tpu.region"() ({
        %run_scoped3A = tpu.sem_alloc : memref<!tpu.dma_semaphore, #tpu.memory_space<semaphore_mem>>
        tpu.enqueue_dma source(%arg3 : memref<16xf32, #tpu.memory_space<hbm>>) target(%arg14 : memref<16xf32, #tpu.memory_space<vmem>>) target_semaphore(%run_scoped3A : memref<!tpu.dma_semaphore, #tpu.memory_space<semaphore_mem>>)
        tpu.wait_dma2 semaphore(%run_scoped3A : memref<!tpu.dma_semaphore, #tpu.memory_space<semaphore_mem>>) src(%arg3 : memref<16xf32, #tpu.memory_space<hbm>>) dst(%arg14 : memref<16xf32, #tpu.memory_space<vmem>>)
        tpu.yield
      }) : () -> ()
      %parallel_loop3A = arith.constant 0 : i32
      %parallel_loop3A_4 = arith.constant 256 : i32
      %parallel_loop3A_5 = arith.constant 1 : i32
      scf.for %parallel_loop3A_683 = %parallel_loop3A to %parallel_loop3A_4 step %parallel_loop3A_5  : i32 {
        %parallel_loop3A_684 = arith.constant 0 : i32
        %parallel_loop3A_685 = vector.broadcast %parallel_loop3A_684 : i32 to vector<16xi32>
        %parallel_loop3A_686 = arith.constant 16 : i32
        %parallel_loop3A_687 = arith.muli %parallel_loop3A_683, %parallel_loop3A_686 : i32
        %parallel_loop3A_688 = arith.index_cast %parallel_loop3A_687 : i32 to index
        %parallel_loop3A_689 = tpu.vector_load %arg10[%parallel_loop3A_688] {strides = array<i32>} : memref<4096xi32, #tpu.memory_space<vmem>>, vector<16xi32>,
        %parallel_loop3A_690 = vector.shape_cast %parallel_loop3A_689 : vector<16xi32> to vector<16xi32>
        %parallel_loop3A_691 = vector.shape_cast %parallel_loop3A_685 : vector<16xi32> to vector<16xi32>
        tpu.vector_store %arg10[%parallel_loop3A_688], %parallel_loop3A_691 {strides = array<i32>} : memref<4096xi32, #tpu.memory_space<vmem>>, vector<16xi32>,
      } {sc.loop_unroll_factor = 8 : i64, sc.parallel_access}
      %parallel_loop3A_6 = arith.constant 0 : i32
      %parallel_loop3A_7 = arith.constant 1024 : i32
      %parallel_loop3A_8 = arith.constant 1 : i32
      scf.for %parallel_loop3A_683 = %parallel_loop3A_6 to %parallel_loop3A_7 step %parallel_loop3A_8  : i32 {
        %parallel_loop3A_684 = arith.constant 1 : i32
        %parallel_loop3A_685 = vector.broadcast %parallel_loop3A_684 : i32 to vector<16xi32>
        %parallel_loop3A_686 = arith.constant 16 : i32
        %parallel_loop3A_687 = arith.muli %parallel_loop3A_683, %parallel_loop3A_686 : i32
        %parallel_loop3A_688 = arith.index_cast %parallel_loop3A_687 : i32 to index
        %parallel_loop3A_689 = tpu.vector_load %arg7[%parallel_loop3A_688] {strides = array<i32>} : memref<16384xi32, #tpu.memory_space<vmem>>, vector<16xi32>,
        %parallel_loop3A_690 = vector.shape_cast %parallel_loop3A_689 : vector<16xi32> to vector<16xi32>
        %parallel_loop3A_691 = vector.shape_cast %parallel_loop3A_685 : vector<16xi32> to vector<16xi32>
        tpu.vector_store %arg7[%parallel_loop3A_688], %parallel_loop3A_691 {strides = array<i32>} : memref<16384xi32, #tpu.memory_space<vmem>>, vector<16xi32>,
      } {sc.loop_unroll_factor = 8 : i64, sc.parallel_access}
      %swap3A = arith.constant 0 : index
      %swap3A_9 = tpu.vector_load %arg13[%swap3A] {strides = array<i32>} : memref<16xi32, #tpu.memory_space<vmem>>, vector<16xi32>,
      %swap3A_10 = vector.shape_cast %swap3A_9 : vector<16xi32> to vector<16xi32>
      %swap3A_11 = vector.shape_cast %iota3A : vector<16xi32> to vector<16xi32>
      tpu.vector_store %arg13[%swap3A], %swap3A_11 {strides = array<i32>} : memref<16xi32, #tpu.memory_space<vmem>>, vector<16xi32>,
      %jit3A = arith.constant 8 : i32
      %eq3A_12 = arith.constant 0 : i32
      %eq3A_13 = arith.cmpi eq, %jit3A, %eq3A_12 : i32
      %jit3A_14 = arith.constant 1 : i32
      %select_n3A = arith.select %eq3A_13, %jit3A_14, %jit3A : i32
      %rem3A = arith.remsi %arg1, %select_n3A : i32
      %ne3A = arith.constant 0 : i32
      %ne3A_15 = arith.cmpi ne, %rem3A, %ne3A : i32
      %lt3A = arith.constant 0 : i32
      %lt3A_16 = arith.cmpi slt, %rem3A, %lt3A : i32
      %lt3A_17 = arith.constant 0 : i32
      %lt3A_18 = arith.cmpi slt, %select_n3A, %lt3A_17 : i32
      %ne3A_19 = arith.xori %lt3A_16, %lt3A_18 : i1
      %and3A = arith.andi %ne3A_19, %ne3A_15 : i1
      %add3A = arith.addi %rem3A, %select_n3A : i32
      %select_n3A_20 = arith.select %and3A, %add3A, %rem3A : i32
      %mul3A_21 = arith.constant 65544 : i32
      %mul3A_22 = arith.muli %select_n3A_20, %mul3A_21 : i32
      %jit3A_23 = arith.constant 8 : i32
      %div3A = arith.divsi %arg1, %jit3A_23 : i32
      %sign3A = arith.constant 0 : i32
      %sign3A_24 = arith.cmpi sgt, %arg1, %sign3A : i32
      %sign3A_25 = arith.extui %sign3A_24 : i1 to i32
      %sign3A_26 = arith.constant 0 : i32
      %sign3A_27 = arith.cmpi slt, %arg1, %sign3A_26 : i32
      %sign3A_28 = arith.extui %sign3A_27 : i1 to i32
      %sign3A_29 = arith.subi %sign3A_25, %sign3A_28 : i32
      %sign3A_30 = arith.constant 0 : i32
      %sign3A_31 = arith.cmpi sgt, %jit3A_23, %sign3A_30 : i32
      %sign3A_32 = arith.extui %sign3A_31 : i1 to i32
      %sign3A_33 = arith.constant 0 : i32
      %sign3A_34 = arith.cmpi slt, %jit3A_23, %sign3A_33 : i32
      %sign3A_35 = arith.extui %sign3A_34 : i1 to i32
      %sign3A_36 = arith.subi %sign3A_32, %sign3A_35 : i32
      %ne3A_37 = arith.cmpi ne, %sign3A_29, %sign3A_36 : i32
      %rem3A_38 = arith.remsi %arg1, %jit3A_23 : i32
      %ne3A_39 = arith.constant 0 : i32
      %ne3A_40 = arith.cmpi ne, %rem3A_38, %ne3A_39 : i32
      %and3A_41 = arith.andi %ne3A_37, %ne3A_40 : i1
      %sub3A = arith.constant 1 : i32
      %sub3A_42 = arith.subi %div3A, %sub3A : i32
      %select_n3A_43 = arith.select %and3A_41, %sub3A_42, %div3A : i32
      %mul3A_44 = arith.constant 32768 : i32
      %mul3A_45 = arith.muli %select_n3A_43, %mul3A_44 : i32
      %add3A_46 = arith.addi %mul3A_22, %mul3A_45 : i32
      %add3A_47 = arith.constant 0 : i32
      %add3A_48 = arith.addi %add3A_46, %add3A_47 : i32
      "tpu.region"() ({
        %run_scoped3A = tpu.sem_alloc : memref<!tpu.dma_semaphore, #tpu.memory_space<semaphore_mem>>
        %dma_start3A_683 = tpu.memref_slice %arg15[%add3A_48] : memref<524352xi32, #tpu.memory_space<vmem_shared>> -> memref<4096xi32, #tpu.memory_space<vmem_shared>>
        %dma_start3A_684 = tpu.memref_slice %arg15[%add3A_48] : memref<524352xi32, #tpu.memory_space<vmem_shared>> -> memref<4096xi32, #tpu.memory_space<vmem_shared>>
        tpu.enqueue_dma source(%arg10 : memref<4096xi32, #tpu.memory_space<vmem>>) target(%dma_start3A_684 : memref<4096xi32, #tpu.memory_space<vmem_shared>>) target_semaphore(%run_scoped3A : memref<!tpu.dma_semaphore, #tpu.memory_space<semaphore_mem>>)
        %dma_wait3A_685 = tpu.memref_slice %arg15[%add3A_48] : memref<524352xi32, #tpu.memory_space<vmem_shared>> -> memref<4096xi32, #tpu.memory_space<vmem_shared>>
        %dma_wait3A_686 = tpu.memref_slice %arg15[%add3A_48] : memref<524352xi32, #tpu.memory_space<vmem_shared>> -> memref<4096xi32, #tpu.memory_space<vmem_shared>>
        tpu.wait_dma2 semaphore(%run_scoped3A : memref<!tpu.dma_semaphore, #tpu.memory_space<semaphore_mem>>) src(%arg10 : memref<4096xi32, #tpu.memory_space<vmem>>) dst(%dma_wait3A_686 : memref<4096xi32, #tpu.memory_space<vmem_shared>>)
        tpu.yield
      }) : () -> ()
      %add3A_49 = arith.constant 4096 : i32
      %add3A_50 = arith.addi %add3A_46, %add3A_49 : i32
      "tpu.region"() ({
        %run_scoped3A = tpu.sem_alloc : memref<!tpu.dma_semaphore, #tpu.memory_space<semaphore_mem>>
        %dma_start3A_683 = tpu.memref_slice %arg15[%add3A_50] : memref<524352xi32, #tpu.memory_space<vmem_shared>> -> memref<4096xi32, #tpu.memory_space<vmem_shared>>
        %dma_start3A_684 = tpu.memref_slice %arg15[%add3A_50] : memref<524352xi32, #tpu.memory_space<vmem_shared>> -> memref<4096xi32, #tpu.memory_space<vmem_shared>>
        tpu.enqueue_dma source(%arg10 : memref<4096xi32, #tpu.memory_space<vmem>>) target(%dma_start3A_684 : memref<4096xi32, #tpu.memory_space<vmem_shared>>) target_semaphore(%run_scoped3A : memref<!tpu.dma_semaphore, #tpu.memory_space<semaphore_mem>>)
        %dma_wait3A_685 = tpu.memref_slice %arg15[%add3A_50] : memref<524352xi32, #tpu.memory_space<vmem_shared>> -> memref<4096xi32, #tpu.memory_space<vmem_shared>>
        %dma_wait3A_686 = tpu.memref_slice %arg15[%add3A_50] : memref<524352xi32, #tpu.memory_space<vmem_shared>> -> memref<4096xi32, #tpu.memory_space<vmem_shared>>
        tpu.wait_dma2 semaphore(%run_scoped3A : memref<!tpu.dma_semaphore, #tpu.memory_space<semaphore_mem>>) src(%arg10 : memref<4096xi32, #tpu.memory_space<vmem>>) dst(%dma_wait3A_686 : memref<4096xi32, #tpu.memory_space<vmem_shared>>)
        tpu.yield
      }) : () -> ()
      %add3A_51 = arith.constant 8192 : i32
      %add3A_52 = arith.addi %add3A_46, %add3A_51 : i32
      "tpu.region"() ({
        %run_scoped3A = tpu.sem_alloc : memref<!tpu.dma_semaphore, #tpu.memory_space<semaphore_mem>>
        %dma_start3A_683 = tpu.memref_slice %arg15[%add3A_52] : memref<524352xi32, #tpu.memory_space<vmem_shared>> -> memref<4096xi32, #tpu.memory_space<vmem_shared>>
        %dma_start3A_684 = tpu.memref_slice %arg15[%add3A_52] : memref<524352xi32, #tpu.memory_space<vmem_shared>> -> memref<4096xi32, #tpu.memory_space<vmem_shared>>
        tpu.enqueue_dma source(%arg10 : memref<4096xi32, #tpu.memory_space<vmem>>) target(%dma_start3A_684 : memref<4096xi32, #tpu.memory_space<vmem_shared>>) target_semaphore(%run_scoped3A : memref<!tpu.dma_semaphore, #tpu.memory_space<semaphore_mem>>)
        %dma_wait3A_685 = tpu.memref_slice %arg15[%add3A_52] : memref<524352xi32, #tpu.memory_space<vmem_shared>> -> memref<4096xi32, #tpu.memory_space<vmem_shared>>
        %dma_wait3A_686 = tpu.memref_slice %arg15[%add3A_52] : memref<524352xi32, #tpu.memory_space<vmem_shared>> -> memref<4096xi32, #tpu.memory_space<vmem_shared>>
        tpu.wait_dma2 semaphore(%run_scoped3A : memref<!tpu.dma_semaphore, #tpu.memory_space<semaphore_mem>>) src(%arg10 : memref<4096xi32, #tpu.memory_space<vmem>>) dst(%dma_wait3A_686 : memref<4096xi32, #tpu.memory_space<vmem_shared>>)
        tpu.yield
      }) : () -> ()
      %add3A_53 = arith.constant 12288 : i32
      %add3A_54 = arith.addi %add3A_46, %add3A_53 : i32
      "tpu.region"() ({
        %run_scoped3A = tpu.sem_alloc : memref<!tpu.dma_semaphore, #tpu.memory_space<semaphore_mem>>
        %dma_start3A_683 = tpu.memref_slice %arg15[%add3A_54] : memref<524352xi32, #tpu.memory_space<vmem_shared>> -> memref<4096xi32, #tpu.memory_space<vmem_shared>>
        %dma_start3A_684 = tpu.memref_slice %arg15[%add3A_54] : memref<524352xi32, #tpu.memory_space<vmem_shared>> -> memref<4096xi32, #tpu.memory_space<vmem_shared>>
        tpu.enqueue_dma source(%arg10 : memref<4096xi32, #tpu.memory_space<vmem>>) target(%dma_start3A_684 : memref<4096xi32, #tpu.memory_space<vmem_shared>>) target_semaphore(%run_scoped3A : memref<!tpu.dma_semaphore, #tpu.memory_space<semaphore_mem>>)
        %dma_wait3A_685 = tpu.memref_slice %arg15[%add3A_54] : memref<524352xi32, #tpu.memory_space<vmem_shared>> -> memref<4096xi32, #tpu.memory_space<vmem_shared>>
        %dma_wait3A_686 = tpu.memref_slice %arg15[%add3A_54] : memref<524352xi32, #tpu.memory_space<vmem_shared>> -> memref<4096xi32, #tpu.memory_space<vmem_shared>>
        tpu.wait_dma2 semaphore(%run_scoped3A : memref<!tpu.dma_semaphore, #tpu.memory_space<semaphore_mem>>) src(%arg10 : memref<4096xi32, #tpu.memory_space<vmem>>) dst(%dma_wait3A_686 : memref<4096xi32, #tpu.memory_space<vmem_shared>>)
        tpu.yield
      }) : () -> ()
      %add3A_55 = arith.constant 16384 : i32
      %add3A_56 = arith.addi %add3A_46, %add3A_55 : i32
      "tpu.region"() ({
        %run_scoped3A = tpu.sem_alloc : memref<!tpu.dma_semaphore, #tpu.memory_space<semaphore_mem>>
        %dma_start3A_683 = tpu.memref_slice %arg15[%add3A_56] : memref<524352xi32, #tpu.memory_space<vmem_shared>> -> memref<4096xi32, #tpu.memory_space<vmem_shared>>
        %dma_start3A_684 = tpu.memref_slice %arg15[%add3A_56] : memref<524352xi32, #tpu.memory_space<vmem_shared>> -> memref<4096xi32, #tpu.memory_space<vmem_shared>>
        tpu.enqueue_dma source(%arg10 : memref<4096xi32, #tpu.memory_space<vmem>>) target(%dma_start3A_684 : memref<4096xi32, #tpu.memory_space<vmem_shared>>) target_semaphore(%run_scoped3A : memref<!tpu.dma_semaphore, #tpu.memory_space<semaphore_mem>>)
        %dma_wait3A_685 = tpu.memref_slice %arg15[%add3A_56] : memref<524352xi32, #tpu.memory_space<vmem_shared>> -> memref<4096xi32, #tpu.memory_space<vmem_shared>>
        %dma_wait3A_686 = tpu.memref_slice %arg15[%add3A_56] : memref<524352xi32, #tpu.memory_space<vmem_shared>> -> memref<4096xi32, #tpu.memory_space<vmem_shared>>
        tpu.wait_dma2 semaphore(%run_scoped3A : memref<!tpu.dma_semaphore, #tpu.memory_space<semaphore_mem>>) src(%arg10 : memref<4096xi32, #tpu.memory_space<vmem>>) dst(%dma_wait3A_686 : memref<4096xi32, #tpu.memory_space<vmem_shared>>)
        tpu.yield
      }) : () -> ()
      %add3A_57 = arith.constant 20480 : i32
      %add3A_58 = arith.addi %add3A_46, %add3A_57 : i32
      "tpu.region"() ({
        %run_scoped3A = tpu.sem_alloc : memref<!tpu.dma_semaphore, #tpu.memory_space<semaphore_mem>>
        %dma_start3A_683 = tpu.memref_slice %arg15[%add3A_58] : memref<524352xi32, #tpu.memory_space<vmem_shared>> -> memref<4096xi32, #tpu.memory_space<vmem_shared>>
        %dma_start3A_684 = tpu.memref_slice %arg15[%add3A_58] : memref<524352xi32, #tpu.memory_space<vmem_shared>> -> memref<4096xi32, #tpu.memory_space<vmem_shared>>
        tpu.enqueue_dma source(%arg10 : memref<4096xi32, #tpu.memory_space<vmem>>) target(%dma_start3A_684 : memref<4096xi32, #tpu.memory_space<vmem_shared>>) target_semaphore(%run_scoped3A : memref<!tpu.dma_semaphore, #tpu.memory_space<semaphore_mem>>)
        %dma_wait3A_685 = tpu.memref_slice %arg15[%add3A_58] : memref<524352xi32, #tpu.memory_space<vmem_shared>> -> memref<4096xi32, #tpu.memory_space<vmem_shared>>
        %dma_wait3A_686 = tpu.memref_slice %arg15[%add3A_58] : memref<524352xi32, #tpu.memory_space<vmem_shared>> -> memref<4096xi32, #tpu.memory_space<vmem_shared>>
        tpu.wait_dma2 semaphore(%run_scoped3A : memref<!tpu.dma_semaphore, #tpu.memory_space<semaphore_mem>>) src(%arg10 : memref<4096xi32, #tpu.memory_space<vmem>>) dst(%dma_wait3A_686 : memref<4096xi32, #tpu.memory_space<vmem_shared>>)
        tpu.yield
      }) : () -> ()
      %add3A_59 = arith.constant 24576 : i32
      %add3A_60 = arith.addi %add3A_46, %add3A_59 : i32
      "tpu.region"() ({
        %run_scoped3A = tpu.sem_alloc : memref<!tpu.dma_semaphore, #tpu.memory_space<semaphore_mem>>
        %dma_start3A_683 = tpu.memref_slice %arg15[%add3A_60] : memref<524352xi32, #tpu.memory_space<vmem_shared>> -> memref<4096xi32, #tpu.memory_space<vmem_shared>>
        %dma_start3A_684 = tpu.memref_slice %arg15[%add3A_60] : memref<524352xi32, #tpu.memory_space<vmem_shared>> -> memref<4096xi32, #tpu.memory_space<vmem_shared>>
        tpu.enqueue_dma source(%arg10 : memref<4096xi32, #tpu.memory_space<vmem>>) target(%dma_start3A_684 : memref<4096xi32, #tpu.memory_space<vmem_shared>>) target_semaphore(%run_scoped3A : memref<!tpu.dma_semaphore, #tpu.memory_space<semaphore_mem>>)
        %dma_wait3A_685 = tpu.memref_slice %arg15[%add3A_60] : memref<524352xi32, #tpu.memory_space<vmem_shared>> -> memref<4096xi32, #tpu.memory_space<vmem_shared>>
        %dma_wait3A_686 = tpu.memref_slice %arg15[%add3A_60] : memref<524352xi32, #tpu.memory_space<vmem_shared>> -> memref<4096xi32, #tpu.memory_space<vmem_shared>>
        tpu.wait_dma2 semaphore(%run_scoped3A : memref<!tpu.dma_semaphore, #tpu.memory_space<semaphore_mem>>) src(%arg10 : memref<4096xi32, #tpu.memory_space<vmem>>) dst(%dma_wait3A_686 : memref<4096xi32, #tpu.memory_space<vmem_shared>>)
        tpu.yield
      }) : () -> ()
      %add3A_61 = arith.constant 28672 : i32
      %add3A_62 = arith.addi %add3A_46, %add3A_61 : i32
      "tpu.region"() ({
        %run_scoped3A = tpu.sem_alloc : memref<!tpu.dma_semaphore, #tpu.memory_space<semaphore_mem>>
        %dma_start3A_683 = tpu.memref_slice %arg15[%add3A_62] : memref<524352xi32, #tpu.memory_space<vmem_shared>> -> memref<4096xi32, #tpu.memory_space<vmem_shared>>
        %dma_start3A_684 = tpu.memref_slice %arg15[%add3A_62] : memref<524352xi32, #tpu.memory_space<vmem_shared>> -> memref<4096xi32, #tpu.memory_space<vmem_shared>>
        tpu.enqueue_dma source(%arg10 : memref<4096xi32, #tpu.memory_space<vmem>>) target(%dma_start3A_684 : memref<4096xi32, #tpu.memory_space<vmem_shared>>) target_semaphore(%run_scoped3A : memref<!tpu.dma_semaphore, #tpu.memory_space<semaphore_mem>>)
        %dma_wait3A_685 = tpu.memref_slice %arg15[%add3A_62] : memref<524352xi32, #tpu.memory_space<vmem_shared>> -> memref<4096xi32, #tpu.memory_space<vmem_shared>>
        %dma_wait3A_686 = tpu.memref_slice %arg15[%add3A_62] : memref<524352xi32, #tpu.memory_space<vmem_shared>> -> memref<4096xi32, #tpu.memory_space<vmem_shared>>
        tpu.wait_dma2 semaphore(%run_scoped3A : memref<!tpu.dma_semaphore, #tpu.memory_space<semaphore_mem>>) src(%arg10 : memref<4096xi32, #tpu.memory_space<vmem>>) dst(%dma_wait3A_686 : memref<4096xi32, #tpu.memory_space<vmem_shared>>)
        tpu.yield
      }) : () -> ()
      %eq3A_63 = arith.constant 0 : i32
      %eq3A_64 = arith.cmpi eq, %arg1, %eq3A_63 : i32
      %convert_element_type3A_65 = arith.extui %eq3A_64 : i1 to i32
      %cond3A_66 = arith.constant 0 : i32
      %cond3A_67 = arith.cmpi ne, %convert_element_type3A_65, %cond3A_66 : i32
      scf.if %cond3A_67 {
        "tpu.region"() ({
          %run_scoped3A = tpu.sem_alloc : memref<!tpu.dma_semaphore, #tpu.memory_space<semaphore_mem>>
          %dma_start3A_683 = arith.constant 0 : i32
          %dma_start3A_684 = tpu.memref_slice %arg10[%dma_start3A_683] : memref<4096xi32, #tpu.memory_space<vmem>> -> memref<16xi32, #tpu.memory_space<vmem>>
          %dma_start3A_685 = arith.constant 0 : i32
          %dma_start3A_686 = tpu.memref_slice %arg10[%dma_start3A_685] : memref<4096xi32, #tpu.memory_space<vmem>> -> memref<16xi32, #tpu.memory_space<vmem>>
          tpu.enqueue_dma source(%dma_start3A_686 : memref<16xi32, #tpu.memory_space<vmem>>) target(%arg16 : memref<16xi32, #tpu.memory_space<vmem_shared>>) target_semaphore(%run_scoped3A : memref<!tpu.dma_semaphore, #tpu.memory_space<semaphore_mem>>)
          %dma_wait3A_687 = arith.constant 0 : i32
          %dma_wait3A_688 = tpu.memref_slice %arg10[%dma_wait3A_687] : memref<4096xi32, #tpu.memory_space<vmem>> -> memref<16xi32, #tpu.memory_space<vmem>>
          %dma_wait3A_689 = arith.constant 0 : i32
          %dma_wait3A_690 = tpu.memref_slice %arg10[%dma_wait3A_689] : memref<4096xi32, #tpu.memory_space<vmem>> -> memref<16xi32, #tpu.memory_space<vmem>>
          tpu.wait_dma2 semaphore(%run_scoped3A : memref<!tpu.dma_semaphore, #tpu.memory_space<semaphore_mem>>) src(%dma_wait3A_690 : memref<16xi32, #tpu.memory_space<vmem>>) dst(%arg16 : memref<16xi32, #tpu.memory_space<vmem_shared>>)
          tpu.yield
        }) : () -> ()
        "tpu.region"() ({
          %run_scoped3A = tpu.sem_alloc : memref<!tpu.dma_semaphore, #tpu.memory_space<semaphore_mem>>
          %dma_start3A_683 = arith.constant 0 : i32
          %dma_start3A_684 = tpu.memref_slice %arg10[%dma_start3A_683] : memref<4096xi32, #tpu.memory_space<vmem>> -> memref<16xi32, #tpu.memory_space<vmem>>
          %dma_start3A_685 = arith.constant 0 : i32
          %dma_start3A_686 = tpu.memref_slice %arg10[%dma_start3A_685] : memref<4096xi32, #tpu.memory_space<vmem>> -> memref<16xi32, #tpu.memory_space<vmem>>
          tpu.enqueue_dma source(%dma_start3A_686 : memref<16xi32, #tpu.memory_space<vmem>>) target(%arg17 : memref<16xi32, #tpu.memory_space<vmem_shared>>) target_semaphore(%run_scoped3A : memref<!tpu.dma_semaphore, #tpu.memory_space<semaphore_mem>>)
          %dma_wait3A_687 = arith.constant 0 : i32
          %dma_wait3A_688 = tpu.memref_slice %arg10[%dma_wait3A_687] : memref<4096xi32, #tpu.memory_space<vmem>> -> memref<16xi32, #tpu.memory_space<vmem>>
          %dma_wait3A_689 = arith.constant 0 : i32
          %dma_wait3A_690 = tpu.memref_slice %arg10[%dma_wait3A_689] : memref<4096xi32, #tpu.memory_space<vmem>> -> memref<16xi32, #tpu.memory_space<vmem>>
          tpu.wait_dma2 semaphore(%run_scoped3A : memref<!tpu.dma_semaphore, #tpu.memory_space<semaphore_mem>>) src(%dma_wait3A_690 : memref<16xi32, #tpu.memory_space<vmem>>) dst(%arg17 : memref<16xi32, #tpu.memory_space<vmem_shared>>)
          tpu.yield
        }) : () -> ()
        "tpu.region"() ({
          %run_scoped3A = tpu.sem_alloc : memref<!tpu.dma_semaphore, #tpu.memory_space<semaphore_mem>>
          %dma_start3A_683 = arith.constant 0 : i32
          %dma_start3A_684 = tpu.memref_slice %arg10[%dma_start3A_683] : memref<4096xi32, #tpu.memory_space<vmem>> -> memref<16xi32, #tpu.memory_space<vmem>>
          %dma_start3A_685 = arith.constant 0 : i32
          %dma_start3A_686 = tpu.memref_slice %arg10[%dma_start3A_685] : memref<4096xi32, #tpu.memory_space<vmem>> -> memref<16xi32, #tpu.memory_space<vmem>>
          tpu.enqueue_dma source(%dma_start3A_686 : memref<16xi32, #tpu.memory_space<vmem>>) target(%arg18 : memref<16xi32, #tpu.memory_space<vmem_shared>>) target_semaphore(%run_scoped3A : memref<!tpu.dma_semaphore, #tpu.memory_space<semaphore_mem>>)
          %dma_wait3A_687 = arith.constant 0 : i32
          %dma_wait3A_688 = tpu.memref_slice %arg10[%dma_wait3A_687] : memref<4096xi32, #tpu.memory_space<vmem>> -> memref<16xi32, #tpu.memory_space<vmem>>
          %dma_wait3A_689 = arith.constant 0 : i32
          %dma_wait3A_690 = tpu.memref_slice %arg10[%dma_wait3A_689] : memref<4096xi32, #tpu.memory_space<vmem>> -> memref<16xi32, #tpu.memory_space<vmem>>
          tpu.wait_dma2 semaphore(%run_scoped3A : memref<!tpu.dma_semaphore, #tpu.memory_space<semaphore_mem>>) src(%dma_wait3A_690 : memref<16xi32, #tpu.memory_space<vmem>>) dst(%arg18 : memref<16xi32, #tpu.memory_space<vmem_shared>>)
          tpu.yield
        }) : () -> ()
        "tpu.region"() ({
          %run_scoped3A = tpu.sem_alloc : memref<!tpu.dma_semaphore, #tpu.memory_space<semaphore_mem>>
          %dma_start3A_683 = arith.constant 0 : i32
          %dma_start3A_684 = tpu.memref_slice %arg10[%dma_start3A_683] : memref<4096xi32, #tpu.memory_space<vmem>> -> memref<16xi32, #tpu.memory_space<vmem>>
          %dma_start3A_685 = arith.constant 0 : i32
          %dma_start3A_686 = tpu.memref_slice %arg10[%dma_start3A_685] : memref<4096xi32, #tpu.memory_space<vmem>> -> memref<16xi32, #tpu.memory_space<vmem>>
          tpu.enqueue_dma source(%dma_start3A_686 : memref<16xi32, #tpu.memory_space<vmem>>) target(%arg19 : memref<16xi32, #tpu.memory_space<vmem_shared>>) target_semaphore(%run_scoped3A : memref<!tpu.dma_semaphore, #tpu.memory_space<semaphore_mem>>)
          %dma_wait3A_687 = arith.constant 0 : i32
          %dma_wait3A_688 = tpu.memref_slice %arg10[%dma_wait3A_687] : memref<4096xi32, #tpu.memory_space<vmem>> -> memref<16xi32, #tpu.memory_space<vmem>>
          %dma_wait3A_689 = arith.constant 0 : i32
          %dma_wait3A_690 = tpu.memref_slice %arg10[%dma_wait3A_689] : memref<4096xi32, #tpu.memory_space<vmem>> -> memref<16xi32, #tpu.memory_space<vmem>>
          tpu.wait_dma2 semaphore(%run_scoped3A : memref<!tpu.dma_semaphore, #tpu.memory_space<semaphore_mem>>) src(%dma_wait3A_690 : memref<16xi32, #tpu.memory_space<vmem>>) dst(%arg19 : memref<16xi32, #tpu.memory_space<vmem_shared>>)
          tpu.yield
        }) : () -> ()
      } else {
      }
      %dma_wait3A = tpu.memref_slice %arg2[%mul3A_2] : memref<262144xf32, #tpu.memory_space<hbm>> -> memref<16384xf32, #tpu.memory_space<hbm>>
      %dma_wait3A_68 = tpu.memref_slice %arg2[%mul3A_2] : memref<262144xf32, #tpu.memory_space<hbm>> -> memref<16384xf32, #tpu.memory_space<hbm>>
      tpu.wait_dma2 semaphore(%arg20 : memref<!tpu.dma_semaphore, #tpu.memory_space<semaphore_mem>>) src(%dma_wait3A_68 : memref<16384xf32, #tpu.memory_space<hbm>>) dst(%arg5 : memref<16384xf32, #tpu.memory_space<vmem>>)
      %barrier3A = arith.constant 0 : index
      tpu.barrier barrier_id(%barrier3A)
      %jit3A_69 = arith.constant 8 : i32
      %eq3A_70 = arith.constant 0 : i32
      %eq3A_71 = arith.cmpi eq, %jit3A_69, %eq3A_70 : i32
      %jit3A_72 = arith.constant 1 : i32
      %select_n3A_73 = arith.select %eq3A_71, %jit3A_72, %jit3A_69 : i32
      %rem3A_74 = arith.remsi %arg1, %select_n3A_73 : i32
      %ne3A_75 = arith.constant 0 : i32
      %ne3A_76 = arith.cmpi ne, %rem3A_74, %ne3A_75 : i32
      %lt3A_77 = arith.constant 0 : i32
      %lt3A_78 = arith.cmpi slt, %rem3A_74, %lt3A_77 : i32
      %lt3A_79 = arith.constant 0 : i32
      %lt3A_80 = arith.cmpi slt, %select_n3A_73, %lt3A_79 : i32
      %ne3A_81 = arith.xori %lt3A_78, %lt3A_80 : i1
      %and3A_82 = arith.andi %ne3A_81, %ne3A_76 : i1
      %add3A_83 = arith.addi %rem3A_74, %select_n3A_73 : i32
      %select_n3A_84 = arith.select %and3A_82, %add3A_83, %rem3A_74 : i32
      %mul3A_85 = arith.constant 65544 : i32
      %mul3A_86 = arith.muli %select_n3A_84, %mul3A_85 : i32
      %parallel_loop3A_87 = arith.constant 0 : i32
      %parallel_loop3A_88 = arith.constant 1024 : i32
      %parallel_loop3A_89 = arith.constant 1 : i32
      scf.for %parallel_loop3A_683 = %parallel_loop3A_87 to %parallel_loop3A_88 step %parallel_loop3A_89  : i32 {
        %parallel_loop3A_684 = arith.constant 16 : i32
        %parallel_loop3A_685 = arith.muli %parallel_loop3A_683, %parallel_loop3A_684 : i32
        %parallel_loop3A_686 = arith.index_cast %parallel_loop3A_685 : i32 to index
        %parallel_loop3A_687 = tpu.vector_load %arg5[%parallel_loop3A_686] {strides = array<i32>} : memref<16384xf32, #tpu.memory_space<vmem>>, vector<16xf32>,
        %parallel_loop3A_688 = vector.shape_cast %parallel_loop3A_687 : vector<16xf32> to vector<16xf32>
        %parallel_loop3A_689 = tpu.bitcast %parallel_loop3A_688 : vector<16xf32> -> vector<16xi32>
        %parallel_loop3A_690 = arith.constant 0 : i32
        %parallel_loop3A_691 = vector.broadcast %parallel_loop3A_690 : i32 to vector<16xi32>
        %parallel_loop3A_692 = arith.cmpi slt, %parallel_loop3A_689, %parallel_loop3A_691 : vector<16xi32>
        %parallel_loop3A_693 = arith.constant -1 : i32
        %parallel_loop3A_694 = arith.constant -2147483648 : i32
        %parallel_loop3A_695 = vector.broadcast %parallel_loop3A_693 : i32 to vector<16xi32>
        %parallel_loop3A_696 = vector.broadcast %parallel_loop3A_694 : i32 to vector<16xi32>
        %parallel_loop3A_697 = arith.select %parallel_loop3A_692, %parallel_loop3A_695, %parallel_loop3A_696 : vector<16xi1>, vector<16xi32>
        %parallel_loop3A_698 = arith.xori %parallel_loop3A_689, %parallel_loop3A_697 : vector<16xi32>
        %parallel_loop3A_699 = arith.constant 16 : i32
        %parallel_loop3A_700 = vector.broadcast %parallel_loop3A_699 : i32 to vector<16xi32>
        %parallel_loop3A_701 = arith.shrui %parallel_loop3A_698, %parallel_loop3A_700 : vector<16xi32>
        %parallel_loop3A_702 = vector.broadcast %mul3A_86 : i32 to vector<16xi32>
        %parallel_loop3A_703 = arith.addi %parallel_loop3A_701, %parallel_loop3A_702 : vector<16xi32>
        %parallel_loop3A_704 = arith.constant 16 : i32
        %parallel_loop3A_705 = arith.muli %parallel_loop3A_683, %parallel_loop3A_704 : i32
        %parallel_loop3A_706 = arith.index_cast %parallel_loop3A_705 : i32 to index
        %parallel_loop3A_707 = tpu.vector_load %arg6[%parallel_loop3A_706] {strides = array<i32>} : memref<16384xi32, #tpu.memory_space<vmem>>, vector<16xi32>,
        %parallel_loop3A_708 = vector.shape_cast %parallel_loop3A_707 : vector<16xi32> to vector<16xi32>
        %parallel_loop3A_709 = vector.shape_cast %parallel_loop3A_703 : vector<16xi32> to vector<16xi32>
        tpu.vector_store %arg6[%parallel_loop3A_706], %parallel_loop3A_709 {strides = array<i32>} : memref<16384xi32, #tpu.memory_space<vmem>>, vector<16xi32>,
      } {sc.loop_unroll_factor = 8 : i64, sc.parallel_access}
      "tpu.region"() ({
        %run_scoped3A = tpu.sem_alloc : memref<!tpu.dma_semaphore, #tpu.memory_space<semaphore_mem>>
        %dma_start3A_683 = arith.constant 0 : i32
        %dma_start3A_684 = tpu.memref_slice %arg15[%dma_start3A_683] : memref<524352xi32, #tpu.memory_space<vmem_shared>> -> memref<524352xi32, #tpu.memory_space<vmem_shared>>
        tpu.enqueue_indirect_dma source(%arg7 : memref<16384xi32, #tpu.memory_space<vmem>>) target(%dma_start3A_684 : memref<524352xi32, #tpu.memory_space<vmem_shared>>) offsets(%arg6 : memref<16384xi32, #tpu.memory_space<vmem>>) semaphore(%run_scoped3A : memref<!tpu.dma_semaphore, #tpu.memory_space<semaphore_mem>>) {add = true}
        %dma_wait3A_685 = arith.constant 0 : i32
        %dma_wait3A_686 = tpu.memref_slice %arg15[%dma_wait3A_685] : memref<524352xi32, #tpu.memory_space<vmem_shared>> -> memref<524352xi32, #tpu.memory_space<vmem_shared>>
        tpu.wait_indirect_dma semaphore(%run_scoped3A : memref<!tpu.dma_semaphore, #tpu.memory_space<semaphore_mem>>) src(%arg7 : memref<16384xi32, #tpu.memory_space<vmem>>) dst(%dma_wait3A_686 : memref<524352xi32, #tpu.memory_space<vmem_shared>>)
        tpu.yield
      }) : () -> ()
      %barrier3A_90 = arith.constant 0 : index
      tpu.barrier barrier_id(%barrier3A_90)
      %mul3A_91 = arith.constant 4096 : i32
      %mul3A_92 = arith.muli %arg1, %mul3A_91 : i32
      "tpu.region"() ({
        %run_scoped3A = tpu.sem_alloc : memref<!tpu.dma_semaphore, #tpu.memory_space<semaphore_mem>>
        %dma_start3A_683 = tpu.memref_slice %arg15[%mul3A_92] : memref<524352xi32, #tpu.memory_space<vmem_shared>> -> memref<4096xi32, #tpu.memory_space<vmem_shared>>
        %dma_start3A_684 = tpu.memref_slice %arg15[%mul3A_92] : memref<524352xi32, #tpu.memory_space<vmem_shared>> -> memref<4096xi32, #tpu.memory_space<vmem_shared>>
        tpu.enqueue_dma source(%dma_start3A_684 : memref<4096xi32, #tpu.memory_space<vmem_shared>>) target(%arg8 : memref<4096xi32, #tpu.memory_space<vmem>>) target_semaphore(%run_scoped3A : memref<!tpu.dma_semaphore, #tpu.memory_space<semaphore_mem>>)
        %dma_wait3A_685 = tpu.memref_slice %arg15[%mul3A_92] : memref<524352xi32, #tpu.memory_space<vmem_shared>> -> memref<4096xi32, #tpu.memory_space<vmem_shared>>
        %dma_wait3A_686 = tpu.memref_slice %arg15[%mul3A_92] : memref<524352xi32, #tpu.memory_space<vmem_shared>> -> memref<4096xi32, #tpu.memory_space<vmem_shared>>
        tpu.wait_dma2 semaphore(%run_scoped3A : memref<!tpu.dma_semaphore, #tpu.memory_space<semaphore_mem>>) src(%dma_wait3A_686 : memref<4096xi32, #tpu.memory_space<vmem_shared>>) dst(%arg8 : memref<4096xi32, #tpu.memory_space<vmem>>)
        tpu.yield
      }) : () -> ()
      %scan3A = arith.constant 0 : i32
      %scan3A_93 = arith.constant 1 : i32
      %scan3A_94 = arith.constant 7 : i32
      %scan3A_95 = arith.addi %scan3A_93, %scan3A_94 : i32
      %scan3A_96 = arith.constant 1 : i32
      %scan3A_97 = scf.for %scan3A_683 = %scan3A_93 to %scan3A_95 step %scan3A_96 iter_args(%scan3A_684 = %scan3A) -> (i32)  : i32 {
        %mul3A_685 = arith.constant 65544 : i32
        %mul3A_686 = arith.muli %scan3A_683, %mul3A_685 : i32
        %mul3A_687 = arith.constant 4096 : i32
        %mul3A_688 = arith.muli %arg1, %mul3A_687 : i32
        %add3A_689 = arith.addi %mul3A_686, %mul3A_688 : i32
        "tpu.region"() ({
          %run_scoped3A = tpu.sem_alloc : memref<!tpu.dma_semaphore, #tpu.memory_space<semaphore_mem>>
          %dma_start3A_694 = tpu.memref_slice %arg15[%add3A_689] : memref<524352xi32, #tpu.memory_space<vmem_shared>> -> memref<4096xi32, #tpu.memory_space<vmem_shared>>
          %dma_start3A_695 = tpu.memref_slice %arg15[%add3A_689] : memref<524352xi32, #tpu.memory_space<vmem_shared>> -> memref<4096xi32, #tpu.memory_space<vmem_shared>>
          tpu.enqueue_dma source(%dma_start3A_695 : memref<4096xi32, #tpu.memory_space<vmem_shared>>) target(%arg9 : memref<4096xi32, #tpu.memory_space<vmem>>) target_semaphore(%run_scoped3A : memref<!tpu.dma_semaphore, #tpu.memory_space<semaphore_mem>>)
          %dma_wait3A_696 = tpu.memref_slice %arg15[%add3A_689] : memref<524352xi32, #tpu.memory_space<vmem_shared>> -> memref<4096xi32, #tpu.memory_space<vmem_shared>>
          %dma_wait3A_697 = tpu.memref_slice %arg15[%add3A_689] : memref<524352xi32, #tpu.memory_space<vmem_shared>> -> memref<4096xi32, #tpu.memory_space<vmem_shared>>
          tpu.wait_dma2 semaphore(%run_scoped3A : memref<!tpu.dma_semaphore, #tpu.memory_space<semaphore_mem>>) src(%dma_wait3A_697 : memref<4096xi32, #tpu.memory_space<vmem_shared>>) dst(%arg9 : memref<4096xi32, #tpu.memory_space<vmem>>)
          tpu.yield
        }) : () -> ()
        %parallel_loop3A_690 = arith.constant 0 : i32
        %parallel_loop3A_691 = arith.constant 256 : i32
        %parallel_loop3A_692 = arith.constant 1 : i32
        scf.for %parallel_loop3A_694 = %parallel_loop3A_690 to %parallel_loop3A_691 step %parallel_loop3A_692  : i32 {
          %parallel_loop3A_695 = arith.constant 16 : i32
          %parallel_loop3A_696 = arith.muli %parallel_loop3A_694, %parallel_loop3A_695 : i32
          %parallel_loop3A_697 = arith.index_cast %parallel_loop3A_696 : i32 to index
          %parallel_loop3A_698 = tpu.vector_load %arg8[%parallel_loop3A_697] {strides = array<i32>} : memref<4096xi32, #tpu.memory_space<vmem>>, vector<16xi32>,
          %parallel_loop3A_699 = vector.shape_cast %parallel_loop3A_698 : vector<16xi32> to vector<16xi32>
          %parallel_loop3A_700 = arith.constant 16 : i32
          %parallel_loop3A_701 = arith.muli %parallel_loop3A_694, %parallel_loop3A_700 : i32
          %parallel_loop3A_702 = arith.index_cast %parallel_loop3A_701 : i32 to index
          %parallel_loop3A_703 = tpu.vector_load %arg9[%parallel_loop3A_702] {strides = array<i32>} : memref<4096xi32, #tpu.memory_space<vmem>>, vector<16xi32>,
          %parallel_loop3A_704 = vector.shape_cast %parallel_loop3A_703 : vector<16xi32> to vector<16xi32>
          %parallel_loop3A_705 = arith.addi %parallel_loop3A_699, %parallel_loop3A_704 : vector<16xi32>
          %parallel_loop3A_706 = arith.constant 16 : i32
          %parallel_loop3A_707 = arith.muli %parallel_loop3A_694, %parallel_loop3A_706 : i32
          %parallel_loop3A_708 = arith.index_cast %parallel_loop3A_707 : i32 to index
          %parallel_loop3A_709 = tpu.vector_load %arg8[%parallel_loop3A_708] {strides = array<i32>} : memref<4096xi32, #tpu.memory_space<vmem>>, vector<16xi32>,
          %parallel_loop3A_710 = vector.shape_cast %parallel_loop3A_709 : vector<16xi32> to vector<16xi32>
          %parallel_loop3A_711 = vector.shape_cast %parallel_loop3A_705 : vector<16xi32> to vector<16xi32>
          tpu.vector_store %arg8[%parallel_loop3A_708], %parallel_loop3A_711 {strides = array<i32>} : memref<4096xi32, #tpu.memory_space<vmem>>, vector<16xi32>,
        } {sc.loop_unroll_factor = 8 : i64, sc.parallel_access}
        %scan3A_693 = arith.constant 0 : i32
        scf.yield %scan3A_693 : i32
      }
      %scan3A_98 = arith.constant 7 : i32
      %broadcast_in_dim3A = arith.constant 0 : i32
      %broadcast_in_dim3A_99 = vector.broadcast %broadcast_in_dim3A : i32 to vector<16xi32>
      %scan3A_100 = arith.constant 0 : i32
      %scan3A_101 = arith.constant 256 : i32
      %scan3A_102 = arith.addi %scan3A_100, %scan3A_101 : i32
      %scan3A_103 = arith.constant 1 : i32
      %scan3A_104 = scf.for %scan3A_683 = %scan3A_100 to %scan3A_102 step %scan3A_103 iter_args(%scan3A_684 = %broadcast_in_dim3A_99) -> (vector<16xi32>)  : i32 {
        %mul3A_685 = arith.constant 16 : i32
        %mul3A_686 = arith.muli %scan3A_683, %mul3A_685 : i32
        %get3A_687 = arith.index_cast %mul3A_686 : i32 to index
        %get3A_688 = tpu.vector_load %arg8[%get3A_687] {strides = array<i32>} : memref<4096xi32, #tpu.memory_space<vmem>>, vector<16xi32>,
        %get3A_689 = vector.shape_cast %get3A_688 : vector<16xi32> to vector<16xi32>
        %add3A_690 = arith.addi %scan3A_684, %get3A_689 : vector<16xi32>
        scf.yield %add3A_690 : vector<16xi32>
      }
      %scan3A_105 = arith.constant 256 : i32
      %iota3A_106 = tpu.iota {dimensions = array<i32: 0>} : vector<16xi32>
      %xor3A = arith.constant 8 : i32
      %xor3A_107 = vector.broadcast %xor3A : i32 to vector<16xi32>
      %xor3A_108 = arith.xori %iota3A_106, %xor3A_107 : vector<16xi32>
      %lt3A_109 = arith.constant 0 : i32
      %lt3A_110 = vector.broadcast %lt3A_109 : i32 to vector<16xi32>
      %lt3A_111 = arith.cmpi slt, %xor3A_108, %lt3A_110 : vector<16xi32>
      %add3A_112 = arith.constant 16 : i32
      %add3A_113 = vector.broadcast %add3A_112 : i32 to vector<16xi32>
      %add3A_114 = arith.addi %xor3A_108, %add3A_113 : vector<16xi32>
      %select_n3A_115 = arith.select %lt3A_111, %add3A_114, %xor3A_108 : vector<16xi1>, vector<16xi32>
      %broadcast_in_dim3A_116 = vector.shape_cast %select_n3A_115 : vector<16xi32> to vector<16x1xi32>
      %gather3A = vector.shape_cast %broadcast_in_dim3A_116 : vector<16x1xi32> to vector<16xi32>
      %gather3A_117 = tpu.dynamic_gather %scan3A_104[%gather3A] in [0] : vector<16xi32>, vector<16xi32> -> vector<16xi32>
      %add3A_118 = arith.addi %scan3A_104, %gather3A_117 : vector<16xi32>
      %xor3A_119 = arith.constant 4 : i32
      %xor3A_120 = vector.broadcast %xor3A_119 : i32 to vector<16xi32>
      %xor3A_121 = arith.xori %iota3A_106, %xor3A_120 : vector<16xi32>
      %lt3A_122 = arith.constant 0 : i32
      %lt3A_123 = vector.broadcast %lt3A_122 : i32 to vector<16xi32>
      %lt3A_124 = arith.cmpi slt, %xor3A_121, %lt3A_123 : vector<16xi32>
      %add3A_125 = arith.constant 16 : i32
      %add3A_126 = vector.broadcast %add3A_125 : i32 to vector<16xi32>
      %add3A_127 = arith.addi %xor3A_121, %add3A_126 : vector<16xi32>
      %select_n3A_128 = arith.select %lt3A_124, %add3A_127, %xor3A_121 : vector<16xi1>, vector<16xi32>
      %broadcast_in_dim3A_129 = vector.shape_cast %select_n3A_128 : vector<16xi32> to vector<16x1xi32>
      %gather3A_130 = vector.shape_cast %broadcast_in_dim3A_129 : vector<16x1xi32> to vector<16xi32>
      %gather3A_131 = tpu.dynamic_gather %add3A_118[%gather3A_130] in [0] : vector<16xi32>, vector<16xi32> -> vector<16xi32>
      %add3A_132 = arith.addi %add3A_118, %gather3A_131 : vector<16xi32>
      %xor3A_133 = arith.constant 2 : i32
      %xor3A_134 = vector.broadcast %xor3A_133 : i32 to vector<16xi32>
      %xor3A_135 = arith.xori %iota3A_106, %xor3A_134 : vector<16xi32>
      %lt3A_136 = arith.constant 0 : i32
      %lt3A_137 = vector.broadcast %lt3A_136 : i32 to vector<16xi32>
      %lt3A_138 = arith.cmpi slt, %xor3A_135, %lt3A_137 : vector<16xi32>
      %add3A_139 = arith.constant 16 : i32
      %add3A_140 = vector.broadcast %add3A_139 : i32 to vector<16xi32>
      %add3A_141 = arith.addi %xor3A_135, %add3A_140 : vector<16xi32>
      %select_n3A_142 = arith.select %lt3A_138, %add3A_141, %xor3A_135 : vector<16xi1>, vector<16xi32>
      %broadcast_in_dim3A_143 = vector.shape_cast %select_n3A_142 : vector<16xi32> to vector<16x1xi32>
      %gather3A_144 = vector.shape_cast %broadcast_in_dim3A_143 : vector<16x1xi32> to vector<16xi32>
      %gather3A_145 = tpu.dynamic_gather %add3A_132[%gather3A_144] in [0] : vector<16xi32>, vector<16xi32> -> vector<16xi32>
      %add3A_146 = arith.addi %add3A_132, %gather3A_145 : vector<16xi32>
      %xor3A_147 = arith.constant 1 : i32
      %xor3A_148 = vector.broadcast %xor3A_147 : i32 to vector<16xi32>
      %xor3A_149 = arith.xori %iota3A_106, %xor3A_148 : vector<16xi32>
      %lt3A_150 = arith.constant 0 : i32
      %lt3A_151 = vector.broadcast %lt3A_150 : i32 to vector<16xi32>
      %lt3A_152 = arith.cmpi slt, %xor3A_149, %lt3A_151 : vector<16xi32>
      %add3A_153 = arith.constant 16 : i32
      %add3A_154 = vector.broadcast %add3A_153 : i32 to vector<16xi32>
      %add3A_155 = arith.addi %xor3A_149, %add3A_154 : vector<16xi32>
      %select_n3A_156 = arith.select %lt3A_152, %add3A_155, %xor3A_149 : vector<16xi1>, vector<16xi32>
      %broadcast_in_dim3A_157 = vector.shape_cast %select_n3A_156 : vector<16xi32> to vector<16x1xi32>
      %gather3A_158 = vector.shape_cast %broadcast_in_dim3A_157 : vector<16x1xi32> to vector<16xi32>
      %gather3A_159 = tpu.dynamic_gather %add3A_146[%gather3A_158] in [0] : vector<16xi32>, vector<16xi32> -> vector<16xi32>
      %add3A_160 = arith.addi %add3A_146, %gather3A_159 : vector<16xi32>
      %eq3A_161 = vector.broadcast %arg1 : i32 to vector<16xi32>
      %eq3A_162 = arith.cmpi eq, %iota3A, %eq3A_161 : vector<16xi32>
      %jit3A_163 = arith.constant 0 : i32
      %broadcast_in_dim3A_164 = vector.broadcast %jit3A_163 : i32 to vector<16xi32>
      %select_n3A_165 = arith.select %eq3A_162, %add3A_160, %broadcast_in_dim3A_164 : vector<16xi1>, vector<16xi32>
      %swap3A_166 = arith.constant 0 : index
      %swap3A_167 = tpu.vector_load %arg11[%swap3A_166] {strides = array<i32>} : memref<16xi32, #tpu.memory_space<vmem>>, vector<16xi32>,
      %swap3A_168 = vector.shape_cast %swap3A_167 : vector<16xi32> to vector<16xi32>
      %swap3A_169 = vector.shape_cast %select_n3A_165 : vector<16xi32> to vector<16xi32>
      tpu.vector_store %arg11[%swap3A_166], %swap3A_169 {strides = array<i32>} : memref<16xi32, #tpu.memory_space<vmem>>, vector<16xi32>,
      "tpu.region"() ({
        %run_scoped3A = tpu.sem_alloc : memref<!tpu.dma_semaphore, #tpu.memory_space<semaphore_mem>>
        %dma_start3A_683 = arith.constant 0 : i32
        %dma_start3A_684 = tpu.memref_slice %arg16[%dma_start3A_683] : memref<16xi32, #tpu.memory_space<vmem_shared>> -> memref<16xi32, #tpu.memory_space<vmem_shared>>
        tpu.enqueue_indirect_dma source(%arg11 : memref<16xi32, #tpu.memory_space<vmem>>) target(%dma_start3A_684 : memref<16xi32, #tpu.memory_space<vmem_shared>>) offsets(%arg13 : memref<16xi32, #tpu.memory_space<vmem>>) semaphore(%run_scoped3A : memref<!tpu.dma_semaphore, #tpu.memory_space<semaphore_mem>>) {add = true}
        %dma_wait3A_685 = arith.constant 0 : i32
        %dma_wait3A_686 = tpu.memref_slice %arg16[%dma_wait3A_685] : memref<16xi32, #tpu.memory_space<vmem_shared>> -> memref<16xi32, #tpu.memory_space<vmem_shared>>
        tpu.wait_indirect_dma semaphore(%run_scoped3A : memref<!tpu.dma_semaphore, #tpu.memory_space<semaphore_mem>>) src(%arg11 : memref<16xi32, #tpu.memory_space<vmem>>) dst(%dma_wait3A_686 : memref<16xi32, #tpu.memory_space<vmem_shared>>)
        tpu.yield
      }) : () -> ()
      %barrier3A_170 = arith.constant 0 : index
      tpu.barrier barrier_id(%barrier3A_170)
      "tpu.region"() ({
        %run_scoped3A = tpu.sem_alloc : memref<!tpu.dma_semaphore, #tpu.memory_space<semaphore_mem>>
        tpu.enqueue_dma source(%arg16 : memref<16xi32, #tpu.memory_space<vmem_shared>>) target(%arg12 : memref<16xi32, #tpu.memory_space<vmem>>) target_semaphore(%run_scoped3A : memref<!tpu.dma_semaphore, #tpu.memory_space<semaphore_mem>>)
        tpu.wait_dma2 semaphore(%run_scoped3A : memref<!tpu.dma_semaphore, #tpu.memory_space<semaphore_mem>>) src(%arg16 : memref<16xi32, #tpu.memory_space<vmem_shared>>) dst(%arg12 : memref<16xi32, #tpu.memory_space<vmem>>)
        tpu.yield
      }) : () -> ()
      %get3A = arith.constant 0 : index
      %get3A_171 = tpu.vector_load %arg12[%get3A] {strides = array<i32>} : memref<16xi32, #tpu.memory_space<vmem>>, vector<16xi32>,
      %get3A_172 = vector.shape_cast %get3A_171 : vector<16xi32> to vector<16xi32>
      %gt3A = vector.broadcast %arg1 : i32 to vector<16xi32>
      %gt3A_173 = arith.cmpi sgt, %iota3A, %gt3A : vector<16xi32>
      %jit3A_174 = arith.constant 0 : i32
      %broadcast_in_dim3A_175 = vector.broadcast %jit3A_174 : i32 to vector<16xi32>
      %select_n3A_176 = arith.select %gt3A_173, %get3A_172, %broadcast_in_dim3A_175 : vector<16xi1>, vector<16xi32>
      %iota3A_177 = tpu.iota {dimensions = array<i32: 0>} : vector<16xi32>
      %xor3A_178 = arith.constant 8 : i32
      %xor3A_179 = vector.broadcast %xor3A_178 : i32 to vector<16xi32>
      %xor3A_180 = arith.xori %iota3A_177, %xor3A_179 : vector<16xi32>
      %lt3A_181 = arith.constant 0 : i32
      %lt3A_182 = vector.broadcast %lt3A_181 : i32 to vector<16xi32>
      %lt3A_183 = arith.cmpi slt, %xor3A_180, %lt3A_182 : vector<16xi32>
      %add3A_184 = arith.constant 16 : i32
      %add3A_185 = vector.broadcast %add3A_184 : i32 to vector<16xi32>
      %add3A_186 = arith.addi %xor3A_180, %add3A_185 : vector<16xi32>
      %select_n3A_187 = arith.select %lt3A_183, %add3A_186, %xor3A_180 : vector<16xi1>, vector<16xi32>
      %broadcast_in_dim3A_188 = vector.shape_cast %select_n3A_187 : vector<16xi32> to vector<16x1xi32>
      %gather3A_189 = vector.shape_cast %broadcast_in_dim3A_188 : vector<16x1xi32> to vector<16xi32>
      %gather3A_190 = tpu.dynamic_gather %select_n3A_176[%gather3A_189] in [0] : vector<16xi32>, vector<16xi32> -> vector<16xi32>
      %add3A_191 = arith.addi %select_n3A_176, %gather3A_190 : vector<16xi32>
      %xor3A_192 = arith.constant 4 : i32
      %xor3A_193 = vector.broadcast %xor3A_192 : i32 to vector<16xi32>
      %xor3A_194 = arith.xori %iota3A_177, %xor3A_193 : vector<16xi32>
      %lt3A_195 = arith.constant 0 : i32
      %lt3A_196 = vector.broadcast %lt3A_195 : i32 to vector<16xi32>
      %lt3A_197 = arith.cmpi slt, %xor3A_194, %lt3A_196 : vector<16xi32>
      %add3A_198 = arith.constant 16 : i32
      %add3A_199 = vector.broadcast %add3A_198 : i32 to vector<16xi32>
      %add3A_200 = arith.addi %xor3A_194, %add3A_199 : vector<16xi32>
      %select_n3A_201 = arith.select %lt3A_197, %add3A_200, %xor3A_194 : vector<16xi1>, vector<16xi32>
      %broadcast_in_dim3A_202 = vector.shape_cast %select_n3A_201 : vector<16xi32> to vector<16x1xi32>
      %gather3A_203 = vector.shape_cast %broadcast_in_dim3A_202 : vector<16x1xi32> to vector<16xi32>
      %gather3A_204 = tpu.dynamic_gather %add3A_191[%gather3A_203] in [0] : vector<16xi32>, vector<16xi32> -> vector<16xi32>
      %add3A_205 = arith.addi %add3A_191, %gather3A_204 : vector<16xi32>
      %xor3A_206 = arith.constant 2 : i32
      %xor3A_207 = vector.broadcast %xor3A_206 : i32 to vector<16xi32>
      %xor3A_208 = arith.xori %iota3A_177, %xor3A_207 : vector<16xi32>
      %lt3A_209 = arith.constant 0 : i32
      %lt3A_210 = vector.broadcast %lt3A_209 : i32 to vector<16xi32>
      %lt3A_211 = arith.cmpi slt, %xor3A_208, %lt3A_210 : vector<16xi32>
      %add3A_212 = arith.constant 16 : i32
      %add3A_213 = vector.broadcast %add3A_212 : i32 to vector<16xi32>
      %add3A_214 = arith.addi %xor3A_208, %add3A_213 : vector<16xi32>
      %select_n3A_215 = arith.select %lt3A_211, %add3A_214, %xor3A_208 : vector<16xi1>, vector<16xi32>
      %broadcast_in_dim3A_216 = vector.shape_cast %select_n3A_215 : vector<16xi32> to vector<16x1xi32>
      %gather3A_217 = vector.shape_cast %broadcast_in_dim3A_216 : vector<16x1xi32> to vector<16xi32>
      %gather3A_218 = tpu.dynamic_gather %add3A_205[%gather3A_217] in [0] : vector<16xi32>, vector<16xi32> -> vector<16xi32>
      %add3A_219 = arith.addi %add3A_205, %gather3A_218 : vector<16xi32>
      %xor3A_220 = arith.constant 1 : i32
      %xor3A_221 = vector.broadcast %xor3A_220 : i32 to vector<16xi32>
      %xor3A_222 = arith.xori %iota3A_177, %xor3A_221 : vector<16xi32>
      %lt3A_223 = arith.constant 0 : i32
      %lt3A_224 = vector.broadcast %lt3A_223 : i32 to vector<16xi32>
      %lt3A_225 = arith.cmpi slt, %xor3A_222, %lt3A_224 : vector<16xi32>
      %add3A_226 = arith.constant 16 : i32
      %add3A_227 = vector.broadcast %add3A_226 : i32 to vector<16xi32>
      %add3A_228 = arith.addi %xor3A_222, %add3A_227 : vector<16xi32>
      %select_n3A_229 = arith.select %lt3A_225, %add3A_228, %xor3A_222 : vector<16xi1>, vector<16xi32>
      %broadcast_in_dim3A_230 = vector.shape_cast %select_n3A_229 : vector<16xi32> to vector<16x1xi32>
      %gather3A_231 = vector.shape_cast %broadcast_in_dim3A_230 : vector<16x1xi32> to vector<16xi32>
      %gather3A_232 = tpu.dynamic_gather %add3A_219[%gather3A_231] in [0] : vector<16xi32>, vector<16xi32> -> vector<16xi32>
      %add3A_233 = arith.addi %add3A_219, %gather3A_232 : vector<16xi32>
      %broadcast_in_dim3A_234 = arith.constant 5242 : i32
      %broadcast_in_dim3A_235 = vector.broadcast %broadcast_in_dim3A_234 : i32 to vector<16xi32>
      %mul3A_236 = arith.constant 4096 : i32
      %mul3A_237 = arith.muli %arg1, %mul3A_236 : i32
      %iota3A_238 = tpu.iota {dimensions = array<i32: 0>} : vector<16xi32>
      %broadcast_in_dim3A_239 = arith.constant 0 : i32
      %broadcast_in_dim3A_240 = vector.broadcast %broadcast_in_dim3A_239 : i32 to vector<16xi32>
      %scan3A_241 = arith.constant 0 : i32
      %scan3A_242 = arith.constant 256 : i32
      %scan3A_243 = arith.addi %scan3A_241, %scan3A_242 : i32
      %scan3A_244 = arith.constant 1 : i32
      %scan3A_245:5 = scf.for %scan3A_683 = %scan3A_241 to %scan3A_243 step %scan3A_244 iter_args(%scan3A_684 = %add3A_233, %scan3A_685 = %broadcast_in_dim3A_240, %scan3A_686 = %add3A_233, %scan3A_687 = %broadcast_in_dim3A_240, %scan3A_688 = %broadcast_in_dim3A_240) -> (vector<16xi32>, vector<16xi32>, vector<16xi32>, vector<16xi32>, vector<16xi32>)  : i32 {
        %sub3A_689 = arith.constant 255 : i32
        %sub3A_690 = arith.subi %sub3A_689, %scan3A_683 : i32
        %mul3A_691 = arith.constant 16 : i32
        %mul3A_692 = arith.muli %sub3A_690, %mul3A_691 : i32
        %get3A_693 = arith.index_cast %mul3A_692 : i32 to index
        %get3A_694 = tpu.vector_load %arg8[%get3A_693] {strides = array<i32>} : memref<4096xi32, #tpu.memory_space<vmem>>, vector<16xi32>,
        %get3A_695 = vector.shape_cast %get3A_694 : vector<16xi32> to vector<16xi32>
        %iota3A_696 = tpu.iota {dimensions = array<i32: 0>} : vector<16xi32>
        %xor3A_697 = arith.constant 8 : i32
        %xor3A_698 = vector.broadcast %xor3A_697 : i32 to vector<16xi32>
        %xor3A_699 = arith.xori %iota3A_696, %xor3A_698 : vector<16xi32>
        %lt3A_700 = arith.constant 0 : i32
        %lt3A_701 = vector.broadcast %lt3A_700 : i32 to vector<16xi32>
        %lt3A_702 = arith.cmpi slt, %xor3A_699, %lt3A_701 : vector<16xi32>
        %add3A_703 = arith.constant 16 : i32
        %add3A_704 = vector.broadcast %add3A_703 : i32 to vector<16xi32>
        %add3A_705 = arith.addi %xor3A_699, %add3A_704 : vector<16xi32>
        %select_n3A_706 = arith.select %lt3A_702, %add3A_705, %xor3A_699 : vector<16xi1>, vector<16xi32>
        %broadcast_in_dim3A_707 = vector.shape_cast %select_n3A_706 : vector<16xi32> to vector<16x1xi32>
        %gather3A_708 = vector.shape_cast %broadcast_in_dim3A_707 : vector<16x1xi32> to vector<16xi32>
        %gather3A_709 = tpu.dynamic_gather %get3A_695[%gather3A_708] in [0] : vector<16xi32>, vector<16xi32> -> vector<16xi32>
        %add3A_710 = arith.addi %get3A_695, %gather3A_709 : vector<16xi32>
        %xor3A_711 = arith.constant 4 : i32
        %xor3A_712 = vector.broadcast %xor3A_711 : i32 to vector<16xi32>
        %xor3A_713 = arith.xori %iota3A_696, %xor3A_712 : vector<16xi32>
        %lt3A_714 = arith.constant 0 : i32
        %lt3A_715 = vector.broadcast %lt3A_714 : i32 to vector<16xi32>
        %lt3A_716 = arith.cmpi slt, %xor3A_713, %lt3A_715 : vector<16xi32>
        %add3A_717 = arith.constant 16 : i32
        %add3A_718 = vector.broadcast %add3A_717 : i32 to vector<16xi32>
        %add3A_719 = arith.addi %xor3A_713, %add3A_718 : vector<16xi32>
        %select_n3A_720 = arith.select %lt3A_716, %add3A_719, %xor3A_713 : vector<16xi1>, vector<16xi32>
        %broadcast_in_dim3A_721 = vector.shape_cast %select_n3A_720 : vector<16xi32> to vector<16x1xi32>
        %gather3A_722 = vector.shape_cast %broadcast_in_dim3A_721 : vector<16x1xi32> to vector<16xi32>
        %gather3A_723 = tpu.dynamic_gather %add3A_710[%gather3A_722] in [0] : vector<16xi32>, vector<16xi32> -> vector<16xi32>
        %add3A_724 = arith.addi %add3A_710, %gather3A_723 : vector<16xi32>
        %xor3A_725 = arith.constant 2 : i32
        %xor3A_726 = vector.broadcast %xor3A_725 : i32 to vector<16xi32>
        %xor3A_727 = arith.xori %iota3A_696, %xor3A_726 : vector<16xi32>
        %lt3A_728 = arith.constant 0 : i32
        %lt3A_729 = vector.broadcast %lt3A_728 : i32 to vector<16xi32>
        %lt3A_730 = arith.cmpi slt, %xor3A_727, %lt3A_729 : vector<16xi32>
        %add3A_731 = arith.constant 16 : i32
        %add3A_732 = vector.broadcast %add3A_731 : i32 to vector<16xi32>
        %add3A_733 = arith.addi %xor3A_727, %add3A_732 : vector<16xi32>
        %select_n3A_734 = arith.select %lt3A_730, %add3A_733, %xor3A_727 : vector<16xi1>, vector<16xi32>
        %broadcast_in_dim3A_735 = vector.shape_cast %select_n3A_734 : vector<16xi32> to vector<16x1xi32>
        %gather3A_736 = vector.shape_cast %broadcast_in_dim3A_735 : vector<16x1xi32> to vector<16xi32>
        %gather3A_737 = tpu.dynamic_gather %add3A_724[%gather3A_736] in [0] : vector<16xi32>, vector<16xi32> -> vector<16xi32>
        %add3A_738 = arith.addi %add3A_724, %gather3A_737 : vector<16xi32>
        %xor3A_739 = arith.constant 1 : i32
        %xor3A_740 = vector.broadcast %xor3A_739 : i32 to vector<16xi32>
        %xor3A_741 = arith.xori %iota3A_696, %xor3A_740 : vector<16xi32>
        %lt3A_742 = arith.constant 0 : i32
        %lt3A_743 = vector.broadcast %lt3A_742 : i32 to vector<16xi32>
        %lt3A_744 = arith.cmpi slt, %xor3A_741, %lt3A_743 : vector<16xi32>
        %add3A_745 = arith.constant 16 : i32
        %add3A_746 = vector.broadcast %add3A_745 : i32 to vector<16xi32>
        %add3A_747 = arith.addi %xor3A_741, %add3A_746 : vector<16xi32>
        %select_n3A_748 = arith.select %lt3A_744, %add3A_747, %xor3A_741 : vector<16xi1>, vector<16xi32>
        %broadcast_in_dim3A_749 = vector.shape_cast %select_n3A_748 : vector<16xi32> to vector<16x1xi32>
        %gather3A_750 = vector.shape_cast %broadcast_in_dim3A_749 : vector<16x1xi32> to vector<16xi32>
        %gather3A_751 = tpu.dynamic_gather %add3A_738[%gather3A_750] in [0] : vector<16xi32>, vector<16xi32> -> vector<16xi32>
        %add3A_752 = arith.addi %add3A_738, %gather3A_751 : vector<16xi32>
        %eq3A_753 = arith.constant 0 : i32
        %eq3A_754 = vector.broadcast %eq3A_753 : i32 to vector<16xi32>
        %eq3A_755 = arith.cmpi eq, %scan3A_688, %eq3A_754 : vector<16xi32>
        %add3A_756 = arith.addi %scan3A_684, %add3A_752 : vector<16xi32>
        %ge3A = arith.cmpi sge, %add3A_756, %broadcast_in_dim3A_235 : vector<16xi32>
        %and3A_757 = arith.andi %eq3A_755, %ge3A : vector<16xi1>
        %broadcast_in_dim3A_758 = vector.broadcast %sub3A_690 : i32 to vector<16xi32>
        %select_n3A_759 = arith.select %and3A_757, %broadcast_in_dim3A_758, %scan3A_685 : vector<16xi1>, vector<16xi32>
        %select_n3A_760 = arith.select %and3A_757, %scan3A_684, %scan3A_686 : vector<16xi1>, vector<16xi32>
        %select_n3A_761 = arith.select %and3A_757, %get3A_695, %scan3A_687 : vector<16xi1>, vector<16xi32>
        %jit3A_762 = arith.constant 1 : i32
        %broadcast_in_dim3A_763 = vector.broadcast %jit3A_762 : i32 to vector<16xi32>
        %select_n3A_764 = arith.select %and3A_757, %broadcast_in_dim3A_763, %scan3A_688 : vector<16xi1>, vector<16xi32>
        %add3A_765 = arith.addi %scan3A_684, %add3A_752 : vector<16xi32>
        scf.yield %add3A_765, %select_n3A_759, %select_n3A_760, %select_n3A_761, %select_n3A_764 : vector<16xi32>, vector<16xi32>, vector<16xi32>, vector<16xi32>, vector<16xi32>
      }
      %scan3A_246 = arith.constant 256 : i32
      %scan3A_247 = arith.constant 0 : i32
      %scan3A_248 = arith.constant 16 : i32
      %scan3A_249 = arith.addi %scan3A_247, %scan3A_248 : i32
      %scan3A_250 = arith.constant 1 : i32
      %scan3A_251:4 = scf.for %scan3A_683 = %scan3A_247 to %scan3A_249 step %scan3A_250 iter_args(%scan3A_684 = %broadcast_in_dim3A_240, %scan3A_685 = %broadcast_in_dim3A_240, %scan3A_686 = %broadcast_in_dim3A_240, %scan3A_687 = %broadcast_in_dim3A_240) -> (vector<16xi32>, vector<16xi32>, vector<16xi32>, vector<16xi32>)  : i32 {
        %sub3A_688 = arith.constant 15 : i32
        %sub3A_689 = arith.subi %sub3A_688, %scan3A_683 : i32
        %eq3A_690 = vector.broadcast %sub3A_689 : i32 to vector<16xi32>
        %eq3A_691 = arith.cmpi eq, %iota3A_238, %eq3A_690 : vector<16xi32>
        %jit3A_692 = arith.constant 0 : i32
        %broadcast_in_dim3A_693 = vector.broadcast %jit3A_692 : i32 to vector<16xi32>
        %select_n3A_694 = arith.select %eq3A_691, %scan3A_245#3, %broadcast_in_dim3A_693 : vector<16xi1>, vector<16xi32>
        %iota3A_695 = tpu.iota {dimensions = array<i32: 0>} : vector<16xi32>
        %xor3A_696 = arith.constant 8 : i32
        %xor3A_697 = vector.broadcast %xor3A_696 : i32 to vector<16xi32>
        %xor3A_698 = arith.xori %iota3A_695, %xor3A_697 : vector<16xi32>
        %lt3A_699 = arith.constant 0 : i32
        %lt3A_700 = vector.broadcast %lt3A_699 : i32 to vector<16xi32>
        %lt3A_701 = arith.cmpi slt, %xor3A_698, %lt3A_700 : vector<16xi32>
        %add3A_702 = arith.constant 16 : i32
        %add3A_703 = vector.broadcast %add3A_702 : i32 to vector<16xi32>
        %add3A_704 = arith.addi %xor3A_698, %add3A_703 : vector<16xi32>
        %select_n3A_705 = arith.select %lt3A_701, %add3A_704, %xor3A_698 : vector<16xi1>, vector<16xi32>
        %broadcast_in_dim3A_706 = vector.shape_cast %select_n3A_705 : vector<16xi32> to vector<16x1xi32>
        %gather3A_707 = vector.shape_cast %broadcast_in_dim3A_706 : vector<16x1xi32> to vector<16xi32>
        %gather3A_708 = tpu.dynamic_gather %select_n3A_694[%gather3A_707] in [0] : vector<16xi32>, vector<16xi32> -> vector<16xi32>
        %add3A_709 = arith.addi %select_n3A_694, %gather3A_708 : vector<16xi32>
        %xor3A_710 = arith.constant 4 : i32
        %xor3A_711 = vector.broadcast %xor3A_710 : i32 to vector<16xi32>
        %xor3A_712 = arith.xori %iota3A_695, %xor3A_711 : vector<16xi32>
        %lt3A_713 = arith.constant 0 : i32
        %lt3A_714 = vector.broadcast %lt3A_713 : i32 to vector<16xi32>
        %lt3A_715 = arith.cmpi slt, %xor3A_712, %lt3A_714 : vector<16xi32>
        %add3A_716 = arith.constant 16 : i32
        %add3A_717 = vector.broadcast %add3A_716 : i32 to vector<16xi32>
        %add3A_718 = arith.addi %xor3A_712, %add3A_717 : vector<16xi32>
        %select_n3A_719 = arith.select %lt3A_715, %add3A_718, %xor3A_712 : vector<16xi1>, vector<16xi32>
        %broadcast_in_dim3A_720 = vector.shape_cast %select_n3A_719 : vector<16xi32> to vector<16x1xi32>
        %gather3A_721 = vector.shape_cast %broadcast_in_dim3A_720 : vector<16x1xi32> to vector<16xi32>
        %gather3A_722 = tpu.dynamic_gather %add3A_709[%gather3A_721] in [0] : vector<16xi32>, vector<16xi32> -> vector<16xi32>
        %add3A_723 = arith.addi %add3A_709, %gather3A_722 : vector<16xi32>
        %xor3A_724 = arith.constant 2 : i32
        %xor3A_725 = vector.broadcast %xor3A_724 : i32 to vector<16xi32>
        %xor3A_726 = arith.xori %iota3A_695, %xor3A_725 : vector<16xi32>
        %lt3A_727 = arith.constant 0 : i32
        %lt3A_728 = vector.broadcast %lt3A_727 : i32 to vector<16xi32>
        %lt3A_729 = arith.cmpi slt, %xor3A_726, %lt3A_728 : vector<16xi32>
        %add3A_730 = arith.constant 16 : i32
        %add3A_731 = vector.broadcast %add3A_730 : i32 to vector<16xi32>
        %add3A_732 = arith.addi %xor3A_726, %add3A_731 : vector<16xi32>
        %select_n3A_733 = arith.select %lt3A_729, %add3A_732, %xor3A_726 : vector<16xi1>, vector<16xi32>
        %broadcast_in_dim3A_734 = vector.shape_cast %select_n3A_733 : vector<16xi32> to vector<16x1xi32>
        %gather3A_735 = vector.shape_cast %broadcast_in_dim3A_734 : vector<16x1xi32> to vector<16xi32>
        %gather3A_736 = tpu.dynamic_gather %add3A_723[%gather3A_735] in [0] : vector<16xi32>, vector<16xi32> -> vector<16xi32>
        %add3A_737 = arith.addi %add3A_723, %gather3A_736 : vector<16xi32>
        %xor3A_738 = arith.constant 1 : i32
        %xor3A_739 = vector.broadcast %xor3A_738 : i32 to vector<16xi32>
        %xor3A_740 = arith.xori %iota3A_695, %xor3A_739 : vector<16xi32>
        %lt3A_741 = arith.constant 0 : i32
        %lt3A_742 = vector.broadcast %lt3A_741 : i32 to vector<16xi32>
        %lt3A_743 = arith.cmpi slt, %xor3A_740, %lt3A_742 : vector<16xi32>
        %add3A_744 = arith.constant 16 : i32
        %add3A_745 = vector.broadcast %add3A_744 : i32 to vector<16xi32>
        %add3A_746 = arith.addi %xor3A_740, %add3A_745 : vector<16xi32>
        %select_n3A_747 = arith.select %lt3A_743, %add3A_746, %xor3A_740 : vector<16xi1>, vector<16xi32>
        %broadcast_in_dim3A_748 = vector.shape_cast %select_n3A_747 : vector<16xi32> to vector<16x1xi32>
        %gather3A_749 = vector.shape_cast %broadcast_in_dim3A_748 : vector<16x1xi32> to vector<16xi32>
        %gather3A_750 = tpu.dynamic_gather %add3A_737[%gather3A_749] in [0] : vector<16xi32>, vector<16xi32> -> vector<16xi32>
        %add3A_751 = arith.addi %add3A_737, %gather3A_750 : vector<16xi32>
        %add3A_752 = arith.addi %scan3A_684, %add3A_751 : vector<16xi32>
        %eq3A_753 = arith.constant 0 : i32
        %eq3A_754 = vector.broadcast %eq3A_753 : i32 to vector<16xi32>
        %eq3A_755 = arith.cmpi eq, %scan3A_687, %eq3A_754 : vector<16xi32>
        %add3A_756 = arith.addi %scan3A_245#2, %add3A_752 : vector<16xi32>
        %ge3A = arith.cmpi sge, %add3A_756, %broadcast_in_dim3A_235 : vector<16xi32>
        %and3A_757 = arith.andi %eq3A_755, %ge3A : vector<16xi1>
        %broadcast_in_dim3A_758 = vector.broadcast %sub3A_689 : i32 to vector<16xi32>
        %select_n3A_759 = arith.select %and3A_757, %broadcast_in_dim3A_758, %scan3A_685 : vector<16xi1>, vector<16xi32>
        %add3A_760 = arith.addi %scan3A_245#2, %add3A_752 : vector<16xi32>
        %select_n3A_761 = arith.select %and3A_757, %add3A_760, %scan3A_686 : vector<16xi1>, vector<16xi32>
        %jit3A_762 = arith.constant 1 : i32
        %broadcast_in_dim3A_763 = vector.broadcast %jit3A_762 : i32 to vector<16xi32>
        %select_n3A_764 = arith.select %and3A_757, %broadcast_in_dim3A_763, %scan3A_687 : vector<16xi1>, vector<16xi32>
        scf.yield %add3A_752, %select_n3A_759, %select_n3A_761, %select_n3A_764 : vector<16xi32>, vector<16xi32>, vector<16xi32>, vector<16xi32>
      }
      %scan3A_252 = arith.constant 16 : i32
      %eq3A_253 = arith.cmpi eq, %iota3A_238, %scan3A_251#1 : vector<16xi32>
      %jit3A_254 = arith.constant 0 : i32
      %broadcast_in_dim3A_255 = vector.broadcast %jit3A_254 : i32 to vector<16xi32>
      %select_n3A_256 = arith.select %eq3A_253, %scan3A_245#3, %broadcast_in_dim3A_255 : vector<16xi1>, vector<16xi32>
      %iota3A_257 = tpu.iota {dimensions = array<i32: 0>} : vector<16xi32>
      %xor3A_258 = arith.constant 8 : i32
      %xor3A_259 = vector.broadcast %xor3A_258 : i32 to vector<16xi32>
      %xor3A_260 = arith.xori %iota3A_257, %xor3A_259 : vector<16xi32>
      %lt3A_261 = arith.constant 0 : i32
      %lt3A_262 = vector.broadcast %lt3A_261 : i32 to vector<16xi32>
      %lt3A_263 = arith.cmpi slt, %xor3A_260, %lt3A_262 : vector<16xi32>
      %add3A_264 = arith.constant 16 : i32
      %add3A_265 = vector.broadcast %add3A_264 : i32 to vector<16xi32>
      %add3A_266 = arith.addi %xor3A_260, %add3A_265 : vector<16xi32>
      %select_n3A_267 = arith.select %lt3A_263, %add3A_266, %xor3A_260 : vector<16xi1>, vector<16xi32>
      %broadcast_in_dim3A_268 = vector.shape_cast %select_n3A_267 : vector<16xi32> to vector<16x1xi32>
      %gather3A_269 = vector.shape_cast %broadcast_in_dim3A_268 : vector<16x1xi32> to vector<16xi32>
      %gather3A_270 = tpu.dynamic_gather %select_n3A_256[%gather3A_269] in [0] : vector<16xi32>, vector<16xi32> -> vector<16xi32>
      %add3A_271 = arith.addi %select_n3A_256, %gather3A_270 : vector<16xi32>
      %xor3A_272 = arith.constant 4 : i32
      %xor3A_273 = vector.broadcast %xor3A_272 : i32 to vector<16xi32>
      %xor3A_274 = arith.xori %iota3A_257, %xor3A_273 : vector<16xi32>
      %lt3A_275 = arith.constant 0 : i32
      %lt3A_276 = vector.broadcast %lt3A_275 : i32 to vector<16xi32>
      %lt3A_277 = arith.cmpi slt, %xor3A_274, %lt3A_276 : vector<16xi32>
      %add3A_278 = arith.constant 16 : i32
      %add3A_279 = vector.broadcast %add3A_278 : i32 to vector<16xi32>
      %add3A_280 = arith.addi %xor3A_274, %add3A_279 : vector<16xi32>
      %select_n3A_281 = arith.select %lt3A_277, %add3A_280, %xor3A_274 : vector<16xi1>, vector<16xi32>
      %broadcast_in_dim3A_282 = vector.shape_cast %select_n3A_281 : vector<16xi32> to vector<16x1xi32>
      %gather3A_283 = vector.shape_cast %broadcast_in_dim3A_282 : vector<16x1xi32> to vector<16xi32>
      %gather3A_284 = tpu.dynamic_gather %add3A_271[%gather3A_283] in [0] : vector<16xi32>, vector<16xi32> -> vector<16xi32>
      %add3A_285 = arith.addi %add3A_271, %gather3A_284 : vector<16xi32>
      %xor3A_286 = arith.constant 2 : i32
      %xor3A_287 = vector.broadcast %xor3A_286 : i32 to vector<16xi32>
      %xor3A_288 = arith.xori %iota3A_257, %xor3A_287 : vector<16xi32>
      %lt3A_289 = arith.constant 0 : i32
      %lt3A_290 = vector.broadcast %lt3A_289 : i32 to vector<16xi32>
      %lt3A_291 = arith.cmpi slt, %xor3A_288, %lt3A_290 : vector<16xi32>
      %add3A_292 = arith.constant 16 : i32
      %add3A_293 = vector.broadcast %add3A_292 : i32 to vector<16xi32>
      %add3A_294 = arith.addi %xor3A_288, %add3A_293 : vector<16xi32>
      %select_n3A_295 = arith.select %lt3A_291, %add3A_294, %xor3A_288 : vector<16xi1>, vector<16xi32>
      %broadcast_in_dim3A_296 = vector.shape_cast %select_n3A_295 : vector<16xi32> to vector<16x1xi32>
      %gather3A_297 = vector.shape_cast %broadcast_in_dim3A_296 : vector<16x1xi32> to vector<16xi32>
      %gather3A_298 = tpu.dynamic_gather %add3A_285[%gather3A_297] in [0] : vector<16xi32>, vector<16xi32> -> vector<16xi32>
      %add3A_299 = arith.addi %add3A_285, %gather3A_298 : vector<16xi32>
      %xor3A_300 = arith.constant 1 : i32
      %xor3A_301 = vector.broadcast %xor3A_300 : i32 to vector<16xi32>
      %xor3A_302 = arith.xori %iota3A_257, %xor3A_301 : vector<16xi32>
      %lt3A_303 = arith.constant 0 : i32
      %lt3A_304 = vector.broadcast %lt3A_303 : i32 to vector<16xi32>
      %lt3A_305 = arith.cmpi slt, %xor3A_302, %lt3A_304 : vector<16xi32>
      %add3A_306 = arith.constant 16 : i32
      %add3A_307 = vector.broadcast %add3A_306 : i32 to vector<16xi32>
      %add3A_308 = arith.addi %xor3A_302, %add3A_307 : vector<16xi32>
      %select_n3A_309 = arith.select %lt3A_305, %add3A_308, %xor3A_302 : vector<16xi1>, vector<16xi32>
      %broadcast_in_dim3A_310 = vector.shape_cast %select_n3A_309 : vector<16xi32> to vector<16x1xi32>
      %gather3A_311 = vector.shape_cast %broadcast_in_dim3A_310 : vector<16x1xi32> to vector<16xi32>
      %gather3A_312 = tpu.dynamic_gather %add3A_299[%gather3A_311] in [0] : vector<16xi32>, vector<16xi32> -> vector<16xi32>
      %add3A_313 = arith.addi %add3A_299, %gather3A_312 : vector<16xi32>
      %mul3A_314 = arith.constant 16 : i32
      %mul3A_315 = vector.broadcast %mul3A_314 : i32 to vector<16xi32>
      %mul3A_316 = arith.muli %scan3A_245#1, %mul3A_315 : vector<16xi32>
      %add3A_317 = vector.broadcast %mul3A_237 : i32 to vector<16xi32>
      %add3A_318 = arith.addi %add3A_317, %mul3A_316 : vector<16xi32>
      %add3A_319 = arith.addi %add3A_318, %scan3A_251#1 : vector<16xi32>
      %sub3A_320 = arith.subi %scan3A_251#2, %add3A_313 : vector<16xi32>
      %gt3A_321 = arith.constant 0 : i32
      %gt3A_322 = vector.broadcast %gt3A_321 : i32 to vector<16xi32>
      %gt3A_323 = arith.cmpi sgt, %scan3A_245#4, %gt3A_322 : vector<16xi32>
      %lt3A_324 = arith.cmpi slt, %add3A_233, %broadcast_in_dim3A_235 : vector<16xi32>
      %and3A_325 = arith.andi %gt3A_323, %lt3A_324 : vector<16xi1>
      %sub3A_326 = arith.subi %broadcast_in_dim3A_235, %sub3A_320 : vector<16xi32>
      %eq3A_327 = arith.constant 0 : i32
      %eq3A_328 = vector.broadcast %eq3A_327 : i32 to vector<16xi32>
      %eq3A_329 = arith.cmpi eq, %iota3A, %eq3A_328 : vector<16xi32>
      %and3A_330 = arith.andi %and3A_325, %eq3A_329 : vector<16xi1>
      %jit3A_331 = arith.constant 0 : i32
      %broadcast_in_dim3A_332 = vector.broadcast %jit3A_331 : i32 to vector<16xi32>
      %select_n3A_333 = arith.select %and3A_330, %add3A_319, %broadcast_in_dim3A_332 : vector<16xi1>, vector<16xi32>
      %eq3A_334 = arith.constant 1 : i32
      %eq3A_335 = vector.broadcast %eq3A_334 : i32 to vector<16xi32>
      %eq3A_336 = arith.cmpi eq, %iota3A, %eq3A_335 : vector<16xi32>
      %and3A_337 = arith.andi %and3A_325, %eq3A_336 : vector<16xi1>
      %jit3A_338 = arith.constant 0 : i32
      %broadcast_in_dim3A_339 = vector.broadcast %jit3A_338 : i32 to vector<16xi32>
      %select_n3A_340 = arith.select %and3A_337, %sub3A_326, %broadcast_in_dim3A_339 : vector<16xi1>, vector<16xi32>
      %add3A_341 = arith.addi %select_n3A_333, %select_n3A_340 : vector<16xi32>
      %swap3A_342 = arith.constant 0 : index
      %swap3A_343 = tpu.vector_load %arg11[%swap3A_342] {strides = array<i32>} : memref<16xi32, #tpu.memory_space<vmem>>, vector<16xi32>,
      %swap3A_344 = vector.shape_cast %swap3A_343 : vector<16xi32> to vector<16xi32>
      %swap3A_345 = vector.shape_cast %add3A_341 : vector<16xi32> to vector<16xi32>
      tpu.vector_store %arg11[%swap3A_342], %swap3A_345 {strides = array<i32>} : memref<16xi32, #tpu.memory_space<vmem>>, vector<16xi32>,
      "tpu.region"() ({
        %run_scoped3A = tpu.sem_alloc : memref<!tpu.dma_semaphore, #tpu.memory_space<semaphore_mem>>
        %dma_start3A_683 = arith.constant 0 : i32
        %dma_start3A_684 = tpu.memref_slice %arg18[%dma_start3A_683] : memref<16xi32, #tpu.memory_space<vmem_shared>> -> memref<16xi32, #tpu.memory_space<vmem_shared>>
        tpu.enqueue_indirect_dma source(%arg11 : memref<16xi32, #tpu.memory_space<vmem>>) target(%dma_start3A_684 : memref<16xi32, #tpu.memory_space<vmem_shared>>) offsets(%arg13 : memref<16xi32, #tpu.memory_space<vmem>>) semaphore(%run_scoped3A : memref<!tpu.dma_semaphore, #tpu.memory_space<semaphore_mem>>) {add = true}
        %dma_wait3A_685 = arith.constant 0 : i32
        %dma_wait3A_686 = tpu.memref_slice %arg18[%dma_wait3A_685] : memref<16xi32, #tpu.memory_space<vmem_shared>> -> memref<16xi32, #tpu.memory_space<vmem_shared>>
        tpu.wait_indirect_dma semaphore(%run_scoped3A : memref<!tpu.dma_semaphore, #tpu.memory_space<semaphore_mem>>) src(%arg11 : memref<16xi32, #tpu.memory_space<vmem>>) dst(%dma_wait3A_686 : memref<16xi32, #tpu.memory_space<vmem_shared>>)
        tpu.yield
      }) : () -> ()
      %add3A_346 = arith.constant 0 : i32
      %add3A_347 = arith.addi %add3A_46, %add3A_346 : i32
      "tpu.region"() ({
        %run_scoped3A = tpu.sem_alloc : memref<!tpu.dma_semaphore, #tpu.memory_space<semaphore_mem>>
        %dma_start3A_683 = tpu.memref_slice %arg15[%add3A_347] : memref<524352xi32, #tpu.memory_space<vmem_shared>> -> memref<4096xi32, #tpu.memory_space<vmem_shared>>
        %dma_start3A_684 = tpu.memref_slice %arg15[%add3A_347] : memref<524352xi32, #tpu.memory_space<vmem_shared>> -> memref<4096xi32, #tpu.memory_space<vmem_shared>>
        tpu.enqueue_dma source(%arg10 : memref<4096xi32, #tpu.memory_space<vmem>>) target(%dma_start3A_684 : memref<4096xi32, #tpu.memory_space<vmem_shared>>) target_semaphore(%run_scoped3A : memref<!tpu.dma_semaphore, #tpu.memory_space<semaphore_mem>>)
        %dma_wait3A_685 = tpu.memref_slice %arg15[%add3A_347] : memref<524352xi32, #tpu.memory_space<vmem_shared>> -> memref<4096xi32, #tpu.memory_space<vmem_shared>>
        %dma_wait3A_686 = tpu.memref_slice %arg15[%add3A_347] : memref<524352xi32, #tpu.memory_space<vmem_shared>> -> memref<4096xi32, #tpu.memory_space<vmem_shared>>
        tpu.wait_dma2 semaphore(%run_scoped3A : memref<!tpu.dma_semaphore, #tpu.memory_space<semaphore_mem>>) src(%arg10 : memref<4096xi32, #tpu.memory_space<vmem>>) dst(%dma_wait3A_686 : memref<4096xi32, #tpu.memory_space<vmem_shared>>)
        tpu.yield
      }) : () -> ()
      %add3A_348 = arith.constant 4096 : i32
      %add3A_349 = arith.addi %add3A_46, %add3A_348 : i32
      "tpu.region"() ({
        %run_scoped3A = tpu.sem_alloc : memref<!tpu.dma_semaphore, #tpu.memory_space<semaphore_mem>>
        %dma_start3A_683 = tpu.memref_slice %arg15[%add3A_349] : memref<524352xi32, #tpu.memory_space<vmem_shared>> -> memref<4096xi32, #tpu.memory_space<vmem_shared>>
        %dma_start3A_684 = tpu.memref_slice %arg15[%add3A_349] : memref<524352xi32, #tpu.memory_space<vmem_shared>> -> memref<4096xi32, #tpu.memory_space<vmem_shared>>
        tpu.enqueue_dma source(%arg10 : memref<4096xi32, #tpu.memory_space<vmem>>) target(%dma_start3A_684 : memref<4096xi32, #tpu.memory_space<vmem_shared>>) target_semaphore(%run_scoped3A : memref<!tpu.dma_semaphore, #tpu.memory_space<semaphore_mem>>)
        %dma_wait3A_685 = tpu.memref_slice %arg15[%add3A_349] : memref<524352xi32, #tpu.memory_space<vmem_shared>> -> memref<4096xi32, #tpu.memory_space<vmem_shared>>
        %dma_wait3A_686 = tpu.memref_slice %arg15[%add3A_349] : memref<524352xi32, #tpu.memory_space<vmem_shared>> -> memref<4096xi32, #tpu.memory_space<vmem_shared>>
        tpu.wait_dma2 semaphore(%run_scoped3A : memref<!tpu.dma_semaphore, #tpu.memory_space<semaphore_mem>>) src(%arg10 : memref<4096xi32, #tpu.memory_space<vmem>>) dst(%dma_wait3A_686 : memref<4096xi32, #tpu.memory_space<vmem_shared>>)
        tpu.yield
      }) : () -> ()
      %add3A_350 = arith.constant 8192 : i32
      %add3A_351 = arith.addi %add3A_46, %add3A_350 : i32
      "tpu.region"() ({
        %run_scoped3A = tpu.sem_alloc : memref<!tpu.dma_semaphore, #tpu.memory_space<semaphore_mem>>
        %dma_start3A_683 = tpu.memref_slice %arg15[%add3A_351] : memref<524352xi32, #tpu.memory_space<vmem_shared>> -> memref<4096xi32, #tpu.memory_space<vmem_shared>>
        %dma_start3A_684 = tpu.memref_slice %arg15[%add3A_351] : memref<524352xi32, #tpu.memory_space<vmem_shared>> -> memref<4096xi32, #tpu.memory_space<vmem_shared>>
        tpu.enqueue_dma source(%arg10 : memref<4096xi32, #tpu.memory_space<vmem>>) target(%dma_start3A_684 : memref<4096xi32, #tpu.memory_space<vmem_shared>>) target_semaphore(%run_scoped3A : memref<!tpu.dma_semaphore, #tpu.memory_space<semaphore_mem>>)
        %dma_wait3A_685 = tpu.memref_slice %arg15[%add3A_351] : memref<524352xi32, #tpu.memory_space<vmem_shared>> -> memref<4096xi32, #tpu.memory_space<vmem_shared>>
        %dma_wait3A_686 = tpu.memref_slice %arg15[%add3A_351] : memref<524352xi32, #tpu.memory_space<vmem_shared>> -> memref<4096xi32, #tpu.memory_space<vmem_shared>>
        tpu.wait_dma2 semaphore(%run_scoped3A : memref<!tpu.dma_semaphore, #tpu.memory_space<semaphore_mem>>) src(%arg10 : memref<4096xi32, #tpu.memory_space<vmem>>) dst(%dma_wait3A_686 : memref<4096xi32, #tpu.memory_space<vmem_shared>>)
        tpu.yield
      }) : () -> ()
      %add3A_352 = arith.constant 12288 : i32
      %add3A_353 = arith.addi %add3A_46, %add3A_352 : i32
      "tpu.region"() ({
        %run_scoped3A = tpu.sem_alloc : memref<!tpu.dma_semaphore, #tpu.memory_space<semaphore_mem>>
        %dma_start3A_683 = tpu.memref_slice %arg15[%add3A_353] : memref<524352xi32, #tpu.memory_space<vmem_shared>> -> memref<4096xi32, #tpu.memory_space<vmem_shared>>
        %dma_start3A_684 = tpu.memref_slice %arg15[%add3A_353] : memref<524352xi32, #tpu.memory_space<vmem_shared>> -> memref<4096xi32, #tpu.memory_space<vmem_shared>>
        tpu.enqueue_dma source(%arg10 : memref<4096xi32, #tpu.memory_space<vmem>>) target(%dma_start3A_684 : memref<4096xi32, #tpu.memory_space<vmem_shared>>) target_semaphore(%run_scoped3A : memref<!tpu.dma_semaphore, #tpu.memory_space<semaphore_mem>>)
        %dma_wait3A_685 = tpu.memref_slice %arg15[%add3A_353] : memref<524352xi32, #tpu.memory_space<vmem_shared>> -> memref<4096xi32, #tpu.memory_space<vmem_shared>>
        %dma_wait3A_686 = tpu.memref_slice %arg15[%add3A_353] : memref<524352xi32, #tpu.memory_space<vmem_shared>> -> memref<4096xi32, #tpu.memory_space<vmem_shared>>
        tpu.wait_dma2 semaphore(%run_scoped3A : memref<!tpu.dma_semaphore, #tpu.memory_space<semaphore_mem>>) src(%arg10 : memref<4096xi32, #tpu.memory_space<vmem>>) dst(%dma_wait3A_686 : memref<4096xi32, #tpu.memory_space<vmem_shared>>)
        tpu.yield
      }) : () -> ()
      %add3A_354 = arith.constant 16384 : i32
      %add3A_355 = arith.addi %add3A_46, %add3A_354 : i32
      "tpu.region"() ({
        %run_scoped3A = tpu.sem_alloc : memref<!tpu.dma_semaphore, #tpu.memory_space<semaphore_mem>>
        %dma_start3A_683 = tpu.memref_slice %arg15[%add3A_355] : memref<524352xi32, #tpu.memory_space<vmem_shared>> -> memref<4096xi32, #tpu.memory_space<vmem_shared>>
        %dma_start3A_684 = tpu.memref_slice %arg15[%add3A_355] : memref<524352xi32, #tpu.memory_space<vmem_shared>> -> memref<4096xi32, #tpu.memory_space<vmem_shared>>
        tpu.enqueue_dma source(%arg10 : memref<4096xi32, #tpu.memory_space<vmem>>) target(%dma_start3A_684 : memref<4096xi32, #tpu.memory_space<vmem_shared>>) target_semaphore(%run_scoped3A : memref<!tpu.dma_semaphore, #tpu.memory_space<semaphore_mem>>)
        %dma_wait3A_685 = tpu.memref_slice %arg15[%add3A_355] : memref<524352xi32, #tpu.memory_space<vmem_shared>> -> memref<4096xi32, #tpu.memory_space<vmem_shared>>
        %dma_wait3A_686 = tpu.memref_slice %arg15[%add3A_355] : memref<524352xi32, #tpu.memory_space<vmem_shared>> -> memref<4096xi32, #tpu.memory_space<vmem_shared>>
        tpu.wait_dma2 semaphore(%run_scoped3A : memref<!tpu.dma_semaphore, #tpu.memory_space<semaphore_mem>>) src(%arg10 : memref<4096xi32, #tpu.memory_space<vmem>>) dst(%dma_wait3A_686 : memref<4096xi32, #tpu.memory_space<vmem_shared>>)
        tpu.yield
      }) : () -> ()
      %add3A_356 = arith.constant 20480 : i32
      %add3A_357 = arith.addi %add3A_46, %add3A_356 : i32
      "tpu.region"() ({
        %run_scoped3A = tpu.sem_alloc : memref<!tpu.dma_semaphore, #tpu.memory_space<semaphore_mem>>
        %dma_start3A_683 = tpu.memref_slice %arg15[%add3A_357] : memref<524352xi32, #tpu.memory_space<vmem_shared>> -> memref<4096xi32, #tpu.memory_space<vmem_shared>>
        %dma_start3A_684 = tpu.memref_slice %arg15[%add3A_357] : memref<524352xi32, #tpu.memory_space<vmem_shared>> -> memref<4096xi32, #tpu.memory_space<vmem_shared>>
        tpu.enqueue_dma source(%arg10 : memref<4096xi32, #tpu.memory_space<vmem>>) target(%dma_start3A_684 : memref<4096xi32, #tpu.memory_space<vmem_shared>>) target_semaphore(%run_scoped3A : memref<!tpu.dma_semaphore, #tpu.memory_space<semaphore_mem>>)
        %dma_wait3A_685 = tpu.memref_slice %arg15[%add3A_357] : memref<524352xi32, #tpu.memory_space<vmem_shared>> -> memref<4096xi32, #tpu.memory_space<vmem_shared>>
        %dma_wait3A_686 = tpu.memref_slice %arg15[%add3A_357] : memref<524352xi32, #tpu.memory_space<vmem_shared>> -> memref<4096xi32, #tpu.memory_space<vmem_shared>>
        tpu.wait_dma2 semaphore(%run_scoped3A : memref<!tpu.dma_semaphore, #tpu.memory_space<semaphore_mem>>) src(%arg10 : memref<4096xi32, #tpu.memory_space<vmem>>) dst(%dma_wait3A_686 : memref<4096xi32, #tpu.memory_space<vmem_shared>>)
        tpu.yield
      }) : () -> ()
      %add3A_358 = arith.constant 24576 : i32
      %add3A_359 = arith.addi %add3A_46, %add3A_358 : i32
      "tpu.region"() ({
        %run_scoped3A = tpu.sem_alloc : memref<!tpu.dma_semaphore, #tpu.memory_space<semaphore_mem>>
        %dma_start3A_683 = tpu.memref_slice %arg15[%add3A_359] : memref<524352xi32, #tpu.memory_space<vmem_shared>> -> memref<4096xi32, #tpu.memory_space<vmem_shared>>
        %dma_start3A_684 = tpu.memref_slice %arg15[%add3A_359] : memref<524352xi32, #tpu.memory_space<vmem_shared>> -> memref<4096xi32, #tpu.memory_space<vmem_shared>>
        tpu.enqueue_dma source(%arg10 : memref<4096xi32, #tpu.memory_space<vmem>>) target(%dma_start3A_684 : memref<4096xi32, #tpu.memory_space<vmem_shared>>) target_semaphore(%run_scoped3A : memref<!tpu.dma_semaphore, #tpu.memory_space<semaphore_mem>>)
        %dma_wait3A_685 = tpu.memref_slice %arg15[%add3A_359] : memref<524352xi32, #tpu.memory_space<vmem_shared>> -> memref<4096xi32, #tpu.memory_space<vmem_shared>>
        %dma_wait3A_686 = tpu.memref_slice %arg15[%add3A_359] : memref<524352xi32, #tpu.memory_space<vmem_shared>> -> memref<4096xi32, #tpu.memory_space<vmem_shared>>
        tpu.wait_dma2 semaphore(%run_scoped3A : memref<!tpu.dma_semaphore, #tpu.memory_space<semaphore_mem>>) src(%arg10 : memref<4096xi32, #tpu.memory_space<vmem>>) dst(%dma_wait3A_686 : memref<4096xi32, #tpu.memory_space<vmem_shared>>)
        tpu.yield
      }) : () -> ()
      %add3A_360 = arith.constant 28672 : i32
      %add3A_361 = arith.addi %add3A_46, %add3A_360 : i32
      "tpu.region"() ({
        %run_scoped3A = tpu.sem_alloc : memref<!tpu.dma_semaphore, #tpu.memory_space<semaphore_mem>>
        %dma_start3A_683 = tpu.memref_slice %arg15[%add3A_361] : memref<524352xi32, #tpu.memory_space<vmem_shared>> -> memref<4096xi32, #tpu.memory_space<vmem_shared>>
        %dma_start3A_684 = tpu.memref_slice %arg15[%add3A_361] : memref<524352xi32, #tpu.memory_space<vmem_shared>> -> memref<4096xi32, #tpu.memory_space<vmem_shared>>
        tpu.enqueue_dma source(%arg10 : memref<4096xi32, #tpu.memory_space<vmem>>) target(%dma_start3A_684 : memref<4096xi32, #tpu.memory_space<vmem_shared>>) target_semaphore(%run_scoped3A : memref<!tpu.dma_semaphore, #tpu.memory_space<semaphore_mem>>)
        %dma_wait3A_685 = tpu.memref_slice %arg15[%add3A_361] : memref<524352xi32, #tpu.memory_space<vmem_shared>> -> memref<4096xi32, #tpu.memory_space<vmem_shared>>
        %dma_wait3A_686 = tpu.memref_slice %arg15[%add3A_361] : memref<524352xi32, #tpu.memory_space<vmem_shared>> -> memref<4096xi32, #tpu.memory_space<vmem_shared>>
        tpu.wait_dma2 semaphore(%run_scoped3A : memref<!tpu.dma_semaphore, #tpu.memory_space<semaphore_mem>>) src(%arg10 : memref<4096xi32, #tpu.memory_space<vmem>>) dst(%dma_wait3A_686 : memref<4096xi32, #tpu.memory_space<vmem_shared>>)
        tpu.yield
      }) : () -> ()
      %barrier3A_362 = arith.constant 0 : index
      tpu.barrier barrier_id(%barrier3A_362)
      "tpu.region"() ({
        %run_scoped3A = tpu.sem_alloc : memref<!tpu.dma_semaphore, #tpu.memory_space<semaphore_mem>>
        tpu.enqueue_dma source(%arg18 : memref<16xi32, #tpu.memory_space<vmem_shared>>) target(%arg12 : memref<16xi32, #tpu.memory_space<vmem>>) target_semaphore(%run_scoped3A : memref<!tpu.dma_semaphore, #tpu.memory_space<semaphore_mem>>)
        tpu.wait_dma2 semaphore(%run_scoped3A : memref<!tpu.dma_semaphore, #tpu.memory_space<semaphore_mem>>) src(%arg18 : memref<16xi32, #tpu.memory_space<vmem_shared>>) dst(%arg12 : memref<16xi32, #tpu.memory_space<vmem>>)
        tpu.yield
      }) : () -> ()
      %get3A_363 = arith.constant 0 : index
      %get3A_364 = tpu.vector_load %arg12[%get3A_363] {strides = array<i32>} : memref<16xi32, #tpu.memory_space<vmem>>, vector<16xi32>,
      %get3A_365 = vector.shape_cast %get3A_364 : vector<16xi32> to vector<16xi32>
      %broadcast_in_dim3A_366 = arith.constant 0 : i32
      %broadcast_in_dim3A_367 = vector.broadcast %broadcast_in_dim3A_366 : i32 to vector<16xi32>
      %lt3A_368 = arith.constant 0 : i32
      %lt3A_369 = vector.broadcast %lt3A_368 : i32 to vector<16xi32>
      %lt3A_370 = arith.cmpi slt, %broadcast_in_dim3A_367, %lt3A_369 : vector<16xi32>
      %add3A_371 = arith.constant 16 : i32
      %add3A_372 = vector.broadcast %add3A_371 : i32 to vector<16xi32>
      %add3A_373 = arith.addi %broadcast_in_dim3A_367, %add3A_372 : vector<16xi32>
      %select_n3A_374 = arith.select %lt3A_370, %add3A_373, %broadcast_in_dim3A_367 : vector<16xi1>, vector<16xi32>
      %broadcast_in_dim3A_375 = vector.shape_cast %select_n3A_374 : vector<16xi32> to vector<16x1xi32>
      %gather3A_376 = vector.shape_cast %broadcast_in_dim3A_375 : vector<16x1xi32> to vector<16xi32>
      %gather3A_377 = tpu.dynamic_gather %get3A_365[%gather3A_376] in [0] : vector<16xi32>, vector<16xi32> -> vector<16xi32>
      %broadcast_in_dim3A_378 = arith.constant 1 : i32
      %broadcast_in_dim3A_379 = vector.broadcast %broadcast_in_dim3A_378 : i32 to vector<16xi32>
      %lt3A_380 = arith.constant 0 : i32
      %lt3A_381 = vector.broadcast %lt3A_380 : i32 to vector<16xi32>
      %lt3A_382 = arith.cmpi slt, %broadcast_in_dim3A_379, %lt3A_381 : vector<16xi32>
      %add3A_383 = arith.constant 16 : i32
      %add3A_384 = vector.broadcast %add3A_383 : i32 to vector<16xi32>
      %add3A_385 = arith.addi %broadcast_in_dim3A_379, %add3A_384 : vector<16xi32>
      %select_n3A_386 = arith.select %lt3A_382, %add3A_385, %broadcast_in_dim3A_379 : vector<16xi1>, vector<16xi32>
      %broadcast_in_dim3A_387 = vector.shape_cast %select_n3A_386 : vector<16xi32> to vector<16x1xi32>
      %gather3A_388 = vector.shape_cast %broadcast_in_dim3A_387 : vector<16x1xi32> to vector<16xi32>
      %gather3A_389 = tpu.dynamic_gather %get3A_365[%gather3A_388] in [0] : vector<16xi32>, vector<16xi32> -> vector<16xi32>
      %broadcast_in_dim3A_390 = arith.constant 0 : i32
      %broadcast_in_dim3A_391 = vector.broadcast %broadcast_in_dim3A_390 : i32 to vector<16xi32>
      %lt3A_392 = arith.constant 0 : i32
      %lt3A_393 = vector.broadcast %lt3A_392 : i32 to vector<16xi32>
      %lt3A_394 = arith.cmpi slt, %broadcast_in_dim3A_391, %lt3A_393 : vector<16xi32>
      %add3A_395 = arith.constant 16 : i32
      %add3A_396 = vector.broadcast %add3A_395 : i32 to vector<16xi32>
      %add3A_397 = arith.addi %broadcast_in_dim3A_391, %add3A_396 : vector<16xi32>
      %select_n3A_398 = arith.select %lt3A_394, %add3A_397, %broadcast_in_dim3A_391 : vector<16xi1>, vector<16xi32>
      %broadcast_in_dim3A_399 = vector.shape_cast %select_n3A_398 : vector<16xi32> to vector<16x1xi32>
      %gather3A_400 = vector.shape_cast %broadcast_in_dim3A_399 : vector<16x1xi32> to vector<16xi32>
      %gather3A_401 = tpu.dynamic_gather %gather3A_389[%gather3A_400] in [0] : vector<16xi32>, vector<16xi32> -> vector<16xi32>
      %parallel_loop3A_402 = arith.constant 0 : i32
      %parallel_loop3A_403 = arith.constant 1024 : i32
      %parallel_loop3A_404 = arith.constant 1 : i32
      scf.for %parallel_loop3A_683 = %parallel_loop3A_402 to %parallel_loop3A_403 step %parallel_loop3A_404  : i32 {
        %parallel_loop3A_684 = arith.constant 16 : i32
        %parallel_loop3A_685 = arith.muli %parallel_loop3A_683, %parallel_loop3A_684 : i32
        %parallel_loop3A_686 = arith.index_cast %parallel_loop3A_685 : i32 to index
        %parallel_loop3A_687 = tpu.vector_load %arg5[%parallel_loop3A_686] {strides = array<i32>} : memref<16384xf32, #tpu.memory_space<vmem>>, vector<16xf32>,
        %parallel_loop3A_688 = vector.shape_cast %parallel_loop3A_687 : vector<16xf32> to vector<16xf32>
        %parallel_loop3A_689 = tpu.bitcast %parallel_loop3A_688 : vector<16xf32> -> vector<16xi32>
        %parallel_loop3A_690 = arith.constant 0 : i32
        %parallel_loop3A_691 = vector.broadcast %parallel_loop3A_690 : i32 to vector<16xi32>
        %parallel_loop3A_692 = arith.cmpi slt, %parallel_loop3A_689, %parallel_loop3A_691 : vector<16xi32>
        %parallel_loop3A_693 = arith.constant -1 : i32
        %parallel_loop3A_694 = arith.constant -2147483648 : i32
        %parallel_loop3A_695 = vector.broadcast %parallel_loop3A_693 : i32 to vector<16xi32>
        %parallel_loop3A_696 = vector.broadcast %parallel_loop3A_694 : i32 to vector<16xi32>
        %parallel_loop3A_697 = arith.select %parallel_loop3A_692, %parallel_loop3A_695, %parallel_loop3A_696 : vector<16xi1>, vector<16xi32>
        %parallel_loop3A_698 = arith.xori %parallel_loop3A_689, %parallel_loop3A_697 : vector<16xi32>
        %parallel_loop3A_699 = arith.constant 16 : i32
        %parallel_loop3A_700 = vector.broadcast %parallel_loop3A_699 : i32 to vector<16xi32>
        %parallel_loop3A_701 = arith.shrui %parallel_loop3A_698, %parallel_loop3A_700 : vector<16xi32>
        %parallel_loop3A_702 = arith.constant 65535 : i32
        %parallel_loop3A_703 = vector.broadcast %parallel_loop3A_702 : i32 to vector<16xi32>
        %parallel_loop3A_704 = arith.andi %parallel_loop3A_698, %parallel_loop3A_703 : vector<16xi32>
        %parallel_loop3A_705 = arith.cmpi eq, %parallel_loop3A_701, %gather3A_377 : vector<16xi32>
        %parallel_loop3A_706 = arith.constant 65536 : i32
        %parallel_loop3A_707 = vector.broadcast %parallel_loop3A_706 : i32 to vector<16xi32>
        %parallel_loop3A_708 = arith.select %parallel_loop3A_705, %parallel_loop3A_704, %parallel_loop3A_707 : vector<16xi1>, vector<16xi32>
        %parallel_loop3A_709 = vector.broadcast %mul3A_86 : i32 to vector<16xi32>
        %parallel_loop3A_710 = arith.addi %parallel_loop3A_708, %parallel_loop3A_709 : vector<16xi32>
        %parallel_loop3A_711 = arith.constant 16 : i32
        %parallel_loop3A_712 = arith.muli %parallel_loop3A_683, %parallel_loop3A_711 : i32
        %parallel_loop3A_713 = arith.index_cast %parallel_loop3A_712 : i32 to index
        %parallel_loop3A_714 = tpu.vector_load %arg6[%parallel_loop3A_713] {strides = array<i32>} : memref<16384xi32, #tpu.memory_space<vmem>>, vector<16xi32>,
        %parallel_loop3A_715 = vector.shape_cast %parallel_loop3A_714 : vector<16xi32> to vector<16xi32>
        %parallel_loop3A_716 = vector.shape_cast %parallel_loop3A_710 : vector<16xi32> to vector<16xi32>
        tpu.vector_store %arg6[%parallel_loop3A_713], %parallel_loop3A_716 {strides = array<i32>} : memref<16384xi32, #tpu.memory_space<vmem>>, vector<16xi32>,
      } {sc.loop_unroll_factor = 8 : i64, sc.parallel_access}
      "tpu.region"() ({
        %run_scoped3A = tpu.sem_alloc : memref<!tpu.dma_semaphore, #tpu.memory_space<semaphore_mem>>
        %dma_start3A_683 = arith.constant 0 : i32
        %dma_start3A_684 = tpu.memref_slice %arg15[%dma_start3A_683] : memref<524352xi32, #tpu.memory_space<vmem_shared>> -> memref<524352xi32, #tpu.memory_space<vmem_shared>>
        tpu.enqueue_indirect_dma source(%arg7 : memref<16384xi32, #tpu.memory_space<vmem>>) target(%dma_start3A_684 : memref<524352xi32, #tpu.memory_space<vmem_shared>>) offsets(%arg6 : memref<16384xi32, #tpu.memory_space<vmem>>) semaphore(%run_scoped3A : memref<!tpu.dma_semaphore, #tpu.memory_space<semaphore_mem>>) {add = true}
        %dma_wait3A_685 = arith.constant 0 : i32
        %dma_wait3A_686 = tpu.memref_slice %arg15[%dma_wait3A_685] : memref<524352xi32, #tpu.memory_space<vmem_shared>> -> memref<524352xi32, #tpu.memory_space<vmem_shared>>
        tpu.wait_indirect_dma semaphore(%run_scoped3A : memref<!tpu.dma_semaphore, #tpu.memory_space<semaphore_mem>>) src(%arg7 : memref<16384xi32, #tpu.memory_space<vmem>>) dst(%dma_wait3A_686 : memref<524352xi32, #tpu.memory_space<vmem_shared>>)
        tpu.yield
      }) : () -> ()
      %barrier3A_405 = arith.constant 0 : index
      tpu.barrier barrier_id(%barrier3A_405)
      %mul3A_406 = arith.constant 4096 : i32
      %mul3A_407 = arith.muli %arg1, %mul3A_406 : i32
      "tpu.region"() ({
        %run_scoped3A = tpu.sem_alloc : memref<!tpu.dma_semaphore, #tpu.memory_space<semaphore_mem>>
        %dma_start3A_683 = tpu.memref_slice %arg15[%mul3A_407] : memref<524352xi32, #tpu.memory_space<vmem_shared>> -> memref<4096xi32, #tpu.memory_space<vmem_shared>>
        %dma_start3A_684 = tpu.memref_slice %arg15[%mul3A_407] : memref<524352xi32, #tpu.memory_space<vmem_shared>> -> memref<4096xi32, #tpu.memory_space<vmem_shared>>
        tpu.enqueue_dma source(%dma_start3A_684 : memref<4096xi32, #tpu.memory_space<vmem_shared>>) target(%arg8 : memref<4096xi32, #tpu.memory_space<vmem>>) target_semaphore(%run_scoped3A : memref<!tpu.dma_semaphore, #tpu.memory_space<semaphore_mem>>)
        %dma_wait3A_685 = tpu.memref_slice %arg15[%mul3A_407] : memref<524352xi32, #tpu.memory_space<vmem_shared>> -> memref<4096xi32, #tpu.memory_space<vmem_shared>>
        %dma_wait3A_686 = tpu.memref_slice %arg15[%mul3A_407] : memref<524352xi32, #tpu.memory_space<vmem_shared>> -> memref<4096xi32, #tpu.memory_space<vmem_shared>>
        tpu.wait_dma2 semaphore(%run_scoped3A : memref<!tpu.dma_semaphore, #tpu.memory_space<semaphore_mem>>) src(%dma_wait3A_686 : memref<4096xi32, #tpu.memory_space<vmem_shared>>) dst(%arg8 : memref<4096xi32, #tpu.memory_space<vmem>>)
        tpu.yield
      }) : () -> ()
      %scan3A_408 = arith.constant 0 : i32
      %scan3A_409 = arith.constant 1 : i32
      %scan3A_410 = arith.constant 7 : i32
      %scan3A_411 = arith.addi %scan3A_409, %scan3A_410 : i32
      %scan3A_412 = arith.constant 1 : i32
      %scan3A_413 = scf.for %scan3A_683 = %scan3A_409 to %scan3A_411 step %scan3A_412 iter_args(%scan3A_684 = %scan3A_408) -> (i32)  : i32 {
        %mul3A_685 = arith.constant 65544 : i32
        %mul3A_686 = arith.muli %scan3A_683, %mul3A_685 : i32
        %mul3A_687 = arith.constant 4096 : i32
        %mul3A_688 = arith.muli %arg1, %mul3A_687 : i32
        %add3A_689 = arith.addi %mul3A_686, %mul3A_688 : i32
        "tpu.region"() ({
          %run_scoped3A = tpu.sem_alloc : memref<!tpu.dma_semaphore, #tpu.memory_space<semaphore_mem>>
          %dma_start3A_694 = tpu.memref_slice %arg15[%add3A_689] : memref<524352xi32, #tpu.memory_space<vmem_shared>> -> memref<4096xi32, #tpu.memory_space<vmem_shared>>
          %dma_start3A_695 = tpu.memref_slice %arg15[%add3A_689] : memref<524352xi32, #tpu.memory_space<vmem_shared>> -> memref<4096xi32, #tpu.memory_space<vmem_shared>>
          tpu.enqueue_dma source(%dma_start3A_695 : memref<4096xi32, #tpu.memory_space<vmem_shared>>) target(%arg9 : memref<4096xi32, #tpu.memory_space<vmem>>) target_semaphore(%run_scoped3A : memref<!tpu.dma_semaphore, #tpu.memory_space<semaphore_mem>>)
          %dma_wait3A_696 = tpu.memref_slice %arg15[%add3A_689] : memref<524352xi32, #tpu.memory_space<vmem_shared>> -> memref<4096xi32, #tpu.memory_space<vmem_shared>>
          %dma_wait3A_697 = tpu.memref_slice %arg15[%add3A_689] : memref<524352xi32, #tpu.memory_space<vmem_shared>> -> memref<4096xi32, #tpu.memory_space<vmem_shared>>
          tpu.wait_dma2 semaphore(%run_scoped3A : memref<!tpu.dma_semaphore, #tpu.memory_space<semaphore_mem>>) src(%dma_wait3A_697 : memref<4096xi32, #tpu.memory_space<vmem_shared>>) dst(%arg9 : memref<4096xi32, #tpu.memory_space<vmem>>)
          tpu.yield
        }) : () -> ()
        %parallel_loop3A_690 = arith.constant 0 : i32
        %parallel_loop3A_691 = arith.constant 256 : i32
        %parallel_loop3A_692 = arith.constant 1 : i32
        scf.for %parallel_loop3A_694 = %parallel_loop3A_690 to %parallel_loop3A_691 step %parallel_loop3A_692  : i32 {
          %parallel_loop3A_695 = arith.constant 16 : i32
          %parallel_loop3A_696 = arith.muli %parallel_loop3A_694, %parallel_loop3A_695 : i32
          %parallel_loop3A_697 = arith.index_cast %parallel_loop3A_696 : i32 to index
          %parallel_loop3A_698 = tpu.vector_load %arg8[%parallel_loop3A_697] {strides = array<i32>} : memref<4096xi32, #tpu.memory_space<vmem>>, vector<16xi32>,
          %parallel_loop3A_699 = vector.shape_cast %parallel_loop3A_698 : vector<16xi32> to vector<16xi32>
          %parallel_loop3A_700 = arith.constant 16 : i32
          %parallel_loop3A_701 = arith.muli %parallel_loop3A_694, %parallel_loop3A_700 : i32
          %parallel_loop3A_702 = arith.index_cast %parallel_loop3A_701 : i32 to index
          %parallel_loop3A_703 = tpu.vector_load %arg9[%parallel_loop3A_702] {strides = array<i32>} : memref<4096xi32, #tpu.memory_space<vmem>>, vector<16xi32>,
          %parallel_loop3A_704 = vector.shape_cast %parallel_loop3A_703 : vector<16xi32> to vector<16xi32>
          %parallel_loop3A_705 = arith.addi %parallel_loop3A_699, %parallel_loop3A_704 : vector<16xi32>
          %parallel_loop3A_706 = arith.constant 16 : i32
          %parallel_loop3A_707 = arith.muli %parallel_loop3A_694, %parallel_loop3A_706 : i32
          %parallel_loop3A_708 = arith.index_cast %parallel_loop3A_707 : i32 to index
          %parallel_loop3A_709 = tpu.vector_load %arg8[%parallel_loop3A_708] {strides = array<i32>} : memref<4096xi32, #tpu.memory_space<vmem>>, vector<16xi32>,
          %parallel_loop3A_710 = vector.shape_cast %parallel_loop3A_709 : vector<16xi32> to vector<16xi32>
          %parallel_loop3A_711 = vector.shape_cast %parallel_loop3A_705 : vector<16xi32> to vector<16xi32>
          tpu.vector_store %arg8[%parallel_loop3A_708], %parallel_loop3A_711 {strides = array<i32>} : memref<4096xi32, #tpu.memory_space<vmem>>, vector<16xi32>,
        } {sc.loop_unroll_factor = 8 : i64, sc.parallel_access}
        %scan3A_693 = arith.constant 0 : i32
        scf.yield %scan3A_693 : i32
      }
      %scan3A_414 = arith.constant 7 : i32
      %broadcast_in_dim3A_415 = arith.constant 0 : i32
      %broadcast_in_dim3A_416 = vector.broadcast %broadcast_in_dim3A_415 : i32 to vector<16xi32>
      %scan3A_417 = arith.constant 0 : i32
      %scan3A_418 = arith.constant 256 : i32
      %scan3A_419 = arith.addi %scan3A_417, %scan3A_418 : i32
      %scan3A_420 = arith.constant 1 : i32
      %scan3A_421 = scf.for %scan3A_683 = %scan3A_417 to %scan3A_419 step %scan3A_420 iter_args(%scan3A_684 = %broadcast_in_dim3A_416) -> (vector<16xi32>)  : i32 {
        %mul3A_685 = arith.constant 16 : i32
        %mul3A_686 = arith.muli %scan3A_683, %mul3A_685 : i32
        %get3A_687 = arith.index_cast %mul3A_686 : i32 to index
        %get3A_688 = tpu.vector_load %arg8[%get3A_687] {strides = array<i32>} : memref<4096xi32, #tpu.memory_space<vmem>>, vector<16xi32>,
        %get3A_689 = vector.shape_cast %get3A_688 : vector<16xi32> to vector<16xi32>
        %add3A_690 = arith.addi %scan3A_684, %get3A_689 : vector<16xi32>
        scf.yield %add3A_690 : vector<16xi32>
      }
      %scan3A_422 = arith.constant 256 : i32
      %iota3A_423 = tpu.iota {dimensions = array<i32: 0>} : vector<16xi32>
      %xor3A_424 = arith.constant 8 : i32
      %xor3A_425 = vector.broadcast %xor3A_424 : i32 to vector<16xi32>
      %xor3A_426 = arith.xori %iota3A_423, %xor3A_425 : vector<16xi32>
      %lt3A_427 = arith.constant 0 : i32
      %lt3A_428 = vector.broadcast %lt3A_427 : i32 to vector<16xi32>
      %lt3A_429 = arith.cmpi slt, %xor3A_426, %lt3A_428 : vector<16xi32>
      %add3A_430 = arith.constant 16 : i32
      %add3A_431 = vector.broadcast %add3A_430 : i32 to vector<16xi32>
      %add3A_432 = arith.addi %xor3A_426, %add3A_431 : vector<16xi32>
      %select_n3A_433 = arith.select %lt3A_429, %add3A_432, %xor3A_426 : vector<16xi1>, vector<16xi32>
      %broadcast_in_dim3A_434 = vector.shape_cast %select_n3A_433 : vector<16xi32> to vector<16x1xi32>
      %gather3A_435 = vector.shape_cast %broadcast_in_dim3A_434 : vector<16x1xi32> to vector<16xi32>
      %gather3A_436 = tpu.dynamic_gather %scan3A_421[%gather3A_435] in [0] : vector<16xi32>, vector<16xi32> -> vector<16xi32>
      %add3A_437 = arith.addi %scan3A_421, %gather3A_436 : vector<16xi32>
      %xor3A_438 = arith.constant 4 : i32
      %xor3A_439 = vector.broadcast %xor3A_438 : i32 to vector<16xi32>
      %xor3A_440 = arith.xori %iota3A_423, %xor3A_439 : vector<16xi32>
      %lt3A_441 = arith.constant 0 : i32
      %lt3A_442 = vector.broadcast %lt3A_441 : i32 to vector<16xi32>
      %lt3A_443 = arith.cmpi slt, %xor3A_440, %lt3A_442 : vector<16xi32>
      %add3A_444 = arith.constant 16 : i32
      %add3A_445 = vector.broadcast %add3A_444 : i32 to vector<16xi32>
      %add3A_446 = arith.addi %xor3A_440, %add3A_445 : vector<16xi32>
      %select_n3A_447 = arith.select %lt3A_443, %add3A_446, %xor3A_440 : vector<16xi1>, vector<16xi32>
      %broadcast_in_dim3A_448 = vector.shape_cast %select_n3A_447 : vector<16xi32> to vector<16x1xi32>
      %gather3A_449 = vector.shape_cast %broadcast_in_dim3A_448 : vector<16x1xi32> to vector<16xi32>
      %gather3A_450 = tpu.dynamic_gather %add3A_437[%gather3A_449] in [0] : vector<16xi32>, vector<16xi32> -> vector<16xi32>
      %add3A_451 = arith.addi %add3A_437, %gather3A_450 : vector<16xi32>
      %xor3A_452 = arith.constant 2 : i32
      %xor3A_453 = vector.broadcast %xor3A_452 : i32 to vector<16xi32>
      %xor3A_454 = arith.xori %iota3A_423, %xor3A_453 : vector<16xi32>
      %lt3A_455 = arith.constant 0 : i32
      %lt3A_456 = vector.broadcast %lt3A_455 : i32 to vector<16xi32>
      %lt3A_457 = arith.cmpi slt, %xor3A_454, %lt3A_456 : vector<16xi32>
      %add3A_458 = arith.constant 16 : i32
      %add3A_459 = vector.broadcast %add3A_458 : i32 to vector<16xi32>
      %add3A_460 = arith.addi %xor3A_454, %add3A_459 : vector<16xi32>
      %select_n3A_461 = arith.select %lt3A_457, %add3A_460, %xor3A_454 : vector<16xi1>, vector<16xi32>
      %broadcast_in_dim3A_462 = vector.shape_cast %select_n3A_461 : vector<16xi32> to vector<16x1xi32>
      %gather3A_463 = vector.shape_cast %broadcast_in_dim3A_462 : vector<16x1xi32> to vector<16xi32>
      %gather3A_464 = tpu.dynamic_gather %add3A_451[%gather3A_463] in [0] : vector<16xi32>, vector<16xi32> -> vector<16xi32>
      %add3A_465 = arith.addi %add3A_451, %gather3A_464 : vector<16xi32>
      %xor3A_466 = arith.constant 1 : i32
      %xor3A_467 = vector.broadcast %xor3A_466 : i32 to vector<16xi32>
      %xor3A_468 = arith.xori %iota3A_423, %xor3A_467 : vector<16xi32>
      %lt3A_469 = arith.constant 0 : i32
      %lt3A_470 = vector.broadcast %lt3A_469 : i32 to vector<16xi32>
      %lt3A_471 = arith.cmpi slt, %xor3A_468, %lt3A_470 : vector<16xi32>
      %add3A_472 = arith.constant 16 : i32
      %add3A_473 = vector.broadcast %add3A_472 : i32 to vector<16xi32>
      %add3A_474 = arith.addi %xor3A_468, %add3A_473 : vector<16xi32>
      %select_n3A_475 = arith.select %lt3A_471, %add3A_474, %xor3A_468 : vector<16xi1>, vector<16xi32>
      %broadcast_in_dim3A_476 = vector.shape_cast %select_n3A_475 : vector<16xi32> to vector<16x1xi32>
      %gather3A_477 = vector.shape_cast %broadcast_in_dim3A_476 : vector<16x1xi32> to vector<16xi32>
      %gather3A_478 = tpu.dynamic_gather %add3A_465[%gather3A_477] in [0] : vector<16xi32>, vector<16xi32> -> vector<16xi32>
      %add3A_479 = arith.addi %add3A_465, %gather3A_478 : vector<16xi32>
      %eq3A_480 = vector.broadcast %arg1 : i32 to vector<16xi32>
      %eq3A_481 = arith.cmpi eq, %iota3A, %eq3A_480 : vector<16xi32>
      %jit3A_482 = arith.constant 0 : i32
      %broadcast_in_dim3A_483 = vector.broadcast %jit3A_482 : i32 to vector<16xi32>
      %select_n3A_484 = arith.select %eq3A_481, %add3A_479, %broadcast_in_dim3A_483 : vector<16xi1>, vector<16xi32>
      %swap3A_485 = arith.constant 0 : index
      %swap3A_486 = tpu.vector_load %arg11[%swap3A_485] {strides = array<i32>} : memref<16xi32, #tpu.memory_space<vmem>>, vector<16xi32>,
      %swap3A_487 = vector.shape_cast %swap3A_486 : vector<16xi32> to vector<16xi32>
      %swap3A_488 = vector.shape_cast %select_n3A_484 : vector<16xi32> to vector<16xi32>
      tpu.vector_store %arg11[%swap3A_485], %swap3A_488 {strides = array<i32>} : memref<16xi32, #tpu.memory_space<vmem>>, vector<16xi32>,
      "tpu.region"() ({
        %run_scoped3A = tpu.sem_alloc : memref<!tpu.dma_semaphore, #tpu.memory_space<semaphore_mem>>
        %dma_start3A_683 = arith.constant 0 : i32
        %dma_start3A_684 = tpu.memref_slice %arg17[%dma_start3A_683] : memref<16xi32, #tpu.memory_space<vmem_shared>> -> memref<16xi32, #tpu.memory_space<vmem_shared>>
        tpu.enqueue_indirect_dma source(%arg11 : memref<16xi32, #tpu.memory_space<vmem>>) target(%dma_start3A_684 : memref<16xi32, #tpu.memory_space<vmem_shared>>) offsets(%arg13 : memref<16xi32, #tpu.memory_space<vmem>>) semaphore(%run_scoped3A : memref<!tpu.dma_semaphore, #tpu.memory_space<semaphore_mem>>) {add = true}
        %dma_wait3A_685 = arith.constant 0 : i32
        %dma_wait3A_686 = tpu.memref_slice %arg17[%dma_wait3A_685] : memref<16xi32, #tpu.memory_space<vmem_shared>> -> memref<16xi32, #tpu.memory_space<vmem_shared>>
        tpu.wait_indirect_dma semaphore(%run_scoped3A : memref<!tpu.dma_semaphore, #tpu.memory_space<semaphore_mem>>) src(%arg11 : memref<16xi32, #tpu.memory_space<vmem>>) dst(%dma_wait3A_686 : memref<16xi32, #tpu.memory_space<vmem_shared>>)
        tpu.yield
      }) : () -> ()
      %barrier3A_489 = arith.constant 0 : index
      tpu.barrier barrier_id(%barrier3A_489)
      "tpu.region"() ({
        %run_scoped3A = tpu.sem_alloc : memref<!tpu.dma_semaphore, #tpu.memory_space<semaphore_mem>>
        tpu.enqueue_dma source(%arg17 : memref<16xi32, #tpu.memory_space<vmem_shared>>) target(%arg12 : memref<16xi32, #tpu.memory_space<vmem>>) target_semaphore(%run_scoped3A : memref<!tpu.dma_semaphore, #tpu.memory_space<semaphore_mem>>)
        tpu.wait_dma2 semaphore(%run_scoped3A : memref<!tpu.dma_semaphore, #tpu.memory_space<semaphore_mem>>) src(%arg17 : memref<16xi32, #tpu.memory_space<vmem_shared>>) dst(%arg12 : memref<16xi32, #tpu.memory_space<vmem>>)
        tpu.yield
      }) : () -> ()
      %get3A_490 = arith.constant 0 : index
      %get3A_491 = tpu.vector_load %arg12[%get3A_490] {strides = array<i32>} : memref<16xi32, #tpu.memory_space<vmem>>, vector<16xi32>,
      %get3A_492 = vector.shape_cast %get3A_491 : vector<16xi32> to vector<16xi32>
      %gt3A_493 = vector.broadcast %arg1 : i32 to vector<16xi32>
      %gt3A_494 = arith.cmpi sgt, %iota3A, %gt3A_493 : vector<16xi32>
      %jit3A_495 = arith.constant 0 : i32
      %broadcast_in_dim3A_496 = vector.broadcast %jit3A_495 : i32 to vector<16xi32>
      %select_n3A_497 = arith.select %gt3A_494, %get3A_492, %broadcast_in_dim3A_496 : vector<16xi1>, vector<16xi32>
      %iota3A_498 = tpu.iota {dimensions = array<i32: 0>} : vector<16xi32>
      %xor3A_499 = arith.constant 8 : i32
      %xor3A_500 = vector.broadcast %xor3A_499 : i32 to vector<16xi32>
      %xor3A_501 = arith.xori %iota3A_498, %xor3A_500 : vector<16xi32>
      %lt3A_502 = arith.constant 0 : i32
      %lt3A_503 = vector.broadcast %lt3A_502 : i32 to vector<16xi32>
      %lt3A_504 = arith.cmpi slt, %xor3A_501, %lt3A_503 : vector<16xi32>
      %add3A_505 = arith.constant 16 : i32
      %add3A_506 = vector.broadcast %add3A_505 : i32 to vector<16xi32>
      %add3A_507 = arith.addi %xor3A_501, %add3A_506 : vector<16xi32>
      %select_n3A_508 = arith.select %lt3A_504, %add3A_507, %xor3A_501 : vector<16xi1>, vector<16xi32>
      %broadcast_in_dim3A_509 = vector.shape_cast %select_n3A_508 : vector<16xi32> to vector<16x1xi32>
      %gather3A_510 = vector.shape_cast %broadcast_in_dim3A_509 : vector<16x1xi32> to vector<16xi32>
      %gather3A_511 = tpu.dynamic_gather %select_n3A_497[%gather3A_510] in [0] : vector<16xi32>, vector<16xi32> -> vector<16xi32>
      %add3A_512 = arith.addi %select_n3A_497, %gather3A_511 : vector<16xi32>
      %xor3A_513 = arith.constant 4 : i32
      %xor3A_514 = vector.broadcast %xor3A_513 : i32 to vector<16xi32>
      %xor3A_515 = arith.xori %iota3A_498, %xor3A_514 : vector<16xi32>
      %lt3A_516 = arith.constant 0 : i32
      %lt3A_517 = vector.broadcast %lt3A_516 : i32 to vector<16xi32>
      %lt3A_518 = arith.cmpi slt, %xor3A_515, %lt3A_517 : vector<16xi32>
      %add3A_519 = arith.constant 16 : i32
      %add3A_520 = vector.broadcast %add3A_519 : i32 to vector<16xi32>
      %add3A_521 = arith.addi %xor3A_515, %add3A_520 : vector<16xi32>
      %select_n3A_522 = arith.select %lt3A_518, %add3A_521, %xor3A_515 : vector<16xi1>, vector<16xi32>
      %broadcast_in_dim3A_523 = vector.shape_cast %select_n3A_522 : vector<16xi32> to vector<16x1xi32>
      %gather3A_524 = vector.shape_cast %broadcast_in_dim3A_523 : vector<16x1xi32> to vector<16xi32>
      %gather3A_525 = tpu.dynamic_gather %add3A_512[%gather3A_524] in [0] : vector<16xi32>, vector<16xi32> -> vector<16xi32>
      %add3A_526 = arith.addi %add3A_512, %gather3A_525 : vector<16xi32>
      %xor3A_527 = arith.constant 2 : i32
      %xor3A_528 = vector.broadcast %xor3A_527 : i32 to vector<16xi32>
      %xor3A_529 = arith.xori %iota3A_498, %xor3A_528 : vector<16xi32>
      %lt3A_530 = arith.constant 0 : i32
      %lt3A_531 = vector.broadcast %lt3A_530 : i32 to vector<16xi32>
      %lt3A_532 = arith.cmpi slt, %xor3A_529, %lt3A_531 : vector<16xi32>
      %add3A_533 = arith.constant 16 : i32
      %add3A_534 = vector.broadcast %add3A_533 : i32 to vector<16xi32>
      %add3A_535 = arith.addi %xor3A_529, %add3A_534 : vector<16xi32>
      %select_n3A_536 = arith.select %lt3A_532, %add3A_535, %xor3A_529 : vector<16xi1>, vector<16xi32>
      %broadcast_in_dim3A_537 = vector.shape_cast %select_n3A_536 : vector<16xi32> to vector<16x1xi32>
      %gather3A_538 = vector.shape_cast %broadcast_in_dim3A_537 : vector<16x1xi32> to vector<16xi32>
      %gather3A_539 = tpu.dynamic_gather %add3A_526[%gather3A_538] in [0] : vector<16xi32>, vector<16xi32> -> vector<16xi32>
      %add3A_540 = arith.addi %add3A_526, %gather3A_539 : vector<16xi32>
      %xor3A_541 = arith.constant 1 : i32
      %xor3A_542 = vector.broadcast %xor3A_541 : i32 to vector<16xi32>
      %xor3A_543 = arith.xori %iota3A_498, %xor3A_542 : vector<16xi32>
      %lt3A_544 = arith.constant 0 : i32
      %lt3A_545 = vector.broadcast %lt3A_544 : i32 to vector<16xi32>
      %lt3A_546 = arith.cmpi slt, %xor3A_543, %lt3A_545 : vector<16xi32>
      %add3A_547 = arith.constant 16 : i32
      %add3A_548 = vector.broadcast %add3A_547 : i32 to vector<16xi32>
      %add3A_549 = arith.addi %xor3A_543, %add3A_548 : vector<16xi32>
      %select_n3A_550 = arith.select %lt3A_546, %add3A_549, %xor3A_543 : vector<16xi1>, vector<16xi32>
      %broadcast_in_dim3A_551 = vector.shape_cast %select_n3A_550 : vector<16xi32> to vector<16x1xi32>
      %gather3A_552 = vector.shape_cast %broadcast_in_dim3A_551 : vector<16x1xi32> to vector<16xi32>
      %gather3A_553 = tpu.dynamic_gather %add3A_540[%gather3A_552] in [0] : vector<16xi32>, vector<16xi32> -> vector<16xi32>
      %add3A_554 = arith.addi %add3A_540, %gather3A_553 : vector<16xi32>
      %mul3A_555 = arith.constant 4096 : i32
      %mul3A_556 = arith.muli %arg1, %mul3A_555 : i32
      %iota3A_557 = tpu.iota {dimensions = array<i32: 0>} : vector<16xi32>
      %broadcast_in_dim3A_558 = arith.constant 0 : i32
      %broadcast_in_dim3A_559 = vector.broadcast %broadcast_in_dim3A_558 : i32 to vector<16xi32>
      %scan3A_560 = arith.constant 0 : i32
      %scan3A_561 = arith.constant 256 : i32
      %scan3A_562 = arith.addi %scan3A_560, %scan3A_561 : i32
      %scan3A_563 = arith.constant 1 : i32
      %scan3A_564:5 = scf.for %scan3A_683 = %scan3A_560 to %scan3A_562 step %scan3A_563 iter_args(%scan3A_684 = %add3A_554, %scan3A_685 = %broadcast_in_dim3A_559, %scan3A_686 = %add3A_554, %scan3A_687 = %broadcast_in_dim3A_559, %scan3A_688 = %broadcast_in_dim3A_559) -> (vector<16xi32>, vector<16xi32>, vector<16xi32>, vector<16xi32>, vector<16xi32>)  : i32 {
        %sub3A_689 = arith.constant 255 : i32
        %sub3A_690 = arith.subi %sub3A_689, %scan3A_683 : i32
        %mul3A_691 = arith.constant 16 : i32
        %mul3A_692 = arith.muli %sub3A_690, %mul3A_691 : i32
        %get3A_693 = arith.index_cast %mul3A_692 : i32 to index
        %get3A_694 = tpu.vector_load %arg8[%get3A_693] {strides = array<i32>} : memref<4096xi32, #tpu.memory_space<vmem>>, vector<16xi32>,
        %get3A_695 = vector.shape_cast %get3A_694 : vector<16xi32> to vector<16xi32>
        %iota3A_696 = tpu.iota {dimensions = array<i32: 0>} : vector<16xi32>
        %xor3A_697 = arith.constant 8 : i32
        %xor3A_698 = vector.broadcast %xor3A_697 : i32 to vector<16xi32>
        %xor3A_699 = arith.xori %iota3A_696, %xor3A_698 : vector<16xi32>
        %lt3A_700 = arith.constant 0 : i32
        %lt3A_701 = vector.broadcast %lt3A_700 : i32 to vector<16xi32>
        %lt3A_702 = arith.cmpi slt, %xor3A_699, %lt3A_701 : vector<16xi32>
        %add3A_703 = arith.constant 16 : i32
        %add3A_704 = vector.broadcast %add3A_703 : i32 to vector<16xi32>
        %add3A_705 = arith.addi %xor3A_699, %add3A_704 : vector<16xi32>
        %select_n3A_706 = arith.select %lt3A_702, %add3A_705, %xor3A_699 : vector<16xi1>, vector<16xi32>
        %broadcast_in_dim3A_707 = vector.shape_cast %select_n3A_706 : vector<16xi32> to vector<16x1xi32>
        %gather3A_708 = vector.shape_cast %broadcast_in_dim3A_707 : vector<16x1xi32> to vector<16xi32>
        %gather3A_709 = tpu.dynamic_gather %get3A_695[%gather3A_708] in [0] : vector<16xi32>, vector<16xi32> -> vector<16xi32>
        %add3A_710 = arith.addi %get3A_695, %gather3A_709 : vector<16xi32>
        %xor3A_711 = arith.constant 4 : i32
        %xor3A_712 = vector.broadcast %xor3A_711 : i32 to vector<16xi32>
        %xor3A_713 = arith.xori %iota3A_696, %xor3A_712 : vector<16xi32>
        %lt3A_714 = arith.constant 0 : i32
        %lt3A_715 = vector.broadcast %lt3A_714 : i32 to vector<16xi32>
        %lt3A_716 = arith.cmpi slt, %xor3A_713, %lt3A_715 : vector<16xi32>
        %add3A_717 = arith.constant 16 : i32
        %add3A_718 = vector.broadcast %add3A_717 : i32 to vector<16xi32>
        %add3A_719 = arith.addi %xor3A_713, %add3A_718 : vector<16xi32>
        %select_n3A_720 = arith.select %lt3A_716, %add3A_719, %xor3A_713 : vector<16xi1>, vector<16xi32>
        %broadcast_in_dim3A_721 = vector.shape_cast %select_n3A_720 : vector<16xi32> to vector<16x1xi32>
        %gather3A_722 = vector.shape_cast %broadcast_in_dim3A_721 : vector<16x1xi32> to vector<16xi32>
        %gather3A_723 = tpu.dynamic_gather %add3A_710[%gather3A_722] in [0] : vector<16xi32>, vector<16xi32> -> vector<16xi32>
        %add3A_724 = arith.addi %add3A_710, %gather3A_723 : vector<16xi32>
        %xor3A_725 = arith.constant 2 : i32
        %xor3A_726 = vector.broadcast %xor3A_725 : i32 to vector<16xi32>
        %xor3A_727 = arith.xori %iota3A_696, %xor3A_726 : vector<16xi32>
        %lt3A_728 = arith.constant 0 : i32
        %lt3A_729 = vector.broadcast %lt3A_728 : i32 to vector<16xi32>
        %lt3A_730 = arith.cmpi slt, %xor3A_727, %lt3A_729 : vector<16xi32>
        %add3A_731 = arith.constant 16 : i32
        %add3A_732 = vector.broadcast %add3A_731 : i32 to vector<16xi32>
        %add3A_733 = arith.addi %xor3A_727, %add3A_732 : vector<16xi32>
        %select_n3A_734 = arith.select %lt3A_730, %add3A_733, %xor3A_727 : vector<16xi1>, vector<16xi32>
        %broadcast_in_dim3A_735 = vector.shape_cast %select_n3A_734 : vector<16xi32> to vector<16x1xi32>
        %gather3A_736 = vector.shape_cast %broadcast_in_dim3A_735 : vector<16x1xi32> to vector<16xi32>
        %gather3A_737 = tpu.dynamic_gather %add3A_724[%gather3A_736] in [0] : vector<16xi32>, vector<16xi32> -> vector<16xi32>
        %add3A_738 = arith.addi %add3A_724, %gather3A_737 : vector<16xi32>
        %xor3A_739 = arith.constant 1 : i32
        %xor3A_740 = vector.broadcast %xor3A_739 : i32 to vector<16xi32>
        %xor3A_741 = arith.xori %iota3A_696, %xor3A_740 : vector<16xi32>
        %lt3A_742 = arith.constant 0 : i32
        %lt3A_743 = vector.broadcast %lt3A_742 : i32 to vector<16xi32>
        %lt3A_744 = arith.cmpi slt, %xor3A_741, %lt3A_743 : vector<16xi32>
        %add3A_745 = arith.constant 16 : i32
        %add3A_746 = vector.broadcast %add3A_745 : i32 to vector<16xi32>
        %add3A_747 = arith.addi %xor3A_741, %add3A_746 : vector<16xi32>
        %select_n3A_748 = arith.select %lt3A_744, %add3A_747, %xor3A_741 : vector<16xi1>, vector<16xi32>
        %broadcast_in_dim3A_749 = vector.shape_cast %select_n3A_748 : vector<16xi32> to vector<16x1xi32>
        %gather3A_750 = vector.shape_cast %broadcast_in_dim3A_749 : vector<16x1xi32> to vector<16xi32>
        %gather3A_751 = tpu.dynamic_gather %add3A_738[%gather3A_750] in [0] : vector<16xi32>, vector<16xi32> -> vector<16xi32>
        %add3A_752 = arith.addi %add3A_738, %gather3A_751 : vector<16xi32>
        %eq3A_753 = arith.constant 0 : i32
        %eq3A_754 = vector.broadcast %eq3A_753 : i32 to vector<16xi32>
        %eq3A_755 = arith.cmpi eq, %scan3A_688, %eq3A_754 : vector<16xi32>
        %add3A_756 = arith.addi %scan3A_684, %add3A_752 : vector<16xi32>
        %ge3A = arith.cmpi sge, %add3A_756, %gather3A_401 : vector<16xi32>
        %and3A_757 = arith.andi %eq3A_755, %ge3A : vector<16xi1>
        %broadcast_in_dim3A_758 = vector.broadcast %sub3A_690 : i32 to vector<16xi32>
        %select_n3A_759 = arith.select %and3A_757, %broadcast_in_dim3A_758, %scan3A_685 : vector<16xi1>, vector<16xi32>
        %select_n3A_760 = arith.select %and3A_757, %scan3A_684, %scan3A_686 : vector<16xi1>, vector<16xi32>
        %select_n3A_761 = arith.select %and3A_757, %get3A_695, %scan3A_687 : vector<16xi1>, vector<16xi32>
        %jit3A_762 = arith.constant 1 : i32
        %broadcast_in_dim3A_763 = vector.broadcast %jit3A_762 : i32 to vector<16xi32>
        %select_n3A_764 = arith.select %and3A_757, %broadcast_in_dim3A_763, %scan3A_688 : vector<16xi1>, vector<16xi32>
        %add3A_765 = arith.addi %scan3A_684, %add3A_752 : vector<16xi32>
        scf.yield %add3A_765, %select_n3A_759, %select_n3A_760, %select_n3A_761, %select_n3A_764 : vector<16xi32>, vector<16xi32>, vector<16xi32>, vector<16xi32>, vector<16xi32>
      }
      %scan3A_565 = arith.constant 256 : i32
      %scan3A_566 = arith.constant 0 : i32
      %scan3A_567 = arith.constant 16 : i32
      %scan3A_568 = arith.addi %scan3A_566, %scan3A_567 : i32
      %scan3A_569 = arith.constant 1 : i32
      %scan3A_570:4 = scf.for %scan3A_683 = %scan3A_566 to %scan3A_568 step %scan3A_569 iter_args(%scan3A_684 = %broadcast_in_dim3A_559, %scan3A_685 = %broadcast_in_dim3A_559, %scan3A_686 = %broadcast_in_dim3A_559, %scan3A_687 = %broadcast_in_dim3A_559) -> (vector<16xi32>, vector<16xi32>, vector<16xi32>, vector<16xi32>)  : i32 {
        %sub3A_688 = arith.constant 15 : i32
        %sub3A_689 = arith.subi %sub3A_688, %scan3A_683 : i32
        %eq3A_690 = vector.broadcast %sub3A_689 : i32 to vector<16xi32>
        %eq3A_691 = arith.cmpi eq, %iota3A_557, %eq3A_690 : vector<16xi32>
        %jit3A_692 = arith.constant 0 : i32
        %broadcast_in_dim3A_693 = vector.broadcast %jit3A_692 : i32 to vector<16xi32>
        %select_n3A_694 = arith.select %eq3A_691, %scan3A_564#3, %broadcast_in_dim3A_693 : vector<16xi1>, vector<16xi32>
        %iota3A_695 = tpu.iota {dimensions = array<i32: 0>} : vector<16xi32>
        %xor3A_696 = arith.constant 8 : i32
        %xor3A_697 = vector.broadcast %xor3A_696 : i32 to vector<16xi32>
        %xor3A_698 = arith.xori %iota3A_695, %xor3A_697 : vector<16xi32>
        %lt3A_699 = arith.constant 0 : i32
        %lt3A_700 = vector.broadcast %lt3A_699 : i32 to vector<16xi32>
        %lt3A_701 = arith.cmpi slt, %xor3A_698, %lt3A_700 : vector<16xi32>
        %add3A_702 = arith.constant 16 : i32
        %add3A_703 = vector.broadcast %add3A_702 : i32 to vector<16xi32>
        %add3A_704 = arith.addi %xor3A_698, %add3A_703 : vector<16xi32>
        %select_n3A_705 = arith.select %lt3A_701, %add3A_704, %xor3A_698 : vector<16xi1>, vector<16xi32>
        %broadcast_in_dim3A_706 = vector.shape_cast %select_n3A_705 : vector<16xi32> to vector<16x1xi32>
        %gather3A_707 = vector.shape_cast %broadcast_in_dim3A_706 : vector<16x1xi32> to vector<16xi32>
        %gather3A_708 = tpu.dynamic_gather %select_n3A_694[%gather3A_707] in [0] : vector<16xi32>, vector<16xi32> -> vector<16xi32>
        %add3A_709 = arith.addi %select_n3A_694, %gather3A_708 : vector<16xi32>
        %xor3A_710 = arith.constant 4 : i32
        %xor3A_711 = vector.broadcast %xor3A_710 : i32 to vector<16xi32>
        %xor3A_712 = arith.xori %iota3A_695, %xor3A_711 : vector<16xi32>
        %lt3A_713 = arith.constant 0 : i32
        %lt3A_714 = vector.broadcast %lt3A_713 : i32 to vector<16xi32>
        %lt3A_715 = arith.cmpi slt, %xor3A_712, %lt3A_714 : vector<16xi32>
        %add3A_716 = arith.constant 16 : i32
        %add3A_717 = vector.broadcast %add3A_716 : i32 to vector<16xi32>
        %add3A_718 = arith.addi %xor3A_712, %add3A_717 : vector<16xi32>
        %select_n3A_719 = arith.select %lt3A_715, %add3A_718, %xor3A_712 : vector<16xi1>, vector<16xi32>
        %broadcast_in_dim3A_720 = vector.shape_cast %select_n3A_719 : vector<16xi32> to vector<16x1xi32>
        %gather3A_721 = vector.shape_cast %broadcast_in_dim3A_720 : vector<16x1xi32> to vector<16xi32>
        %gather3A_722 = tpu.dynamic_gather %add3A_709[%gather3A_721] in [0] : vector<16xi32>, vector<16xi32> -> vector<16xi32>
        %add3A_723 = arith.addi %add3A_709, %gather3A_722 : vector<16xi32>
        %xor3A_724 = arith.constant 2 : i32
        %xor3A_725 = vector.broadcast %xor3A_724 : i32 to vector<16xi32>
        %xor3A_726 = arith.xori %iota3A_695, %xor3A_725 : vector<16xi32>
        %lt3A_727 = arith.constant 0 : i32
        %lt3A_728 = vector.broadcast %lt3A_727 : i32 to vector<16xi32>
        %lt3A_729 = arith.cmpi slt, %xor3A_726, %lt3A_728 : vector<16xi32>
        %add3A_730 = arith.constant 16 : i32
        %add3A_731 = vector.broadcast %add3A_730 : i32 to vector<16xi32>
        %add3A_732 = arith.addi %xor3A_726, %add3A_731 : vector<16xi32>
        %select_n3A_733 = arith.select %lt3A_729, %add3A_732, %xor3A_726 : vector<16xi1>, vector<16xi32>
        %broadcast_in_dim3A_734 = vector.shape_cast %select_n3A_733 : vector<16xi32> to vector<16x1xi32>
        %gather3A_735 = vector.shape_cast %broadcast_in_dim3A_734 : vector<16x1xi32> to vector<16xi32>
        %gather3A_736 = tpu.dynamic_gather %add3A_723[%gather3A_735] in [0] : vector<16xi32>, vector<16xi32> -> vector<16xi32>
        %add3A_737 = arith.addi %add3A_723, %gather3A_736 : vector<16xi32>
        %xor3A_738 = arith.constant 1 : i32
        %xor3A_739 = vector.broadcast %xor3A_738 : i32 to vector<16xi32>
        %xor3A_740 = arith.xori %iota3A_695, %xor3A_739 : vector<16xi32>
        %lt3A_741 = arith.constant 0 : i32
        %lt3A_742 = vector.broadcast %lt3A_741 : i32 to vector<16xi32>
        %lt3A_743 = arith.cmpi slt, %xor3A_740, %lt3A_742 : vector<16xi32>
        %add3A_744 = arith.constant 16 : i32
        %add3A_745 = vector.broadcast %add3A_744 : i32 to vector<16xi32>
        %add3A_746 = arith.addi %xor3A_740, %add3A_745 : vector<16xi32>
        %select_n3A_747 = arith.select %lt3A_743, %add3A_746, %xor3A_740 : vector<16xi1>, vector<16xi32>
        %broadcast_in_dim3A_748 = vector.shape_cast %select_n3A_747 : vector<16xi32> to vector<16x1xi32>
        %gather3A_749 = vector.shape_cast %broadcast_in_dim3A_748 : vector<16x1xi32> to vector<16xi32>
        %gather3A_750 = tpu.dynamic_gather %add3A_737[%gather3A_749] in [0] : vector<16xi32>, vector<16xi32> -> vector<16xi32>
        %add3A_751 = arith.addi %add3A_737, %gather3A_750 : vector<16xi32>
        %add3A_752 = arith.addi %scan3A_684, %add3A_751 : vector<16xi32>
        %eq3A_753 = arith.constant 0 : i32
        %eq3A_754 = vector.broadcast %eq3A_753 : i32 to vector<16xi32>
        %eq3A_755 = arith.cmpi eq, %scan3A_687, %eq3A_754 : vector<16xi32>
        %add3A_756 = arith.addi %scan3A_564#2, %add3A_752 : vector<16xi32>
        %ge3A = arith.cmpi sge, %add3A_756, %gather3A_401 : vector<16xi32>
        %and3A_757 = arith.andi %eq3A_755, %ge3A : vector<16xi1>
        %broadcast_in_dim3A_758 = vector.broadcast %sub3A_689 : i32 to vector<16xi32>
        %select_n3A_759 = arith.select %and3A_757, %broadcast_in_dim3A_758, %scan3A_685 : vector<16xi1>, vector<16xi32>
        %add3A_760 = arith.addi %scan3A_564#2, %add3A_752 : vector<16xi32>
        %select_n3A_761 = arith.select %and3A_757, %add3A_760, %scan3A_686 : vector<16xi1>, vector<16xi32>
        %jit3A_762 = arith.constant 1 : i32
        %broadcast_in_dim3A_763 = vector.broadcast %jit3A_762 : i32 to vector<16xi32>
        %select_n3A_764 = arith.select %and3A_757, %broadcast_in_dim3A_763, %scan3A_687 : vector<16xi1>, vector<16xi32>
        scf.yield %add3A_752, %select_n3A_759, %select_n3A_761, %select_n3A_764 : vector<16xi32>, vector<16xi32>, vector<16xi32>, vector<16xi32>
      }
      %scan3A_571 = arith.constant 16 : i32
      %eq3A_572 = arith.cmpi eq, %iota3A_557, %scan3A_570#1 : vector<16xi32>
      %jit3A_573 = arith.constant 0 : i32
      %broadcast_in_dim3A_574 = vector.broadcast %jit3A_573 : i32 to vector<16xi32>
      %select_n3A_575 = arith.select %eq3A_572, %scan3A_564#3, %broadcast_in_dim3A_574 : vector<16xi1>, vector<16xi32>
      %iota3A_576 = tpu.iota {dimensions = array<i32: 0>} : vector<16xi32>
      %xor3A_577 = arith.constant 8 : i32
      %xor3A_578 = vector.broadcast %xor3A_577 : i32 to vector<16xi32>
      %xor3A_579 = arith.xori %iota3A_576, %xor3A_578 : vector<16xi32>
      %lt3A_580 = arith.constant 0 : i32
      %lt3A_581 = vector.broadcast %lt3A_580 : i32 to vector<16xi32>
      %lt3A_582 = arith.cmpi slt, %xor3A_579, %lt3A_581 : vector<16xi32>
      %add3A_583 = arith.constant 16 : i32
      %add3A_584 = vector.broadcast %add3A_583 : i32 to vector<16xi32>
      %add3A_585 = arith.addi %xor3A_579, %add3A_584 : vector<16xi32>
      %select_n3A_586 = arith.select %lt3A_582, %add3A_585, %xor3A_579 : vector<16xi1>, vector<16xi32>
      %broadcast_in_dim3A_587 = vector.shape_cast %select_n3A_586 : vector<16xi32> to vector<16x1xi32>
      %gather3A_588 = vector.shape_cast %broadcast_in_dim3A_587 : vector<16x1xi32> to vector<16xi32>
      %gather3A_589 = tpu.dynamic_gather %select_n3A_575[%gather3A_588] in [0] : vector<16xi32>, vector<16xi32> -> vector<16xi32>
      %add3A_590 = arith.addi %select_n3A_575, %gather3A_589 : vector<16xi32>
      %xor3A_591 = arith.constant 4 : i32
      %xor3A_592 = vector.broadcast %xor3A_591 : i32 to vector<16xi32>
      %xor3A_593 = arith.xori %iota3A_576, %xor3A_592 : vector<16xi32>
      %lt3A_594 = arith.constant 0 : i32
      %lt3A_595 = vector.broadcast %lt3A_594 : i32 to vector<16xi32>
      %lt3A_596 = arith.cmpi slt, %xor3A_593, %lt3A_595 : vector<16xi32>
      %add3A_597 = arith.constant 16 : i32
      %add3A_598 = vector.broadcast %add3A_597 : i32 to vector<16xi32>
      %add3A_599 = arith.addi %xor3A_593, %add3A_598 : vector<16xi32>
      %select_n3A_600 = arith.select %lt3A_596, %add3A_599, %xor3A_593 : vector<16xi1>, vector<16xi32>
      %broadcast_in_dim3A_601 = vector.shape_cast %select_n3A_600 : vector<16xi32> to vector<16x1xi32>
      %gather3A_602 = vector.shape_cast %broadcast_in_dim3A_601 : vector<16x1xi32> to vector<16xi32>
      %gather3A_603 = tpu.dynamic_gather %add3A_590[%gather3A_602] in [0] : vector<16xi32>, vector<16xi32> -> vector<16xi32>
      %add3A_604 = arith.addi %add3A_590, %gather3A_603 : vector<16xi32>
      %xor3A_605 = arith.constant 2 : i32
      %xor3A_606 = vector.broadcast %xor3A_605 : i32 to vector<16xi32>
      %xor3A_607 = arith.xori %iota3A_576, %xor3A_606 : vector<16xi32>
      %lt3A_608 = arith.constant 0 : i32
      %lt3A_609 = vector.broadcast %lt3A_608 : i32 to vector<16xi32>
      %lt3A_610 = arith.cmpi slt, %xor3A_607, %lt3A_609 : vector<16xi32>
      %add3A_611 = arith.constant 16 : i32
      %add3A_612 = vector.broadcast %add3A_611 : i32 to vector<16xi32>
      %add3A_613 = arith.addi %xor3A_607, %add3A_612 : vector<16xi32>
      %select_n3A_614 = arith.select %lt3A_610, %add3A_613, %xor3A_607 : vector<16xi1>, vector<16xi32>
      %broadcast_in_dim3A_615 = vector.shape_cast %select_n3A_614 : vector<16xi32> to vector<16x1xi32>
      %gather3A_616 = vector.shape_cast %broadcast_in_dim3A_615 : vector<16x1xi32> to vector<16xi32>
      %gather3A_617 = tpu.dynamic_gather %add3A_604[%gather3A_616] in [0] : vector<16xi32>, vector<16xi32> -> vector<16xi32>
      %add3A_618 = arith.addi %add3A_604, %gather3A_617 : vector<16xi32>
      %xor3A_619 = arith.constant 1 : i32
      %xor3A_620 = vector.broadcast %xor3A_619 : i32 to vector<16xi32>
      %xor3A_621 = arith.xori %iota3A_576, %xor3A_620 : vector<16xi32>
      %lt3A_622 = arith.constant 0 : i32
      %lt3A_623 = vector.broadcast %lt3A_622 : i32 to vector<16xi32>
      %lt3A_624 = arith.cmpi slt, %xor3A_621, %lt3A_623 : vector<16xi32>
      %add3A_625 = arith.constant 16 : i32
      %add3A_626 = vector.broadcast %add3A_625 : i32 to vector<16xi32>
      %add3A_627 = arith.addi %xor3A_621, %add3A_626 : vector<16xi32>
      %select_n3A_628 = arith.select %lt3A_624, %add3A_627, %xor3A_621 : vector<16xi1>, vector<16xi32>
      %broadcast_in_dim3A_629 = vector.shape_cast %select_n3A_628 : vector<16xi32> to vector<16x1xi32>
      %gather3A_630 = vector.shape_cast %broadcast_in_dim3A_629 : vector<16x1xi32> to vector<16xi32>
      %gather3A_631 = tpu.dynamic_gather %add3A_618[%gather3A_630] in [0] : vector<16xi32>, vector<16xi32> -> vector<16xi32>
      %add3A_632 = arith.addi %add3A_618, %gather3A_631 : vector<16xi32>
      %mul3A_633 = arith.constant 16 : i32
      %mul3A_634 = vector.broadcast %mul3A_633 : i32 to vector<16xi32>
      %mul3A_635 = arith.muli %scan3A_564#1, %mul3A_634 : vector<16xi32>
      %add3A_636 = vector.broadcast %mul3A_556 : i32 to vector<16xi32>
      %add3A_637 = arith.addi %add3A_636, %mul3A_635 : vector<16xi32>
      %add3A_638 = arith.addi %add3A_637, %scan3A_570#1 : vector<16xi32>
      %sub3A_639 = arith.subi %scan3A_570#2, %add3A_632 : vector<16xi32>
      %gt3A_640 = arith.constant 0 : i32
      %gt3A_641 = vector.broadcast %gt3A_640 : i32 to vector<16xi32>
      %gt3A_642 = arith.cmpi sgt, %scan3A_564#4, %gt3A_641 : vector<16xi32>
      %lt3A_643 = arith.cmpi slt, %add3A_554, %gather3A_401 : vector<16xi32>
      %and3A_644 = arith.andi %gt3A_642, %lt3A_643 : vector<16xi1>
      %bitcast_convert_type3A = tpu.bitcast %gather3A_377 : vector<16xi32> -> vector<16xi32>
      %shift_left3A = arith.constant 16 : i32
      %shift_left3A_645 = vector.broadcast %shift_left3A : i32 to vector<16xi32>
      %shift_left3A_646 = arith.shli %bitcast_convert_type3A, %shift_left3A_645 : vector<16xi32>
      %bitcast_convert_type3A_647 = tpu.bitcast %add3A_638 : vector<16xi32> -> vector<16xi32>
      %or3A = arith.ori %shift_left3A_646, %bitcast_convert_type3A_647 : vector<16xi32>
      %bitcast_convert_type3A_648 = tpu.bitcast %or3A : vector<16xi32> -> vector<16xi32>
      %eq3A_649 = arith.constant 0 : i32
      %eq3A_650 = vector.broadcast %eq3A_649 : i32 to vector<16xi32>
      %eq3A_651 = arith.cmpi eq, %iota3A, %eq3A_650 : vector<16xi32>
      %and3A_652 = arith.andi %and3A_644, %eq3A_651 : vector<16xi1>
      %jit3A_653 = arith.constant 0 : i32
      %broadcast_in_dim3A_654 = vector.broadcast %jit3A_653 : i32 to vector<16xi32>
      %select_n3A_655 = arith.select %and3A_652, %bitcast_convert_type3A_648, %broadcast_in_dim3A_654 : vector<16xi1>, vector<16xi32>
      %swap3A_656 = arith.constant 0 : index
      %swap3A_657 = tpu.vector_load %arg11[%swap3A_656] {strides = array<i32>} : memref<16xi32, #tpu.memory_space<vmem>>, vector<16xi32>,
      %swap3A_658 = vector.shape_cast %swap3A_657 : vector<16xi32> to vector<16xi32>
      %swap3A_659 = vector.shape_cast %select_n3A_655 : vector<16xi32> to vector<16xi32>
      tpu.vector_store %arg11[%swap3A_656], %swap3A_659 {strides = array<i32>} : memref<16xi32, #tpu.memory_space<vmem>>, vector<16xi32>,
      "tpu.region"() ({
        %run_scoped3A = tpu.sem_alloc : memref<!tpu.dma_semaphore, #tpu.memory_space<semaphore_mem>>
        %dma_start3A_683 = arith.constant 0 : i32
        %dma_start3A_684 = tpu.memref_slice %arg19[%dma_start3A_683] : memref<16xi32, #tpu.memory_space<vmem_shared>> -> memref<16xi32, #tpu.memory_space<vmem_shared>>
        tpu.enqueue_indirect_dma source(%arg11 : memref<16xi32, #tpu.memory_space<vmem>>) target(%dma_start3A_684 : memref<16xi32, #tpu.memory_space<vmem_shared>>) offsets(%arg13 : memref<16xi32, #tpu.memory_space<vmem>>) semaphore(%run_scoped3A : memref<!tpu.dma_semaphore, #tpu.memory_space<semaphore_mem>>) {add = true}
        %dma_wait3A_685 = arith.constant 0 : i32
        %dma_wait3A_686 = tpu.memref_slice %arg19[%dma_wait3A_685] : memref<16xi32, #tpu.memory_space<vmem_shared>> -> memref<16xi32, #tpu.memory_space<vmem_shared>>
        tpu.wait_indirect_dma semaphore(%run_scoped3A : memref<!tpu.dma_semaphore, #tpu.memory_space<semaphore_mem>>) src(%arg11 : memref<16xi32, #tpu.memory_space<vmem>>) dst(%dma_wait3A_686 : memref<16xi32, #tpu.memory_space<vmem_shared>>)
        tpu.yield
      }) : () -> ()
      %barrier3A_660 = arith.constant 0 : index
      tpu.barrier barrier_id(%barrier3A_660)
      "tpu.region"() ({
        %run_scoped3A = tpu.sem_alloc : memref<!tpu.dma_semaphore, #tpu.memory_space<semaphore_mem>>
        tpu.enqueue_dma source(%arg19 : memref<16xi32, #tpu.memory_space<vmem_shared>>) target(%arg12 : memref<16xi32, #tpu.memory_space<vmem>>) target_semaphore(%run_scoped3A : memref<!tpu.dma_semaphore, #tpu.memory_space<semaphore_mem>>)
        tpu.wait_dma2 semaphore(%run_scoped3A : memref<!tpu.dma_semaphore, #tpu.memory_space<semaphore_mem>>) src(%arg19 : memref<16xi32, #tpu.memory_space<vmem_shared>>) dst(%arg12 : memref<16xi32, #tpu.memory_space<vmem>>)
        tpu.yield
      }) : () -> ()
      %get3A_661 = arith.constant 0 : index
      %get3A_662 = tpu.vector_load %arg12[%get3A_661] {strides = array<i32>} : memref<16xi32, #tpu.memory_space<vmem>>, vector<16xi32>,
      %get3A_663 = vector.shape_cast %get3A_662 : vector<16xi32> to vector<16xi32>
      %broadcast_in_dim3A_664 = arith.constant 0 : i32
      %broadcast_in_dim3A_665 = vector.broadcast %broadcast_in_dim3A_664 : i32 to vector<16xi32>
      %lt3A_666 = arith.constant 0 : i32
      %lt3A_667 = vector.broadcast %lt3A_666 : i32 to vector<16xi32>
      %lt3A_668 = arith.cmpi slt, %broadcast_in_dim3A_665, %lt3A_667 : vector<16xi32>
      %add3A_669 = arith.constant 16 : i32
      %add3A_670 = vector.broadcast %add3A_669 : i32 to vector<16xi32>
      %add3A_671 = arith.addi %broadcast_in_dim3A_665, %add3A_670 : vector<16xi32>
      %select_n3A_672 = arith.select %lt3A_668, %add3A_671, %broadcast_in_dim3A_665 : vector<16xi1>, vector<16xi32>
      %broadcast_in_dim3A_673 = vector.shape_cast %select_n3A_672 : vector<16xi32> to vector<16x1xi32>
      %gather3A_674 = vector.shape_cast %broadcast_in_dim3A_673 : vector<16x1xi32> to vector<16xi32>
      %gather3A_675 = tpu.dynamic_gather %get3A_663[%gather3A_674] in [0] : vector<16xi32>, vector<16xi32> -> vector<16xi32>
      %bitcast_convert_type3A_676 = tpu.bitcast %gather3A_675 : vector<16xi32> -> vector<16xi32>
      %get3A_677 = arith.constant 0 : index
      %get3A_678 = tpu.vector_load %arg14[%get3A_677] {strides = array<i32>} : memref<16xf32, #tpu.memory_space<vmem>>, vector<16xf32>,
      %get3A_679 = vector.shape_cast %get3A_678 : vector<16xf32> to vector<16xf32>
      %parallel_loop3A_680 = arith.constant 0 : i32
      %parallel_loop3A_681 = arith.constant 1024 : i32
      %parallel_loop3A_682 = arith.constant 1 : i32
      scf.for %parallel_loop3A_683 = %parallel_loop3A_680 to %parallel_loop3A_681 step %parallel_loop3A_682  : i32 {
        %parallel_loop3A_684 = arith.constant 16 : i32
        %parallel_loop3A_685 = arith.muli %parallel_loop3A_683, %parallel_loop3A_684 : i32
        %parallel_loop3A_686 = arith.index_cast %parallel_loop3A_685 : i32 to index
        %parallel_loop3A_687 = tpu.vector_load %arg5[%parallel_loop3A_686] {strides = array<i32>} : memref<16384xf32, #tpu.memory_space<vmem>>, vector<16xf32>,
        %parallel_loop3A_688 = vector.shape_cast %parallel_loop3A_687 : vector<16xf32> to vector<16xf32>
        %parallel_loop3A_689 = tpu.bitcast %parallel_loop3A_688 : vector<16xf32> -> vector<16xi32>
        %parallel_loop3A_690 = arith.constant 0 : i32
        %parallel_loop3A_691 = vector.broadcast %parallel_loop3A_690 : i32 to vector<16xi32>
        %parallel_loop3A_692 = arith.cmpi slt, %parallel_loop3A_689, %parallel_loop3A_691 : vector<16xi32>
        %parallel_loop3A_693 = arith.constant -1 : i32
        %parallel_loop3A_694 = arith.constant -2147483648 : i32
        %parallel_loop3A_695 = vector.broadcast %parallel_loop3A_693 : i32 to vector<16xi32>
        %parallel_loop3A_696 = vector.broadcast %parallel_loop3A_694 : i32 to vector<16xi32>
        %parallel_loop3A_697 = arith.select %parallel_loop3A_692, %parallel_loop3A_695, %parallel_loop3A_696 : vector<16xi1>, vector<16xi32>
        %parallel_loop3A_698 = arith.xori %parallel_loop3A_689, %parallel_loop3A_697 : vector<16xi32>
        %parallel_loop3A_699 = arith.cmpi uge, %parallel_loop3A_698, %bitcast_convert_type3A_676 : vector<16xi32>
        %parallel_loop3A_700 = arith.subf %parallel_loop3A_688, %get3A_679 : vector<16xf32>
        %parallel_loop3A_701 = arith.constant 0.000000e+00 : f32
        %parallel_loop3A_702 = vector.broadcast %parallel_loop3A_701 : f32 to vector<16xf32>
        %parallel_loop3A_703 = arith.maximumf %parallel_loop3A_700, %parallel_loop3A_702 : vector<16xf32>
        %parallel_loop3A_704 = arith.constant 0.000000e+00 : f32
        %parallel_loop3A_705 = vector.broadcast %parallel_loop3A_704 : f32 to vector<16xf32>
        %parallel_loop3A_706 = arith.select %parallel_loop3A_699, %parallel_loop3A_703, %parallel_loop3A_705 : vector<16xi1>, vector<16xf32>
        %parallel_loop3A_707 = arith.constant 16 : i32
        %parallel_loop3A_708 = arith.muli %parallel_loop3A_683, %parallel_loop3A_707 : i32
        %parallel_loop3A_709 = arith.index_cast %parallel_loop3A_708 : i32 to index
        %parallel_loop3A_710 = tpu.vector_load %arg5[%parallel_loop3A_709] {strides = array<i32>} : memref<16384xf32, #tpu.memory_space<vmem>>, vector<16xf32>,
        %parallel_loop3A_711 = vector.shape_cast %parallel_loop3A_710 : vector<16xf32> to vector<16xf32>
        %parallel_loop3A_712 = vector.shape_cast %parallel_loop3A_706 : vector<16xf32> to vector<16xf32>
        tpu.vector_store %arg5[%parallel_loop3A_709], %parallel_loop3A_712 {strides = array<i32>} : memref<16384xf32, #tpu.memory_space<vmem>>, vector<16xf32>,
      } {sc.loop_unroll_factor = 8 : i64, sc.parallel_access}
      "tpu.region"() ({
        %run_scoped3A = tpu.sem_alloc : memref<!tpu.dma_semaphore, #tpu.memory_space<semaphore_mem>>
        %dma_start3A_683 = tpu.memref_slice %arg4[%mul3A_2] : memref<262144xf32, #tpu.memory_space<hbm>> -> memref<16384xf32, #tpu.memory_space<hbm>>
        %dma_start3A_684 = tpu.memref_slice %arg4[%mul3A_2] : memref<262144xf32, #tpu.memory_space<hbm>> -> memref<16384xf32, #tpu.memory_space<hbm>>
        tpu.enqueue_dma source(%arg5 : memref<16384xf32, #tpu.memory_space<vmem>>) target(%dma_start3A_684 : memref<16384xf32, #tpu.memory_space<hbm>>) target_semaphore(%run_scoped3A : memref<!tpu.dma_semaphore, #tpu.memory_space<semaphore_mem>>)
        %dma_wait3A_685 = tpu.memref_slice %arg4[%mul3A_2] : memref<262144xf32, #tpu.memory_space<hbm>> -> memref<16384xf32, #tpu.memory_space<hbm>>
        %dma_wait3A_686 = tpu.memref_slice %arg4[%mul3A_2] : memref<262144xf32, #tpu.memory_space<hbm>> -> memref<16384xf32, #tpu.memory_space<hbm>>
        tpu.wait_dma2 semaphore(%run_scoped3A : memref<!tpu.dma_semaphore, #tpu.memory_space<semaphore_mem>>) src(%arg5 : memref<16384xf32, #tpu.memory_space<vmem>>) dst(%dma_wait3A_686 : memref<16384xf32, #tpu.memory_space<hbm>>)
        tpu.yield
      }) : () -> ()
    } else {
    }
    return
  }
}

module attributes {stable_mosaic.version = 14 : i64} {
  func.func @_matvec_body(%arg0: i32, %arg1: memref<1x128xf32, #tpu.memory_space<vmem>>, %arg2: memref<16384x128xf32, #tpu.memory_space<vmem>>, %arg3: memref<16384x128xf32, #tpu.memory_space<vmem>>, %arg4: memref<128x128xf32, #tpu.memory_space<vmem>>) attributes {dimension_semantics = [#tpu.dimension_semantics<arbitrary>], iteration_bounds = array<i64: 16>, scalar_prefetch = 0 : i64, scratch_operands = 0 : i64, tpu.core_type = #tpu.core_type<tc>, window_params = [{pipeline_mode = #tpu.pipeline_mode<synchronous>, transform_indices = @transform_0, window_bounds = array<i64: 1, 128>}, {transform_indices = @transform_1, window_bounds = array<i64: 16384, 128>}, {transform_indices = @transform_2, window_bounds = array<i64: 16384, 128>}, {transform_indices = @transform_3, window_bounds = array<i64: 128, 128>}]} {
    %get3A = arith.constant 0 : index
    %get3A_0 = arith.constant 0 : index
    %get3A_1 = vector.load %arg2[%get3A, %get3A_0] : memref<16384x128xf32, #tpu.memory_space<vmem>>, vector<16384x128xf32>
    %get3A_2 = arith.constant 0 : index
    %get3A_3 = arith.constant 0 : index
    %get3A_4 = vector.load %arg3[%get3A_2, %get3A_3] : memref<16384x128xf32, #tpu.memory_space<vmem>>, vector<16384x128xf32>
    %mul3A = arith.mulf %get3A_1, %get3A_4 : vector<16384x128xf32>
    %convert_element_type3A = arith.truncf %mul3A : vector<16384x128xf32> to vector<16384x128xbf16>
    %convert_element_type3A_5 = arith.extf %convert_element_type3A : vector<16384x128xbf16> to vector<16384x128xf32>
    %get3A_6 = arith.constant 0 : index
    %get3A_7 = arith.constant 0 : index
    %get3A_8 = vector.load %arg1[%get3A_6, %get3A_7] : memref<1x128xf32, #tpu.memory_space<vmem>>, vector<1x128xf32>
    %convert_element_type3A_9 = arith.truncf %get3A_8 : vector<1x128xf32> to vector<1x128xbf16>
    %convert_element_type3A_10 = arith.extf %convert_element_type3A_9 : vector<1x128xbf16> to vector<1x128xf32>
    %mul3A_11 = vector.broadcast %convert_element_type3A_10 : vector<1x128xf32> to vector<16384x128xf32>
    %mul3A_12 = arith.mulf %convert_element_type3A_5, %mul3A_11 : vector<16384x128xf32>
    %reduce_sum3A = arith.constant dense<0.000000e+00> : vector<16384xf32>
    %reduce_sum3A_13 = vector.multi_reduction <add>, %mul3A_12, %reduce_sum3A [1] : vector<16384x128xf32> to vector<16384xf32>
    %reshape3A = vector.shape_cast %reduce_sum3A_13 : vector<16384xf32> to vector<128x128xf32>
    %swap3A = arith.constant 0 : index
    %swap3A_14 = arith.constant 0 : index
    %swap3A_15 = vector.load %arg4[%swap3A, %swap3A_14] : memref<128x128xf32, #tpu.memory_space<vmem>>, vector<128x128xf32>
    tpu.vector_store %arg4[%swap3A, %swap3A_14], %reshape3A {strides = array<i32>} : memref<128x128xf32, #tpu.memory_space<vmem>>, vector<128x128xf32>,
    return
  }
  func.func @transform_0(%arg0: i32) -> (i32, i32) {
    %c0_i32 = arith.constant 0 : i32
    %c0_i32_0 = arith.constant 0 : i32
    %c0_i32_1 = arith.constant 0 : i32
    return %c0_i32, %c0_i32_0 : i32, i32
  }
  func.func @transform_1(%arg0: i32) -> (i32, i32) {
    %c0_i32 = arith.constant 0 : i32
    %c0_i32_0 = arith.constant 0 : i32
    return %arg0, %c0_i32 : i32, i32
  }
  func.func @transform_2(%arg0: i32) -> (i32, i32) {
    %c0_i32 = arith.constant 0 : i32
    %c0_i32_0 = arith.constant 0 : i32
    return %arg0, %c0_i32 : i32, i32
  }
  func.func @transform_3(%arg0: i32) -> (i32, i32) {
    %c0_i32 = arith.constant 0 : i32
    %c0_i32_0 = arith.constant 0 : i32
    return %arg0, %c0_i32 : i32, i32
  }
}

</mosaic_0001>

<sc_bundles>
// kernel: kernel.4.cloned.1.call-start
scs
__scs_entry_jumppad:
0x0: {  	(pc) =	sbr.rel $0x88, $3  }
0x1: {  	(tag) =	ssettag $0x0;
	lr =	simm.s32 $0x1  }
0x2: {  	[smem:$0x3F9D] =	sst lr;
	_ =	strace $0xD0000000  }
0x3: {  	_ = 	snop  }
0x4: {  	_ = 	snop  }
0x5: {  	_ = 	snop  }
0x6: {  	_ = 	snop  }
0x7: {  	_ = 	snop  }
__scs_overlays_trampoline_lowered:
0x8: {  	[smem:$0x3FAC] =	sst s0  }
0x9: {  	[smem:$0x3FAD] =	sst s1  }
0xa: {  	[smem:$0x3FAE] =	sst s2  }
0xb: {  	[smem:$0x3FAF] =	sst s3  }
0xc: {  	[smem:$0x3FB0] =	sst s4  }
0xd: {  	[smem:$0x3FB1] =	sst s5  }
0xe: {  	[smem:$0x3FB2] =	sst s6  }
0xf: {  	[smem:$0x3FB3] =	sst s7  }
0x10: {  	[smem:$0x3FB4] =	sst s8  }
0x11: {  	[smem:$0x3FB5] =	sst s9;
	s0 =	simm.s32 @!p0 $0x0  }
0x12: {  	s1 =	sld [smem:$0x3F9B];
	s0 =	simm.s32 @p0 $0x1  }
0x13: {  	[smem:$0x3FB6] =	sst s0;
	s0 =	simm.s32 @!p1 $0x0  }
0x14: {  	s2 =	sld [smem:$0x3F9A];
	s0 =	simm.s32 @p1 $0x1  }
0x15: {  	[smem:$0x3FB7] =	sst s0;
	s0 =	simm.s32 @!p2 $0x0  }
0x16: {  	s3 =	sld [smem:$0x3FDB];
	s0 =	simm.s32 @p2 $0x1  }
0x17: {  	s4 =	simm.s32 $0x1BF5;
	[smem:$0x3FB9] =	sst s0  }
0x18: {  	s0 =	sld [smem:$0x3F9C];
	_ =	swait.ge [sflag:s4], $0x0  }
0x19: {  	s7 =	sld [smem:$0x3F9D]  }
0x1a: {  	s8 =	sadd.s32 $0xFFFFE003, lr  }
0x1b: {  	s9 =	sadd.s32 $0xFFFFFEF7, lr;
	s5 =	simm.s32 $0xFFFFFFFF;
	p2 =	slt.u32 s8, $0xFFFFF086  }
0x1c: {  	p1 =	slt.u32 s9, $0xF7A;
	s5 =	simm.s32 @!p2 $0x0  }
0x1d: {  	s5 =	simm.s32 @p1 $0x1;
	p0 =	seq.s32 s7, s2  }
0x1e: {  	s7 =	smul.u32 @!p0 $0xF7A, s2;
	p2 =	seq.s32 @!p0 s5, $0x0  }
0x1f: {  	s9 =	smul.u32 $0xF7A, s1;
	s8 =	simm.s32 @!p0 $0x1BF5;
	p2 =	por !p2, p0  }
0x20: {  	[sflag:s8] =	ssyncset.s32 @!p0 $0xFFFFF086;
	s6 =	sadd.s32 @!p0 s3, s7;
	s7 =	simm.s32 @!p0 $0x108  }
0x21: {  	s3 =	sadd.s32 s3, s9;
	s6 =	sadd.s32 @!p0 $0x88, s6;
	s7 =	simm.s32 @p2 $0x1082  }
0x22: {  	[simem:s7], [sflag:s8] =	dma.local @!p0 [hbm:s6], $0xF7A  }
0x23: {  	s9 =	sor.u32 $0xD0000000, s2;
	s6 =	simm.s32 $0x108;
	_ =	swait.ge @!p0 [sflag:s8], $0x0  }
0x24: {  	s3 =	sadd.s32 $0x88, s3;
	s6 =	simm.s32 @!p1 $0x1082;
	[sflag:s4] =	ssyncset.s32 $0xFFFFF086  }
0x25: {  	[simem:s6], [sflag:s4] =	dma.local [hbm:s3], $0xF7A  }
0x26: {  	[smem:$0x3F9D] =	sst s1;
	(tag) =	ssettag s2;
	_ =	strace s9  }
0x27: {  	s1 =	sld [smem:$0x3FAD]  }
0x28: {  	s2 =	sld [smem:$0x3FAE]  }
0x29: {  	s4 =	sld [smem:$0x3FB0]  }
0x2a: {  	p0 =	seq.s32 s5, $0x0;
	s5 =	sld [smem:$0x3FB1]  }
0x2b: {  	s6 =	sld [smem:$0x3FB2]  }
0x2c: {  	s7 =	sld [smem:$0x3FB3]  }
0x2d: {  	s3 =	simm.s32 $0x108;
	s8 =	sld [smem:$0x3FB4]  }
0x2e: {  	s3 =	simm.s32 @!p0 $0x1082;
	s9 =	sld [smem:$0x3FB5]  }
0x2f: {  	lr =	sadd.s32 s0, s3;
	s0 =	sld [smem:$0x3FAC]  }
0x30: {  	s3 =	sld [smem:$0x3FAF]  }
0x31: {  	[smem:$0x3FB8] =	sst s10  }
0x32: {  	s10 =	sld [smem:$0x3FB6];
	_ =	sdelay $0x3  }
0x33: {  	p0 =	seq.s32 s10, $0x1;
	s10 =	sld [smem:$0x3FB8];
	_ =	sdelay $0x3  }
0x34: {  	[smem:$0x3FB8] =	sst s10  }
0x35: {  	s10 =	sld [smem:$0x3FB7];
	_ =	sdelay $0x3  }
0x36: {  	p1 =	seq.s32 s10, $0x1;
	s10 =	sld [smem:$0x3FB8];
	_ =	sdelay $0x3  }
0x37: {  	[smem:$0x3FB8] =	sst s10  }
0x38: {  	s10 =	sld [smem:$0x3FB9]  }
0x39: {  	_ = 	snop;
	(pc) =	sbr.ind lr, $3  }
0x3a: {  	_ = 	snop  }
0x3b: {  	_ = 	snop  }
0x3c: {  	p2 =	seq.s32 s10, $0x1;
	s10 =	sld [smem:$0x3FB8]  }
0x3d: {  	_ =	shalt  }
0x3e: {  	_ =	shalt  }
0x3f: {  	_ =	shalt  }
0x40: {  	_ =	shalt  }
0x41: {  	_ =	shalt  }
0x42: {  	_ =	shalt  }
0x43: {  	_ =	shalt  }
0x44: {  	_ =	shalt  }
0x45: {  	_ =	shalt  }
0x46: {  	_ =	shalt  }
0x47: {  	_ =	shalt  }
0x48: {  	_ =	shalt  }
0x49: {  	_ =	shalt  }
0x4a: {  	_ =	shalt  }
0x4b: {  	_ =	shalt  }
0x4c: {  	_ =	shalt  }
0x4d: {  	_ =	shalt  }
0x4e: {  	_ =	shalt  }
0x4f: {  	_ =	shalt  }
0x50: {  	_ =	shalt  }
0x51: {  	_ =	shalt  }
0x52: {  	_ =	shalt  }
0x53: {  	_ =	shalt  }
0x54: {  	_ =	shalt  }
0x55: {  	_ =	shalt  }
0x56: {  	_ =	shalt  }
0x57: {  	_ =	shalt  }
0x58: {  	_ =	shalt  }
0x59: {  	_ =	shalt  }
0x5a: {  	_ =	shalt  }
0x5b: {  	_ =	shalt  }
0x5c: {  	_ =	shalt  }
0x5d: {  	_ =	shalt  }
0x5e: {  	_ =	shalt  }
0x5f: {  	_ =	shalt  }
0x60: {  	_ =	shalt  }
0x61: {  	_ =	shalt  }
0x62: {  	_ =	shalt  }
0x63: {  	_ =	shalt  }
0x64: {  	_ =	shalt  }
0x65: {  	_ =	shalt  }
0x66: {  	_ =	shalt  }
0x67: {  	_ =	shalt  }
0x68: {  	_ =	shalt  }
0x69: {  	_ =	shalt  }
0x6a: {  	_ =	shalt  }
0x6b: {  	_ =	shalt  }
0x6c: {  	_ =	shalt  }
0x6d: {  	_ =	shalt  }
0x6e: {  	_ =	shalt  }
0x6f: {  	_ =	shalt  }
0x70: {  	_ =	shalt  }
0x71: {  	_ =	shalt  }
0x72: {  	_ =	shalt  }
0x73: {  	_ =	shalt  }
0x74: {  	_ =	shalt  }
0x75: {  	_ =	shalt  }
0x76: {  	_ =	shalt  }
0x77: {  	_ =	shalt  }
0x78: {  	_ =	shalt  }
0x79: {  	_ =	shalt  }
0x7a: {  	_ =	shalt  }
0x7b: {  	_ =	shalt  }
0x7c: {  	_ =	shalt  }
0x7d: {  	_ =	shalt  }
0x7e: {  	_ =	shalt  }
0x7f: {  	_ =	shalt  }
0x80: {  	_ =	shalt  }
0x81: {  	_ =	shalt  }
0x82: {  	_ =	shalt  }
0x83: {  	_ =	shalt  }
0x84: {  	_ =	shalt  }
0x85: {  	_ =	shalt  }
0x86: {  	_ =	shalt  }
0x87: {  	_ =	shalt  }
.Lfunc_end0:
.L_simem_size_0:
called_computation_lowered:
.L_overlay_start_0:
0x88: {  	s2 =	sld [smem:$0x3FD9]  }
0x89: {  	s3 =	sld [smem:$0x3FFE];
	_ =	sdelay $0x1  }
0x8a: {  	s1 =	srdreg.scid  }
0x8b: {  	s0 =	sand.u32 $0x1, s1  }
0x8c: {  	s17 =	sshll.u32 s0, $0xA;
	s2 =	sadd.s32 s3, s2  }
0x8d: {  	s2 =	sadd.s32 s2, s17  }
0x8e: {  	[smem:$0x3FC4] =	sst s2  }
0x8f: {  	_ = 	snop  }
0x90: {  	s2 =	sld [smem:$0x3FD0];
	(tm) =	ssettm $0x1  }
0x91: {  	s18 =	sld [smem:$0x3FFB];
	_ =	sdelay $0x3  }
0x92: {  	_ =	strace s18  }
0x93: {  	s3 =	sld [smem:$0x3FFC];
	_ =	sdelay $0x3  }
0x94: {  	_ =	strace s3  }
0x95: {  	s3 =	sld [smem:$0x3FFD];
	_ =	sdelay $0x3  }
0x96: {  	_ =	strace s3  }
0x97: {  	_ =	strace $0x8FFFFFFF  }
0x98: {  	s19 =	sld [smem:$0x3FDB];
	_ =	sdelay $0x1  }
0x99: {  	s4 =	simm.s32 $_scs_section_size  }
0x9a: {  	s5 =	simm.s32 $_size__tile_overlayer_lowered;
	s6 =	simm.s32 $_tile_overlayer_lowered  }
0x9b: {  	s22 =	simm.s32 $0x1BFF;
	s21 =	sshll.u32 s6, $0x1;
	s3 =	sadd.s32 s4, s19  }
0x9c: {  	s7 =	simm.s32 $0x0;
	s20 =	sshll.u32 s5, $0x1;
	s5 =	sadd.s32 s21, s3  }
0x9d: {  	[timem:s7], [sflag:s22] =	dma.local [hbm:s5], s20  }
0x9e: {  	_ =	swait.ge [sflag:s22], s20  }
0x9f: {  	s4 =	ssub.s32 $0x0, s20;
	[sflag:s22] =	ssyncset.done $0x0  }
0xa0: {  	[sflag:s22] =	ssyncadd.s32 s4;
	_ =	sdelay $0x1  }
0xa1: {  	s23 =	simm.s32 $0x1B8B  }
0xa2: {  	_ =	swait.ge [sflag:s23], $0x1  }
0xa3: {  	[sflag:s23] =	ssyncset.done $0x0  }
0xa4: {  	s25 =	simm.s32 $0x1B8E;
	s24 =	sld [smem:$0x3FFE];
	[sflag:s23] =	ssyncadd.s32 $0xFFFFFFFF  }
0xa5: {  	s26 =	simm.s32 $execute0_lowered;
	[smem:$0x3FD2] =	sst s25  }
0xa6: {  	s5 =	sshll.u32 s26, $0x1;
	_ =	strace $0x80000046;
	[dreg:$0x1] =	wrdreg $0xFFFFFFFF  }
0xa7: {  	s28 =	simm.s32 $_size_execute0_lowered;
	s3 =	sadd.s32 s3, s5;
	[dreg:$0x0] =	wrdreg $0x0  }
0xa8: {  	s5 =	sshll.u32 s28, $0x1;
	[dreg:$0x2] =	wrdreg s3  }
0xa9: {  	[dreg:$0x3] =	wrdreg s5  }
0xaa: {  	[dreg:$0x4] =	wrdreg $0xC0  }
0xab: {  	_ =	task [dreg:s7], $0x5FFFF  }
0xac: {  	[dreg:$0x1] =	wrdreg $0xFFFFFFFF  }
0xad: {  	[dreg:$0x0] =	wrdreg $0x60  }
0xae: {  	[dreg:$0x2] =	wrdreg s24  }
0xaf: {  	[dreg:$0x3] =	wrdreg s2  }
0xb0: {  	[dreg:$0x4] =	wrdreg $0xF2000  }
0xb1: {  	[dreg:$0x5] =	wrdreg $0x172080  }
0xb2: {  	[dreg:$0x6] =	wrdreg $0x172100  }
0xb3: {  	[dreg:$0x7] =	wrdreg $0x172180  }
0xb4: {  	[dreg:$0x8] =	wrdreg $0x172200  }
0xb5: {  	[dreg:$0x9] =	wrdreg $0x9  }
0xb6: {  	_ =	task.clear_ibuf [dreg:s7], $0xAFFFF;
	_ =	strace $0x90000046  }
0xb7: {  	s29 =	simm.s32 $0x9;
	_ =	strace $0x80000048  }
0xb8: {  	_ =	swait.ge [sflag:s29], $0x1  }
0xb9: {  	[sflag:s29] =	ssyncadd.s32 $0xFFFFFFFF  }
0xba: {  	_ =	strace $0x90000048  }
0xbb: {  	_ =	sfence  }
0xbc: {  	s30 =	sld [smem:$0x0];
	_ =	sdelay $0x2  }
0xbd: {  	s31 =	sshll.u32 s1, $0xD;
	s1 =	sshrl.u32 s1, $0x2  }
0xbe: {  	s3 =	sand.u32 $0x4000, s31;
	s1 =	sadd.s32 s1, s30  }
0xbf: {  	s0 =	sor.u32 s3, s0;
	s1 =	sshll.u32 s1, $0x11  }
0xc0: {  	s0 =	sor.u32 s1, s0  }
0xc1: {  	s0 =	sadd.s32 $0x8F2B, s0  }
0xc2: {  	[sflag:s0] =	ssyncadd.remote.s32 $0x1  }
0xc3: {  	_ =	sfence.sel $0xFFFF  }
0xc4: {  	[dreg:$0x0] =	wrdreg $0xFFFFFFFF;
	(pc) =	sbr.abs _section_cstart, $3  }
0xc5: {  	[dreg:$0x1] =	wrdreg $0xFFFFFFFF  }
0xc6: {  	_ =	task.clear_ibuf [dreg:s7], $0x2FFFF;
	_ =	strace $0x9FFFFFFF  }
0xc7: {  	(tm) =	ssettm $0x7FFFFFFF  }
tec
execute0_lowered:
.L_overlay_start_1:
0x0: {  	(tag) =	ssettag $0x1  }
0x1: {  	s5 =	rddreg [dreg:$0x0]  }
0x2: {  	s2 =	rddreg [dreg:$0x1];
	s1 =	srdreg.scid  }
0x3: {  	s6 =	rddreg [dreg:$0x2];
	s1 =	sand.u32 $0x1, s1  }
0x4: {  	s16 =	rddreg [dreg:$0x3];
	p0 =	seq.s32 s1, $0x1  }
.Ltmp0:
0x5: {  	s4 =	rddreg [dreg:$0x4];
	(pc) =	sbr.rel @p0 .LBB2_32-.Ltmp0, $4  }
0x6: {  	s7 =	rddreg [dreg:$0x5]  }
0x7: {  	s3 =	rddreg [dreg:$0x6];
	s8 =	simm.s32 $0x0  }
0x8: {  	[smem:$0x7FF] =	sst s8  }
0x9: {  	s0 =	rddreg [dreg:$0x7];
	_ =	strace $0x80000047;
	s1 =	stileid.u32  }
0xa: {  	s9 =	sadd.s32 $0x800, s5;
	s18 =	sshll.u32 s1, $0xB  }
0xb: {  	s9 =	sadd.s32 s9, s18  }
0xc: {  	[tilespmem:s8], [sflag:$0x1] =	stream.linear.gather [hbm4b:s9+s8], $0x4000, $0x38;
	[tilespmem:$0x17228] =	vst v63  }
0xd: {  	s26 =	sadd.s32 $0x8800, s5;
	s28 =	simm.s32 $0xF180;
	s29 =	simm.s32 $0x2  }
0xe: {  	[tilespmem:s28], [sflag:$0x2] =	stream.linear.gather [hbm4b:s26+s8], $0x80, $0x38;
	[tilespmem:$0x17228] =	vst v63  }
0xf: {  	_ =	swait.ge [sflag:s29], $0x80  }
0x10: {  	[sflag:s29] =	ssyncset.done $0x0  }
0x11: {  	s30 =	sand.u32 $0x7, s1;
	s17 =	simm.s32 $0xE040;
	v3 =	vimm.s32 $0x0;
	[sflag:s29] =	ssyncadd.s32 $0xFFFFFF80  }
0x12: {  	s19 =	smul.u32 $0x10008, s30;
	[tilespmem:s17+$0xFFFFFFC0] =	vst v3  }
0x13: {  	s20 =	sshll.u32 s1, $0xC;
	[tilespmem:s17+$0x30] =	vst v3  }
0x14: {  	s31 =	sand.u32 $0x8000, s20;
	s8 =	sadd.s32 s19, s6;
	[tilespmem:s17+$0x20] =	vst v3  }
0x15: {  	s5 =	sadd.s32 s20, s6;
	s15 =	sadd.s32 s31, s8;
	[tilespmem:s17+$0x10] =	vst v3  }
0x16: {  	s2 =	sadd.s32 s2, s18;
	s18 =	simm.s32 $0x0;
	s14 =	sadd.s32 $0x1000, s15;
	[tilespmem:s17+$0x0] =	vst v3  }
0x17: {  	s13 =	sadd.s32 $0x2000, s15;
	s12 =	sadd.s32 $0x3000, s15;
	s11 =	sadd.s32 $0x4000, s15;
	[tilespmem:s17+$0xFFFFFFF0] =	vst v3  }
0x18: {  	v1 =	vmov s1;
	v0 =	vmov s20;
	v2 =	vmov s19;
	s10 =	sadd.s32 $0x5000, s15;
	s9 =	sadd.s32 $0x6000, s15;
	s8 =	sadd.s32 $0x7000, s15;
	[tilespmem:s17+$0xFFFFFFE0] =	vst v3  }
.LBB2_2:
0x19: {  	s18 =	sadd.s32 $0x8, s18;
	[tilespmem:s17+$0xFFFFFFD0] =	vst v3;
	s17 =	sadd.s32 $0x80, s17  }
0x1a: {  	[tilespmem:s17+$0xFFFFFFC0] =	vst v3;
	p0 =	slt.u32 s18, $0xF8  }
0x1b: {  	[tilespmem:s17+$0x30] =	vst v3  }
.Ltmp1:
0x1c: {  	[tilespmem:s17+$0x20] =	vst v3;
	(pc) =	sbr.rel @p0 .LBB2_2-.Ltmp1, $4  }
0x1d: {  	[tilespmem:s17+$0x10] =	vst v3  }
0x1e: {  	[tilespmem:s17+$0x0] =	vst v3  }
0x1f: {  	[tilespmem:s17+$0xFFFFFFF0] =	vst v3  }
0x20: {  	[tilespmem:s17+$0xFFFFFFE0] =	vst v3  }
0x21: {  	[tilespmem:s17+$0xFFFFFFD0] =	vst v3;
	s17 =	simm.s32 $0x8040;
	v3 =	vimm.s32 $0x1  }
0x22: {  	[tilespmem:s17+$0xFFFFFFC0] =	vst v3  }
0x23: {  	[tilespmem:s17+$0x30] =	vst v3  }
0x24: {  	[tilespmem:s17+$0x20] =	vst v3  }
0x25: {  	[tilespmem:s17+$0x10] =	vst v3  }
0x26: {  	[tilespmem:s17+$0x0] =	vst v3  }
0x27: {  	[tilespmem:s17+$0xFFFFFFF0] =	vst v3  }
0x28: {  	s18 =	simm.s32 $0x0;
	[tilespmem:s17+$0xFFFFFFE0] =	vst v3  }
.LBB2_4:
0x29: {  	s18 =	sadd.s32 $0x8, s18;
	[tilespmem:s17+$0xFFFFFFD0] =	vst v3;
	s17 =	sadd.s32 $0x80, s17  }
0x2a: {  	[tilespmem:s17+$0xFFFFFFC0] =	vst v3;
	p0 =	slt.u32 s18, $0x3F8  }
0x2b: {  	[tilespmem:s17+$0x30] =	vst v3  }
.Ltmp2:
0x2c: {  	[tilespmem:s17+$0x20] =	vst v3;
	(pc) =	sbr.rel @p0 .LBB2_4-.Ltmp2, $4  }
0x2d: {  	[tilespmem:s17+$0x10] =	vst v3  }
0x2e: {  	[tilespmem:s17+$0x0] =	vst v3  }
0x2f: {  	[tilespmem:s17+$0xFFFFFFF0] =	vst v3  }
0x30: {  	[tilespmem:s17+$0xFFFFFFE0] =	vst v3  }
0x31: {  	[tilespmem:s17+$0xFFFFFFD0] =	vst v3;
	v3 =	vlaneseq.u32  }
0x32: {  	s29 =	simm.s32 $0xE000;
	s18 =	simm.s32 $0x2;
	[tilespmem:$0xF100] =	vst v3  }
0x33: {  	[spmem:s15] =	stream.linear.scatter [tilespmem:s29], [sflag:$0x2], $0x1000, $0x38;
	[tilespmem:$0x17228] =	vst v63  }
0x34: {  	_ =	swait.ge [sflag:s18], $0x1000  }
0x35: {  	[sflag:s18] =	ssyncset.done $0x0  }
0x36: {  	[sflag:s18] =	ssyncadd.s32 $0xFFFFF000  }
0x37: {  	[spmem:s14] =	stream.linear.scatter [tilespmem:s29], [sflag:$0x2], $0x1000, $0x38;
	[tilespmem:$0x17228] =	vst v63  }
0x38: {  	_ =	swait.ge [sflag:s18], $0x1000  }
0x39: {  	[sflag:s18] =	ssyncset.done $0x0  }
0x3a: {  	[sflag:s18] =	ssyncadd.s32 $0xFFFFF000  }
0x3b: {  	[spmem:s13] =	stream.linear.scatter [tilespmem:s29], [sflag:$0x2], $0x1000, $0x38;
	[tilespmem:$0x17228] =	vst v63  }
0x3c: {  	_ =	swait.ge [sflag:s18], $0x1000  }
0x3d: {  	[sflag:s18] =	ssyncset.done $0x0  }
0x3e: {  	[sflag:s18] =	ssyncadd.s32 $0xFFFFF000  }
0x3f: {  	[spmem:s12] =	stream.linear.scatter [tilespmem:s29], [sflag:$0x2], $0x1000, $0x38;
	[tilespmem:$0x17228] =	vst v63  }
0x40: {  	_ =	swait.ge [sflag:s18], $0x1000  }
0x41: {  	[sflag:s18] =	ssyncset.done $0x0  }
0x42: {  	[sflag:s18] =	ssyncadd.s32 $0xFFFFF000  }
0x43: {  	[spmem:s11] =	stream.linear.scatter [tilespmem:s29], [sflag:$0x2], $0x1000, $0x38;
	[tilespmem:$0x17228] =	vst v63  }
0x44: {  	_ =	swait.ge [sflag:s18], $0x1000  }
0x45: {  	[sflag:s18] =	ssyncset.done $0x0  }
0x46: {  	[sflag:s18] =	ssyncadd.s32 $0xFFFFF000  }
0x47: {  	[spmem:s10] =	stream.linear.scatter [tilespmem:s29], [sflag:$0x2], $0x1000, $0x38;
	[tilespmem:$0x17228] =	vst v63  }
0x48: {  	_ =	swait.ge [sflag:s18], $0x1000  }
0x49: {  	[sflag:s18] =	ssyncset.done $0x0  }
0x4a: {  	[sflag:s18] =	ssyncadd.s32 $0xFFFFF000  }
0x4b: {  	[spmem:s9] =	stream.linear.scatter [tilespmem:s29], [sflag:$0x2], $0x1000, $0x38;
	[tilespmem:$0x17228] =	vst v63  }
0x4c: {  	_ =	swait.ge [sflag:s18], $0x1000  }
0x4d: {  	[sflag:s18] =	ssyncset.done $0x0  }
0x4e: {  	[sflag:s18] =	ssyncadd.s32 $0xFFFFF000  }
0x4f: {  	[spmem:s8] =	stream.linear.scatter [tilespmem:s29], [sflag:$0x2], $0x1000, $0x38;
	[tilespmem:$0x17228] =	vst v63  }
0x50: {  	_ =	swait.ge [sflag:s18], $0x1000  }
0x51: {  	p0 =	sne.s32 s1, $0x0;
	[sflag:s18] =	ssyncset.done $0x0  }
0x52: {  	s17 =	simm.s32 @!p0 $0xE000;
	[sflag:s18] =	ssyncadd.s32 $0xFFFFF000;
	s18 =	simm.s32 @!p0 $0x2  }
0x53: {  	[spmem:s16] =	stream.linear.scatter @!p0 [tilespmem:s17], [sflag:$0x2], $0x10, $0x38;
	[tilespmem:$0x17228] =	vst v63  }
0x54: {  	_ =	swait.ge @!p0 [sflag:s18], $0x10  }
0x55: {  	[sflag:s18] =	ssyncset.done @!p0 $0x0  }
0x56: {  	[sflag:s18] =	ssyncadd.s32 @!p0 $0xFFFFFFF0  }
0x57: {  	[spmem:s4] =	stream.linear.scatter @!p0 [tilespmem:s17], [sflag:$0x2], $0x10, $0x38;
	[tilespmem:$0x17228] =	vst v63  }
0x58: {  	_ =	swait.ge @!p0 [sflag:s18], $0x10  }
0x59: {  	[sflag:s18] =	ssyncset.done @!p0 $0x0  }
0x5a: {  	[sflag:s18] =	ssyncadd.s32 @!p0 $0xFFFFFFF0  }
0x5b: {  	[spmem:s7] =	stream.linear.scatter @!p0 [tilespmem:s17], [sflag:$0x2], $0x10, $0x38;
	[tilespmem:$0x17228] =	vst v63  }
0x5c: {  	_ =	swait.ge @!p0 [sflag:s18], $0x10  }
0x5d: {  	[sflag:s18] =	ssyncset.done @!p0 $0x0  }
0x5e: {  	[sflag:s18] =	ssyncadd.s32 @!p0 $0xFFFFFFF0  }
0x5f: {  	[spmem:s3] =	stream.linear.scatter @!p0 [tilespmem:s17], [sflag:$0x2], $0x10, $0x38;
	[tilespmem:$0x17228] =	vst v63  }
0x60: {  	_ =	swait.ge @!p0 [sflag:s18], $0x10  }
0x61: {  	[sflag:s18] =	ssyncset.done @!p0 $0x0  }
0x62: {  	s30 =	simm.s32 $0x1;
	[sflag:s18] =	ssyncadd.s32 @!p0 $0xFFFFFFF0  }
0x63: {  	_ =	swait.ge [sflag:s30], $0x4000  }
0x64: {  	[sflag:s30] =	ssyncset.done $0x0  }
0x65: {  	[sflag:s30] =	ssyncadd.s32 $0xFFFFC000  }
0x66: {  	s31 =	simm.s32 $0x40;
	[bflag:$0x0] =	sbarrier.arrive $0xFFFF  }
0x67: {  	v5 =	vld [tilespmem:s31+$0x30]  }
0x68: {  	v6 =	vld [tilespmem:s31+$0xFFFFFFD0]  }
0x69: {  	v7 =	vld [tilespmem:s31+$0xFFFFFFE0]  }
0x6a: {  	v8 =	vld [tilespmem:s31+$0xFFFFFFF0]  }
0x6b: {  	v10 =	vld [tilespmem:s31+$0x0];
	_ =	sdelay $0x2  }
0x6c: {  	v12 =	vld [tilespmem:s31+$0x10]  }
0x6d: {  	v3 =	vld [tilespmem:s31+$0x20];
	v4 =	vshra.s32 v5, $0x1F;
	v9 =	vshra.s32 v6, $0x1F;
	v13 =	vshra.s32 v7, $0x1F  }
0x6e: {  	v63 =	vshra.s32 v8, $0x1F;
	v14 =	vshra.s32 v10, $0x1F;
	v11 =	vor.u32 $0x80000000, v4;
	v4 =	vld [tilespmem:s31+$0xFFFFFFC0]  }
0x6f: {  	v9 =	vor.u32 $0x80000000, v9;
	v14 =	vor.u32 $0x80000000, v14;
	v5 =	vxor.u32 v5, v11  }
0x70: {  	v11 =	vor.u32 $0x80000000, v13;
	v13 =	vor.u32 $0x80000000, v63;
	v5 =	vshrl.u32 v5, $0x10  }
0x71: {  	v10 =	vxor.u32 v10, v14;
	v15 =	vadd.s32 v2, v5;
	v5 =	vxor.u32 v6, v9  }
0x72: {  	v9 =	vshra.s32 v12, $0x1F;
	v6 =	vxor.u32 v7, v11;
	v7 =	vxor.u32 v8, v13  }
0x73: {  	s17 =	simm.s32 $0x4040;
	v16 =	vor.u32 $0x80000000, v9;
	v9 =	vshra.s32 v3, $0x1F;
	v8 =	vshra.s32 v4, $0x1F  }
0x74: {  	s19 =	simm.s32 $0x0;
	s20 =	simm.s32 $0xC0;
	s18 =	simm.s32 $0x4040;
	[tilespmem:s17+$0x30] =	vst v15;
	v9 =	vor.u32 $0x80000000, v9;
	v11 =	vor.u32 $0x80000000, v8;
	v8 =	vxor.u32 v12, v16  }
.LBB2_6:
0x75: {  	v12 =	vld [tilespmem:s20+$0x30];
	s19 =	sadd.s32 $0x8, s19;
	v4 =	vxor.u32 v4, v11;
	v5 =	vshrl.u32 v5, $0x10;
	v3 =	vxor.u32 v3, v9  }
0x76: {  	v6 =	vshrl.u32 v6, $0x10;
	v7 =	vshrl.u32 v7, $0x10;
	v9 =	vld [tilespmem:s20+$0xFFFFFFD0];
	p0 =	slt.u32 s19, $0x3F8;
	v4 =	vshrl.u32 v4, $0x10  }
0x77: {  	v10 =	vshrl.u32 v10, $0x10;
	v8 =	vshrl.u32 v8, $0x10;
	v3 =	vshrl.u32 v3, $0x10;
	v11 =	vld [tilespmem:s20+$0xFFFFFFE0]  }
0x78: {  	v5 =	vadd.s32 v2, v5;
	v6 =	vadd.s32 v2, v6;
	v4 =	vadd.s32 v2, v4;
	v13 =	vld [tilespmem:s20+$0xFFFFFFF0]  }
0x79: {  	v7 =	vadd.s32 v2, v7;
	v10 =	vadd.s32 v2, v10;
	v8 =	vadd.s32 v2, v8;
	v14 =	vld [tilespmem:s20+$0x0];
	[tilespmem:s17+$0xFFFFFFC0] =	vst v4  }
0x7a: {  	v16 =	vadd.s32 v2, v3;
	v15 =	vld [tilespmem:s20+$0x10];
	v4 =	vshra.s32 v12, $0x1F;
	[tilespmem:s17+$0xFFFFFFD0] =	vst v5  }
0x7b: {  	v5 =	vshra.s32 v9, $0x1F;
	v3 =	vld [tilespmem:s20+$0x20];
	v17 =	vor.u32 $0x80000000, v4;
	[tilespmem:s17+$0xFFFFFFE0] =	vst v6  }
0x7c: {  	v4 =	vld [tilespmem:s20+$0xFFFFFFC0];
	v5 =	vor.u32 $0x80000000, v5;
	v6 =	vshra.s32 v11, $0x1F;
	v12 =	vxor.u32 v12, v17;
	[tilespmem:s17+$0xFFFFFFF0] =	vst v7  }
0x7d: {  	v6 =	vor.u32 $0x80000000, v6;
	v7 =	vshra.s32 v13, $0x1F;
	v12 =	vshrl.u32 v12, $0x10;
	[tilespmem:s17+$0x0] =	vst v10  }
.Ltmp3:
0x7e: {  	s17 =	sadd.s32 $0x80, s17;
	v7 =	vor.u32 $0x80000000, v7;
	v10 =	vshra.s32 v14, $0x1F;
	v12 =	vadd.s32 v2, v12;
	[tilespmem:s18+$0x10] =	vst v8;
	(pc) =	sbr.rel @p0 .LBB2_6-.Ltmp3, $4  }
0x7f: {  	v5 =	vxor.u32 v9, v5;
	v8 =	vor.u32 $0x80000000, v10;
	v9 =	vshra.s32 v15, $0x1F;
	[tilespmem:s17+$0x30] =	vst v12  }
0x80: {  	v6 =	vxor.u32 v11, v6;
	v12 =	vor.u32 $0x80000000, v9;
	v9 =	vshra.s32 v3, $0x1F;
	[tilespmem:s18+$0x20] =	vst v16;
	s18 =	smov.u32 s17  }
0x81: {  	v7 =	vxor.u32 v13, v7;
	v10 =	vshra.s32 v4, $0x1F;
	v9 =	vor.u32 $0x80000000, v9  }
0x82: {  	s20 =	sadd.s32 $0x80, s20;
	v11 =	vor.u32 $0x80000000, v10;
	v10 =	vxor.u32 v14, v8;
	v8 =	vxor.u32 v15, v12  }
0x83: {  	v5 =	vshrl.u32 v5, $0x10  }
0x84: {  	v6 =	vshrl.u32 v6, $0x10;
	v5 =	vadd.s32 v2, v5  }
0x85: {  	v4 =	vxor.u32 v4, v11;
	v62 =	vshrl.u32 v8, $0x10;
	v6 =	vadd.s32 v2, v6;
	[tilespmem:s17+$0xFFFFFFD0] =	vst v5  }
0x86: {  	v4 =	vshrl.u32 v4, $0x10;
	v63 =	vadd.s32 v2, v62;
	[tilespmem:s17+$0xFFFFFFE0] =	vst v6  }
0x87: {  	v61 =	vshrl.u32 v10, $0x10;
	v3 =	vxor.u32 v3, v9;
	v4 =	vadd.s32 v2, v4;
	[tilespmem:s18+$0x10] =	vst v63  }
0x88: {  	v3 =	vshrl.u32 v3, $0x10;
	v5 =	vadd.s32 v2, v61;
	[tilespmem:s17+$0xFFFFFFC0] =	vst v4  }
0x89: {  	v60 =	vshrl.u32 v7, $0x10;
	v3 =	vadd.s32 v2, v3;
	[tilespmem:s17+$0x0] =	vst v5  }
0x8a: {  	v4 =	vadd.s32 v2, v60;
	[tilespmem:s18+$0x20] =	vst v3  }
0x8b: {  	s29 =	simm.s32 $0x4000;
	s30 =	simm.s32 $0x8000;
	[tilespmem:s17+$0xFFFFFFF0] =	vst v4;
	s17 =	simm.s32 $0x2  }
0x8c: {  	[spmem:s6] =	stream.indirect.scatter.add.s32 [tilespmem:s30], [sflag:$0x2], $0x1, s29, s29, $0xb8;
	[tilespmem:$0x17228] =	vst v63  }
0x8d: {  	_ =	swait.ge [sflag:s17], $0x4000  }
0x8e: {  	[sflag:s17] =	ssyncset.done $0x0  }
0x8f: {  	[sflag:s17] =	ssyncadd.s32 $0xFFFFC000  }
0x90: {  	s31 =	simm.s32 $0xC000;
	[bflag:$0x0] =	sbarrier.arrive $0xFFFF  }
0x91: {  	[tilespmem:s31], [sflag:$0x2] =	stream.linear.gather [spmem:s5], $0x1000, $0x38;
	[tilespmem:$0x17228] =	vst v63  }
0x92: {  	_ =	swait.ge [sflag:s17], $0x1000  }
0x93: {  	[sflag:s17] =	ssyncset.done $0x0  }
0x94: {  	s19 =	simm.s32 $0xD000;
	s18 =	simm.s32 $0x1;
	[sflag:s17] =	ssyncadd.s32 $0xFFFFF000  }
.LBB2_8:
0x95: {  	s20 =	smul.u32 $0x40020, s18;
	_ =	sdelay $0x1  }
0x96: {  	s20 =	sshra.s32 s20, $0x2  }
0x97: {  	s20 =	sadd.s32 s20, s5  }
0x98: {  	[tilespmem:s19], [sflag:$0x2] =	stream.linear.gather [spmem:s20], $0x1000, $0x38;
	[tilespmem:$0x17228] =	vst v63  }
0x99: {  	_ =	swait.ge [sflag:s17], $0x1000  }
0x9a: {  	[sflag:s17] =	ssyncset.done $0x0  }
0x9b: {  	s20 =	simm.s32 $0xC040;
	[sflag:s17] =	ssyncadd.s32 $0xFFFFF000  }
0x9c: {  	s21 =	simm.s32 $0xD040;
	v4 =	vld [tilespmem:s20+$0x30]  }
0x9d: {  	v5 =	vld [tilespmem:s21+$0x30]  }
0x9e: {  	v3 =	vld [tilespmem:s21+$0xFFFFFFC0]  }
0x9f: {  	v6 =	vld [tilespmem:s20+$0xFFFFFFD0]  }
0xa0: {  	v7 =	vld [tilespmem:s21+$0xFFFFFFD0]  }
0xa1: {  	v8 =	vld [tilespmem:s20+$0xFFFFFFE0]  }
0xa2: {  	v9 =	vld [tilespmem:s21+$0xFFFFFFE0]  }
0xa3: {  	v10 =	vld [tilespmem:s20+$0xFFFFFFF0]  }
0xa4: {  	v11 =	vld [tilespmem:s21+$0xFFFFFFF0]  }
0xa5: {  	v12 =	vld [tilespmem:s20+$0x0]  }
0xa6: {  	v13 =	vld [tilespmem:s21+$0x0]  }
0xa7: {  	v5 =	vadd.s32 v4, v5;
	v4 =	vld [tilespmem:s20+$0x10]  }
0xa8: {  	[tilespmem:s20+$0x30] =	vst v5;
	v5 =	vadd.s32 v6, v7;
	v6 =	vld [tilespmem:s21+$0x10]  }
0xa9: {  	v7 =	vadd.s32 v8, v9;
	[tilespmem:s20+$0xFFFFFFD0] =	vst v5;
	v5 =	vld [tilespmem:s20+$0x20]  }
0xaa: {  	v8 =	vadd.s32 v10, v11;
	[tilespmem:s20+$0xFFFFFFE0] =	vst v7;
	v7 =	vld [tilespmem:s21+$0x20]  }
0xab: {  	s22 =	simm.s32 $0x0;
	s23 =	simm.s32 $0xC0C0;
	v9 =	vadd.s32 v12, v13;
	[tilespmem:s20+$0xFFFFFFF0] =	vst v8;
	v8 =	vld [tilespmem:s20+$0xFFFFFFC0]  }
.LBB2_9:
0xac: {  	v10 =	vld [tilespmem:s23+$0x30];
	[tilespmem:s20+$0x0] =	vst v9;
	s21 =	sadd.s32 $0x80, s21  }
0xad: {  	s22 =	sadd.s32 $0x8, s22;
	v9 =	vld [tilespmem:s21+$0x30];
	v4 =	vadd.s32 v4, v6  }
0xae: {  	p0 =	slt.u32 s22, $0xF8;
	v6 =	vld [tilespmem:s21+$0xFFFFFFC0];
	[tilespmem:s20+$0x10] =	vst v4  }
0xaf: {  	v4 =	vld [tilespmem:s23+$0xFFFFFFD0];
	v5 =	vadd.s32 v5, v7  }
0xb0: {  	v7 =	vld [tilespmem:s21+$0xFFFFFFD0];
	v3 =	vadd.s32 v8, v3;
	[tilespmem:s20+$0x20] =	vst v5  }
0xb1: {  	v5 =	vld [tilespmem:s23+$0xFFFFFFE0];
	[tilespmem:s20+$0xFFFFFFC0] =	vst v3;
	s20 =	smov.u32 s23  }
0xb2: {  	v8 =	vld [tilespmem:s21+$0xFFFFFFE0];
	v10 =	vadd.s32 v10, v9  }
0xb3: {  	v9 =	vld [tilespmem:s23+$0xFFFFFFF0];
	[tilespmem:s23+$0x30] =	vst v10;
	v3 =	vmov v6  }
0xb4: {  	v10 =	vld [tilespmem:s21+$0xFFFFFFF0]  }
0xb5: {  	v4 =	vadd.s32 v4, v7;
	v11 =	vld [tilespmem:s23+$0x0]  }
0xb6: {  	[tilespmem:s23+$0xFFFFFFD0] =	vst v4;
	v12 =	vld [tilespmem:s21+$0x0]  }
.Ltmp4:
0xb7: {  	v5 =	vadd.s32 v5, v8;
	v4 =	vld [tilespmem:s23+$0x10];
	(pc) =	sbr.rel @p0 .LBB2_9-.Ltmp4, $4  }
0xb8: {  	[tilespmem:s23+$0xFFFFFFE0] =	vst v5;
	v6 =	vld [tilespmem:s21+$0x10]  }
0xb9: {  	v7 =	vadd.s32 v9, v10;
	v5 =	vld [tilespmem:s23+$0x20]  }
0xba: {  	[tilespmem:s23+$0xFFFFFFF0] =	vst v7;
	v7 =	vld [tilespmem:s21+$0x20]  }
0xbb: {  	s23 =	sadd.s32 $0x80, s23;
	v8 =	vld [tilespmem:s20+$0xFFFFFFC0];
	v9 =	vadd.s32 v11, v12  }
0xbc: {  	s18 =	sadd.s32 $0x1, s18  }
0xbd: {  	p0 =	sne.s32 s18, $0x8  }
.Ltmp5:
0xbe: {  	_ = 	snop;
	(pc) =	sbr.rel @p0 .LBB2_8-.Ltmp5, $4  }
0xbf: {  	[tilespmem:s20+$0x0] =	vst v9;
	v4 =	vadd.s32 v4, v6  }
0xc0: {  	[tilespmem:s20+$0x10] =	vst v4;
	v63 =	vadd.s32 v5, v7  }
0xc1: {  	v3 =	vadd.s32 v8, v3;
	[tilespmem:s20+$0x20] =	vst v63  }
0xc2: {  	[tilespmem:s20+$0xFFFFFFC0] =	vst v3  }
0xc3: {  	s18 =	simm.s32 $0x0  }
0xc4: {  	v3 =	vimm.s32 $0x0;
	s17 =	simm.s32 $0x40;
	v4 =	vld [tilespmem:s18+$0xC000]  }
.LBB2_12:
0xc5: {  	p0 =	sne.s32 s17, $0x3FC0  }
.Ltmp6:
0xc6: {  	_ = 	snop;
	(pc) =	sbr.rel @p0 .LBB2_12-.Ltmp6, $3  }
0xc7: {  	_ =	sdelay $0x1  }
0xc8: {  	s18 =	sshra.s32 s17, $0x2;
	s17 =	sadd.s32 $0x40, s17;
	v3 =	vadd.s32 v3, v4  }
0xc9: {  	v4 =	vld [tilespmem:s18+$0xC000]  }
0xca: {  	v5 =	vimm.s32 $0xFEDCBA98  }
0xcb: {  	v6 =	vimm.s32 $0x76543210;
	v5 =	vunpack.c.l.s4.s8 v5  }
0xcc: {  	v6 =	vunpack.c.l.s4.s8 v6  }
0xcd: {  	v5 =	vunpack.c.0.s8.s32 v5  }
0xce: {  	v6 =	vunpack.c.0.s8.s32 v6  }
0xcf: {  	v7 =	vimm.s32 $0xBA98FEDC;
	v5 =	vand.u32 $0xF, v5  }
0xd0: {  	v5 =	vcombine.low v5, v6;
	v6 =	vunpack.c.l.s4.s8 v7;
	v7 =	vimm.s32 $0x32107654  }
0xd1: {  	v9 =	vimm.s32 $0x54761032;
	v3 =	vadd.s32 v3, v4;
	v4 =	vunpack.c.l.s4.s8 v7  }
0xd2: {  	v8 =	vimm.s32 $0xDCFE98BA;
	v9 =	vunpack.c.l.s4.s8 v9  }
0xd3: {  	v7 =	vperm.xlane v3, v5;
	v6 =	vunpack.c.0.s8.s32 v6;
	v4 =	vunpack.c.0.s8.s32 v4  }
0xd4: {  	v8 =	vunpack.c.l.s4.s8 v8  }
0xd5: {  	v3 =	vadd.s32 v3, v7;
	v7 =	vunpack.c.0.s8.s32 v9;
	v6 =	vcombine.low v4, v6  }
0xd6: {  	v9 =	vimm.s32 $0x67452301;
	v4 =	vunpack.c.0.s8.s32 v8;
	v8 =	vimm.s32 $0xEFCDAB89  }
0xd7: {  	v9 =	vunpack.c.l.s4.s8 v9;
	v11 =	vunpack.c.l.s4.s8 v8;
	v10 =	vand.u32 $0xF, v6  }
0xd8: {  	v8 =	vcombine.low v7, v4;
	v12 =	vperm.xlane v3, v10  }
0xd9: {  	v7 =	vunpack.c.0.s8.s32 v9;
	v4 =	vunpack.c.0.s8.s32 v11  }
0xda: {  	v9 =	vand.u32 $0xF, v8;
	v3 =	vadd.s32 v12, v3  }
0xdb: {  	v7 =	vcombine.low v7, v4;
	v11 =	vperm.xlane v3, v9;
	_ =	sdelay $0x1  }
0xdc: {  	v4 =	vand.u32 $0xF, v7;
	v3 =	vadd.s32 v11, v3  }
0xdd: {  	v11 =	vperm.xlane v3, v4  }
0xde: {  	v12 =	vlaneseq.u32  }
0xdf: {  	vm0 =	veq.s32 v1, v12;
	v3 =	vadd.s32 v11, v3  }
0xe0: {  	s17 =	simm.s32 $0x10;
	v3 =	vnsel vm0, $0x0, v3  }
0xe1: {  	s18 =	simm.s32 $0xF100;
	s19 =	simm.s32 $0xF000;
	s26 =	simm.s32 $0x2;
	[tilespmem:$0xF000] =	vst v3  }
0xe2: {  	[spmem:s16] =	stream.indirect.scatter.add.s32 [tilespmem:s19], [sflag:$0x2], $0x1, s18, s17, $0xb8;
	[tilespmem:$0x17228] =	vst v63  }
0xe3: {  	_ =	swait.ge [sflag:s26], $0x10  }
0xe4: {  	[sflag:s26] =	ssyncset.done $0x0  }
0xe5: {  	[sflag:s26] =	ssyncadd.s32 $0xFFFFFFF0  }
0xe6: {  	s28 =	simm.s32 $0xF080;
	[bflag:$0x0] =	sbarrier.arrive $0xFFFF  }
0xe7: {  	[tilespmem:s28], [sflag:$0x2] =	stream.linear.gather [spmem:s16], $0x80, $0x38;
	[tilespmem:$0x17228] =	vst v63  }
0xe8: {  	_ =	swait.ge [sflag:s26], $0x80  }
0xe9: {  	[sflag:s26] =	ssyncset.done $0x0  }
0xea: {  	[sflag:s26] =	ssyncadd.s32 $0xFFFFFF80  }
0xeb: {  	v3 =	vld [tilespmem:$0xF080]  }
0xec: {  	s29 =	simm.s32 $0xCFF0  }
0xed: {  	v14 =	vld [tilespmem:s29+$0x0];
	_ =	sdelay $0x1  }
0xee: {  	vm15 =	vlt.u32 v1, v12  }
0xef: {  	v3 =	vnsel vm15, $0x0, v3  }
0xf0: {  	v11 =	vperm.xlane v3, v5  }
0xf1: {  	s30 =	simm.s32 $0xCFE0;
	v12 =	vperm.xlane v14, v5  }
0xf2: {  	v13 =	vld [tilespmem:s30+$0x0];
	v3 =	vadd.s32 v11, v3  }
0xf3: {  	v11 =	vadd.s32 v14, v12;
	v10 =	vperm.xlane v3, v10  }
0xf4: {  	v12 =	vperm.xlane v11, v6  }
0xf5: {  	v3 =	vadd.s32 v10, v3  }
0xf6: {  	s31 =	simm.s32 $0xCFD0;
	v10 =	vadd.s32 v12, v11;
	v9 =	vperm.xlane v3, v9  }
0xf7: {  	v15 =	vld [tilespmem:s31+$0x0];
	v11 =	vperm.xlane v13, v5;
	v12 =	vperm.xlane v10, v8  }
0xf8: {  	v3 =	vadd.s32 v9, v3  }
0xf9: {  	v9 =	vadd.s32 v13, v11;
	v10 =	vadd.s32 v12, v10;
	v4 =	vperm.xlane v3, v4  }
0xfa: {  	v11 =	vperm.xlane v9, v6;
	v12 =	vperm.xlane v10, v7  }
0xfb: {  	v17 =	vimm.s32 $0x0  }
0xfc: {  	v16 =	vimm.s32 $0x0;
	v19 =	vperm.xlane v15, v5;
	v3 =	vadd.s32 v4, v3  }
0xfd: {  	s20 =	simm.s32 $0xCFC0;
	s18 =	simm.s32 $0xFF;
	v4 =	vimm.s32 $0x0;
	v18 =	vadd.s32 v11, v9;
	v9 =	vadd.s32 v3, v12  }
0xfe: {  	s17 =	simm.s32 $0xFE;
	s19 =	simm.s32 $0xFC;
	s16 =	simm.s32 $0xFD;
	v20 =	vperm.xlane v18, v8;
	v9 =	vadd.s32 v10, v9;
	v10 =	vimm.s32 $0x0;
	v12 =	vmovc v3;
	v11 =	vmovc v3  }
.LBB2_14:
0xff: {  	v21 =	vld [tilespmem:s20+$0x0];
	p0 =	sne.s32 s19, $0x0;
	vm0 =	veq.s32 v17, $0x0;
	vm1 =	vgt.s32 v9, $0x1479;
	s21 =	smov.u32 s19;
	s19 =	sadd.s32 $0xFFFFFFFF, s19  }
.Ltmp7:
0x100: {  	v19 =	vadd.s32 v15, v19;
	v22 =	vadd.s32 v20, v18;
	vm0 =	vmand vm0, vm1;
	(pc) =	sbr.rel @p0 .LBB2_14-.Ltmp7, $4  }
0x101: {  	v18 =	vperm.xlane v19, v6;
	v20 =	vperm.xlane v22, v7;
	v17 =	vsel vm0, $0x1, v17  }
0x102: {  	v10 =	vsel vm0, s18, v10;
	v11 =	vsel vm0, v12, v11;
	v16 =	vsel vm0, v14, v16;
	v14 =	vmovc v13;
	v13 =	vmovc v15;
	s18 =	smov.u32 s17;
	s17 =	smov.u32 s16;
	s16 =	smov.u32 s21  }
0x103: {  	v12 =	vmov v9;
	v18 =	vadd.s32 v18, v19;
	v23 =	vadd.s32 v9, v20  }
0x104: {  	s20 =	sadd.s32 $0xFFFFFFF0, s20;
	v19 =	vperm.xlane v21, v5;
	v20 =	vperm.xlane v18, v8;
	v9 =	vadd.s32 v22, v23;
	v15 =	vmovc v21  }
0x105: {  	_ = 	snop  }
0x106: {  	v5 =	vadd.s32 v15, v19  }
0x107: {  	v6 =	vperm.xlane v5, v6;
	_ =	sdelay $0x1  }
0x108: {  	vm0 =	veq.s32 v17, $0x0;
	v18 =	vadd.s32 v20, v18;
	v5 =	vadd.s32 v6, v5  }
0x109: {  	vm1 =	vgt.s32 v9, $0x1479;
	v19 =	vperm.xlane v18, v7;
	v6 =	vperm.xlane v5, v8  }
0x10a: {  	vm0 =	vmand vm0, vm1  }
0x10b: {  	v20 =	vimm.s32 $0x67452301;
	v8 =	vadd.s32 v9, v19;
	v5 =	vadd.s32 v6, v5  }
0x10c: {  	v17 =	vsel vm0, $0x1, v17;
	v8 =	vadd.s32 v18, v8;
	v6 =	vperm.xlane v5, v7  }
0x10d: {  	vm1 =	veq.s32 v17, $0x0;
	vm2 =	vgt.s32 v8, $0x1479;
	v7 =	vsel vm0, v14, v16  }
0x10e: {  	vm2 =	vmand vm1, vm2;
	v14 =	vimm.s32 $0xFEDCBA98;
	v6 =	vadd.s32 v8, v6  }
0x10f: {  	v17 =	vsel vm2, $0x1, v17;
	v14 =	vunpack.c.l.s4.s8 v14;
	v5 =	vadd.s32 v5, v6  }
0x110: {  	vm1 =	veq.s32 v17, $0x0;
	v6 =	vimm.s32 $0x76543210;
	vm3 =	vgt.s32 v5, $0x1479  }
0x111: {  	v5 =	vunpack.c.l.s4.s8 v6;
	v6 =	vsel vm2, v13, v7;
	v13 =	vimm.s32 $0x32107654  }
0x112: {  	v7 =	vunpack.c.0.s8.s32 v14;
	vm1 =	vmand vm1, vm3;
	v18 =	vunpack.c.l.s4.s8 v13  }
0x113: {  	v13 =	vlaneseq.u32;
	v14 =	vunpack.c.0.s8.s32 v5;
	v5 =	vimm.s32 $0xBA98FEDC  }
0x114: {  	s19 =	simm.s32 $0xF;
	v7 =	vand.u32 $0xF, v7;
	v16 =	vunpack.c.l.s4.s8 v5;
	v5 =	vsel vm1, v15, v6  }
0x115: {  	v15 =	vmov s19;
	v14 =	vcombine.low v7, v14;
	v7 =	vunpack.c.0.s8.s32 v18  }
0x116: {  	v18 =	vimm.s32 $0x54761032;
	vm3 =	veq.s32 v15, v13;
	v6 =	vunpack.c.0.s8.s32 v16  }
0x117: {  	v16 =	vimm.s32 $0xDCFE98BA;
	v18 =	vunpack.c.l.s4.s8 v18;
	v19 =	vnsel vm3, $0x0, v5  }
0x118: {  	v16 =	vunpack.c.l.s4.s8 v16;
	v15 =	vcombine.low v7, v6;
	v7 =	vperm.xlane v19, v14  }
0x119: {  	v20 =	vunpack.c.l.s4.s8 v20;
	v6 =	vimm.s32 $0xEFCDAB89;
	v18 =	vunpack.c.0.s8.s32 v18  }
0x11a: {  	s20 =	simm.s32 $0xE;
	v16 =	vunpack.c.0.s8.s32 v16;
	v6 =	vunpack.c.l.s4.s8 v6;
	v7 =	vadd.s32 v19, v7  }
0x11b: {  	v22 =	vsel vm0, s18, v10;
	v19 =	vmov s20;
	v21 =	vperm.xlane v7, v15  }
0x11c: {  	vm3 =	veq.s32 v19, v13;
	v16 =	vcombine.low v18, v16;
	v6 =	vunpack.c.0.s8.s32 v6  }
0x11d: {  	v18 =	vunpack.c.0.s8.s32 v20;
	v19 =	vnsel vm3, $0x0, v5;
	v7 =	vadd.s32 v21, v7  }
0x11e: {  	v11 =	vsel vm0, v12, v11;
	v21 =	vperm.xlane v19, v14;
	v20 =	vperm.xlane v7, v16  }
0x11f: {  	v12 =	vsel vm2, s17, v22;
	v9 =	vsel vm2, v9, v11;
	v10 =	vcombine.low v18, v6  }
0x120: {  	s17 =	simm.s32 $0xD;
	v11 =	vsel vm1, v8, v9;
	v18 =	vadd.s32 v19, v21;
	v7 =	vadd.s32 v20, v7  }
0x121: {  	v8 =	vmov s17;
	v20 =	vperm.xlane v18, v15;
	v19 =	vperm.xlane v7, v10  }
0x122: {  	vm0 =	veq.s32 v8, v13  }
0x123: {  	v6 =	vsel vm1, $0x1, v17;
	v8 =	vadd.s32 v20, v18;
	v9 =	vadd.s32 v4, v19  }
0x124: {  	v19 =	vnsel vm0, $0x0, v5;
	v18 =	vperm.xlane v8, v16;
	v17 =	vadd.s32 v7, v9  }
0x125: {  	vm0 =	veq.s32 v4, $0x0;
	v7 =	vsel vm1, s16, v12;
	v9 =	vadd.s32 v11, v17  }
0x126: {  	v20 =	vperm.xlane v19, v14;
	v12 =	vimm.s32 $0x0;
	vm1 =	vgt.s32 v9, $0x1479  }
0x127: {  	s16 =	simm.s32 $0xC;
	v18 =	vadd.s32 v18, v8;
	v8 =	vimm.s32 $0x0;
	vm0 =	vmand vm0, vm1  }
.LBB2_16:
0x128: {  	p0 =	sne.s32 s16, $0x0;
	v19 =	vadd.s32 v19, v20;
	v20 =	vperm.xlane v18, v10;
	v4 =	vsel vm0, $0x1, v4;
	s18 =	smov.u32 s16;
	s16 =	sadd.s32 $0xFFFFFFFF, s16  }
0x129: {  	v12 =	vsel vm0, s19, v12;
	v8 =	vsel vm0, v9, v8;
	s19 =	smov.u32 s20;
	s20 =	smov.u32 s17;
	v21 =	vperm.xlane v19, v15;
	s17 =	smov.u32 s18  }
.Ltmp8:
0x12a: {  	v9 =	vmov s17;
	v17 =	vadd.s32 v17, v20;
	(pc) =	sbr.rel @p0 .LBB2_16-.Ltmp8, $4  }
0x12b: {  	vm0 =	veq.s32 v9, v13;
	v21 =	vadd.s32 v21, v19;
	v17 =	vadd.s32 v18, v17  }
0x12c: {  	v19 =	vnsel vm0, $0x0, v5;
	v18 =	vperm.xlane v21, v16;
	v9 =	vadd.s32 v11, v17  }
0x12d: {  	vm0 =	veq.s32 v4, $0x0;
	v20 =	vperm.xlane v19, v14;
	vm1 =	vgt.s32 v9, $0x1479  }
0x12e: {  	v18 =	vadd.s32 v18, v21;
	vm0 =	vmand vm0, vm1  }
0x12f: {  	v13 =	vadd.s32 v19, v20  }
0x130: {  	v14 =	vperm.xlane v13, v15;
	_ =	sdelay $0x1  }
0x131: {  	v32 =	vperm.xlane v18, v10;
	v13 =	vadd.s32 v14, v13  }
0x132: {  	v14 =	vperm.xlane v13, v16  }
0x133: {  	v15 =	vadd.s32 v17, v32  }
0x134: {  	v15 =	vadd.s32 v18, v15;
	v13 =	vadd.s32 v14, v13  }
0x135: {  	v4 =	vsel vm0, $0x1, v4;
	v33 =	vadd.s32 v11, v15;
	v10 =	vperm.xlane v13, v10  }
0x136: {  	v12 =	vsel vm0, s19, v12;
	vm1 =	veq.s32 v4, $0x0;
	vm2 =	vgt.s32 v33, $0x1479  }
0x137: {  	v34 =	vimm.s32 $0xFEDCBA98;
	vm1 =	vmand vm1, vm2;
	v10 =	vadd.s32 v15, v10  }
0x138: {  	v36 =	vlaneseq.u32;
	v4 =	vsel vm1, $0x1, v4;
	v10 =	vadd.s32 v13, v10  }
0x139: {  	v13 =	vunpack.c.l.s4.s8 v34;
	v10 =	vadd.s32 v11, v10;
	v11 =	vimm.s32 $0x76543210  }
0x13a: {  	v37 =	vimm.s32 $0xBA98FEDC;
	vm2 =	veq.s32 v4, $0x0;
	v4 =	vunpack.c.l.s4.s8 v11  }
0x13b: {  	v39 =	vimm.s32 $0x32107654;
	vm3 =	vgt.s32 v10, $0x1479;
	v35 =	vunpack.c.0.s8.s32 v13  }
0x13c: {  	v11 =	vsel vm1, s20, v12;
	vm2 =	vmand vm2, vm3;
	v4 =	vunpack.c.0.s8.s32 v4  }
0x13d: {  	v38 =	vunpack.c.l.s4.s8 v37;
	v11 =	vsel vm2, s17, v11;
	v12 =	vand.u32 $0xF, v35  }
0x13e: {  	v13 =	vunpack.c.l.s4.s8 v39;
	vm3 =	veq.s32 v11, v36;
	v4 =	vcombine.low v12, v4  }
0x13f: {  	v40 =	vimm.s32 $0xDCFE98BA;
	v41 =	vimm.s32 $0x54761032;
	v5 =	vnsel vm3, $0x0, v5  }
0x140: {  	v13 =	vunpack.c.0.s8.s32 v13;
	v12 =	vunpack.c.0.s8.s32 v38;
	v4 =	vperm.xlane v5, v4  }
0x141: {  	v16 =	vunpack.c.l.s4.s8 v41;
	v15 =	vunpack.c.l.s4.s8 v40  }
0x142: {  	v44 =	vimm.s32 $0xEFCDAB89;
	v4 =	vadd.s32 v5, v4;
	v5 =	vcombine.low v13, v12  }
0x143: {  	v45 =	vimm.s32 $0x67452301;
	v43 =	vunpack.c.0.s8.s32 v16;
	v42 =	vunpack.c.0.s8.s32 v15  }
0x144: {  	v16 =	vunpack.c.l.s4.s8 v45;
	v15 =	vunpack.c.l.s4.s8 v44;
	v5 =	vperm.xlane v4, v5  }
0x145: {  	v12 =	vcombine.low v43, v42  }
0x146: {  	v46 =	vunpack.c.0.s8.s32 v16;
	v4 =	vadd.s32 v5, v4;
	v5 =	vunpack.c.0.s8.s32 v15  }
0x147: {  	v12 =	vperm.xlane v4, v12  }
0x148: {  	v5 =	vcombine.low v46, v5  }
0x149: {  	v8 =	vsel vm0, v9, v8;
	v7 =	vshll.u32 v7, $0x4;
	v4 =	vadd.s32 v12, v4  }
0x14a: {  	vm0 =	vne.s32 v6, $0x0;
	v8 =	vsel vm1, v33, v8;
	v5 =	vperm.xlane v4, v5  }
0x14b: {  	v7 =	vadd.s32 v0, v7;
	vm1 =	vlt.s32 v3, $0x147A;
	v8 =	vsel vm2, v10, v8  }
0x14c: {  	vm1 =	vmand vm1, vm0;
	vm0 =	vmmov $0x1;
	v5 =	vsub.s32 v5, v8  }
0x14d: {  	vm2 =	vcmask $0x704;
	v3 =	vadd.s32 v11, v7;
	v4 =	vadd.s32 v4, v5  }
0x14e: {  	vm3 =	vmand vm1, vm0;
	vm1 =	vmand vm1, vm2;
	v4 =	vadd.s32 $0x147A, v4  }
0x14f: {  	v3 =	vnsel vm3, $0x0, v3;
	v4 =	vnsel vm1, $0x0, v4  }
0x150: {  	s16 =	simm.s32 $0x10;
	v3 =	vadd.s32 v3, v4  }
0x151: {  	s26 =	simm.s32 $0xF100;
	s18 =	simm.s32 $0xF000;
	s28 =	simm.s32 $0x2;
	[tilespmem:$0xF000] =	vst v3  }
0x152: {  	[spmem:s7] =	stream.indirect.scatter.add.s32 [tilespmem:s18], [sflag:$0x2], $0x1, s26, s16, $0xb8;
	[tilespmem:$0x17228] =	vst v63  }
0x153: {  	_ =	swait.ge [sflag:s28], $0x10  }
0x154: {  	[sflag:s28] =	ssyncset.done $0x0  }
0x155: {  	s29 =	simm.s32 $0xE000;
	[sflag:s28] =	ssyncadd.s32 $0xFFFFFFF0  }
0x156: {  	[spmem:s15] =	stream.linear.scatter [tilespmem:s29], [sflag:$0x2], $0x1000, $0x38;
	[tilespmem:$0x17228] =	vst v63  }
0x157: {  	_ =	swait.ge [sflag:s28], $0x1000  }
0x158: {  	[sflag:s28] =	ssyncset.done $0x0  }
0x159: {  	[sflag:s28] =	ssyncadd.s32 $0xFFFFF000  }
0x15a: {  	[spmem:s14] =	stream.linear.scatter [tilespmem:s29], [sflag:$0x2], $0x1000, $0x38;
	[tilespmem:$0x17228] =	vst v63  }
0x15b: {  	_ =	swait.ge [sflag:s28], $0x1000  }
0x15c: {  	[sflag:s28] =	ssyncset.done $0x0  }
0x15d: {  	[sflag:s28] =	ssyncadd.s32 $0xFFFFF000  }
0x15e: {  	[spmem:s13] =	stream.linear.scatter [tilespmem:s29], [sflag:$0x2], $0x1000, $0x38;
	[tilespmem:$0x17228] =	vst v63  }
0x15f: {  	_ =	swait.ge [sflag:s28], $0x1000  }
0x160: {  	[sflag:s28] =	ssyncset.done $0x0  }
0x161: {  	[sflag:s28] =	ssyncadd.s32 $0xFFFFF000  }
0x162: {  	[spmem:s12] =	stream.linear.scatter [tilespmem:s29], [sflag:$0x2], $0x1000, $0x38;
	[tilespmem:$0x17228] =	vst v63  }
0x163: {  	_ =	swait.ge [sflag:s28], $0x1000  }
0x164: {  	[sflag:s28] =	ssyncset.done $0x0  }
0x165: {  	[sflag:s28] =	ssyncadd.s32 $0xFFFFF000  }
0x166: {  	[spmem:s11] =	stream.linear.scatter [tilespmem:s29], [sflag:$0x2], $0x1000, $0x38;
	[tilespmem:$0x17228] =	vst v63  }
0x167: {  	_ =	swait.ge [sflag:s28], $0x1000  }
0x168: {  	[sflag:s28] =	ssyncset.done $0x0  }
0x169: {  	[sflag:s28] =	ssyncadd.s32 $0xFFFFF000  }
0x16a: {  	[spmem:s10] =	stream.linear.scatter [tilespmem:s29], [sflag:$0x2], $0x1000, $0x38;
	[tilespmem:$0x17228] =	vst v63  }
0x16b: {  	_ =	swait.ge [sflag:s28], $0x1000  }
0x16c: {  	[sflag:s28] =	ssyncset.done $0x0  }
0x16d: {  	[sflag:s28] =	ssyncadd.s32 $0xFFFFF000  }
0x16e: {  	[spmem:s9] =	stream.linear.scatter [tilespmem:s29], [sflag:$0x2], $0x1000, $0x38;
	[tilespmem:$0x17228] =	vst v63  }
0x16f: {  	_ =	swait.ge [sflag:s28], $0x1000  }
0x170: {  	[sflag:s28] =	ssyncset.done $0x0  }
0x171: {  	[sflag:s28] =	ssyncadd.s32 $0xFFFFF000  }
0x172: {  	[spmem:s8] =	stream.linear.scatter [tilespmem:s29], [sflag:$0x2], $0x1000, $0x38;
	[tilespmem:$0x17228] =	vst v63  }
0x173: {  	_ =	swait.ge [sflag:s28], $0x1000  }
0x174: {  	[sflag:s28] =	ssyncset.done $0x0  }
0x175: {  	[sflag:s28] =	ssyncadd.s32 $0xFFFFF000  }
0x176: {  	s30 =	simm.s32 $0xF080;
	[bflag:$0x0] =	sbarrier.arrive $0xFFFF  }
0x177: {  	[tilespmem:s30], [sflag:$0x2] =	stream.linear.gather [spmem:s7], $0x80, $0x38;
	[tilespmem:$0x17228] =	vst v63  }
0x178: {  	_ =	swait.ge [sflag:s28], $0x80  }
0x179: {  	[sflag:s28] =	ssyncset.done $0x0  }
0x17a: {  	[sflag:s28] =	ssyncadd.s32 $0xFFFFFF80  }
0x17b: {  	s31 =	simm.s32 $0x40;
	v4 =	vld [tilespmem:$0xF080]  }
0x17c: {  	v5 =	vld [tilespmem:s31+$0x30]  }
0x17d: {  	v6 =	vld [tilespmem:s31+$0xFFFFFFD0]  }
0x17e: {  	v7 =	vld [tilespmem:s31+$0xFFFFFFE0]  }
0x17f: {  	v8 =	vld [tilespmem:s31+$0xFFFFFFF0]  }
0x180: {  	v9 =	vld [tilespmem:s31+$0x0]  }
0x181: {  	v11 =	vld [tilespmem:s31+$0x10]  }
0x182: {  	v48 =	vld [tilespmem:s31+$0x20]  }
0x183: {  	v3 =	vimm.s32 $0x0  }
0x184: {  	v10 =	vimm.s32 $0x1;
	v3 =	vperm.xlane v4, v3;
	v47 =	vshra.s32 v5, $0x1F  }
0x185: {  	v4 =	vperm.xlane v4, v10;
	v10 =	vshra.s32 v6, $0x1F;
	v50 =	vshra.s32 v7, $0x1F  }
0x186: {  	v52 =	vshra.s32 v8, $0x1F;
	v54 =	vshra.s32 v9, $0x1F;
	v55 =	vshra.s32 v11, $0x1F  }
0x187: {  	v56 =	vshra.s32 v48, $0x1F;
	v12 =	vor.u32 $0x80000000, v47;
	v10 =	vor.u32 $0x80000000, v10  }
0x188: {  	v51 =	vor.u32 $0x80000000, v50;
	v15 =	vor.u32 $0x80000000, v52;
	v17 =	vor.u32 $0x80000000, v54  }
0x189: {  	v16 =	vor.u32 $0x80000000, v55;
	v18 =	vor.u32 $0x80000000, v56;
	v5 =	vxor.u32 v5, v12  }
0x18a: {  	v49 =	vld [tilespmem:s31+$0xFFFFFFC0];
	v10 =	vxor.u32 v6, v10;
	v7 =	vxor.u32 v7, v51;
	v59 =	vxor.u32 v8, v15  }
0x18b: {  	v60 =	vxor.u32 v9, v17;
	v6 =	vxor.u32 v11, v16;
	v53 =	vshrl.u32 v5, $0x10  }
0x18c: {  	v5 =	vand.u32 $0xFFFF, v5;
	v9 =	vshrl.u32 v10, $0x10;
	v11 =	vshrl.u32 v7, $0x10  }
0x18d: {  	v61 =	vshrl.u32 v59, $0x10;
	v62 =	vshrl.u32 v60, $0x10;
	vm1 =	veq.s32 v53, v3  }
0x18e: {  	v63 =	vshrl.u32 v6, $0x10;
	vm6 =	veq.s32 v9, v3;
	v5 =	vnsel vm1, $0x10000, v5  }
0x18f: {  	vm5 =	veq.s32 v11, v3;
	v57 =	vadd.s32 v2, v5;
	v5 =	vshra.s32 v49, $0x1F  }
0x190: {  	vm4 =	veq.s32 v61, v3;
	vm2 =	veq.s32 v62, v3;
	v5 =	vor.u32 $0x80000000, v5  }
0x191: {  	v9 =	vand.u32 $0xFFFF, v59;
	v58 =	vxor.u32 v49, v5;
	v5 =	vxor.u32 v48, v18  }
0x192: {  	vm1 =	veq.s32 v63, v3;
	v8 =	vshrl.u32 v58, $0x10;
	v18 =	vshrl.u32 v5, $0x10  }
0x193: {  	s7 =	simm.s32 $0x4040;
	v11 =	vand.u32 $0xFFFF, v58;
	vm7 =	veq.s32 v8, v3;
	v8 =	vand.u32 $0xFFFF, v10  }
0x194: {  	s9 =	simm.s32 $0xC0;
	s8 =	simm.s32 $0x0;
	[tilespmem:s7+$0x30] =	vst v57;
	vm3 =	veq.s32 v18, v3;
	v10 =	vand.u32 $0xFFFF, v7;
	v7 =	vand.u32 $0xFFFF, v60  }
.LBB2_18:
0x195: {  	v12 =	vld [tilespmem:s9+$0x30];
	s8 =	sadd.s32 $0x8, s8;
	v11 =	vnsel vm7, $0x10000, v11;
	v6 =	vand.u32 $0xFFFF, v6;
	v5 =	vand.u32 $0xFFFF, v5  }
0x196: {  	v8 =	vnsel vm6, $0x10000, v8;
	v10 =	vnsel vm5, $0x10000, v10;
	v9 =	vnsel vm4, $0x10000, v9;
	v13 =	vld [tilespmem:s9+$0xFFFFFFD0];
	p0 =	slt.u32 s8, $0x3F8  }
0x197: {  	v7 =	vnsel vm2, $0x10000, v7;
	v6 =	vnsel vm1, $0x10000, v6;
	v5 =	vnsel vm3, $0x10000, v5;
	v14 =	vld [tilespmem:s9+$0xFFFFFFE0]  }
0x198: {  	v11 =	vadd.s32 v2, v11;
	v8 =	vadd.s32 v2, v8;
	v10 =	vadd.s32 v2, v10;
	v15 =	vld [tilespmem:s9+$0xFFFFFFF0]  }
0x199: {  	v9 =	vadd.s32 v2, v9;
	v7 =	vadd.s32 v2, v7;
	v6 =	vadd.s32 v2, v6;
	v16 =	vld [tilespmem:s9+$0x0];
	[tilespmem:s7+$0xFFFFFFC0] =	vst v11  }
0x19a: {  	v5 =	vadd.s32 v2, v5;
	v11 =	vld [tilespmem:s9+$0x10];
	v17 =	vshra.s32 v12, $0x1F;
	[tilespmem:s7+$0xFFFFFFD0] =	vst v8  }
0x19b: {  	v8 =	vshra.s32 v13, $0x1F;
	v18 =	vld [tilespmem:s9+$0x20];
	v17 =	vor.u32 $0x80000000, v17;
	[tilespmem:s7+$0xFFFFFFE0] =	vst v10  }
0x19c: {  	v10 =	vld [tilespmem:s9+$0xFFFFFFC0];
	v8 =	vor.u32 $0x80000000, v8;
	v19 =	vshra.s32 v14, $0x1F;
	v12 =	vxor.u32 v12, v17;
	[tilespmem:s7+$0xFFFFFFF0] =	vst v9  }
0x19d: {  	v9 =	vor.u32 $0x80000000, v19;
	v17 =	vshra.s32 v15, $0x1F;
	v19 =	vshrl.u32 v12, $0x10;
	[tilespmem:s7+$0x0] =	vst v7  }
0x19e: {  	v12 =	vand.u32 $0xFFFF, v12;
	v7 =	vshra.s32 v16, $0x1F;
	vm1 =	veq.s32 v19, v3;
	[tilespmem:s7+$0x10] =	vst v6  }
0x19f: {  	v6 =	vor.u32 $0x80000000, v17;
	v17 =	vshra.s32 v11, $0x1F;
	v12 =	vnsel vm1, $0x10000, v12;
	[tilespmem:s7+$0x20] =	vst v5  }
0x1a0: {  	v5 =	vor.u32 $0x80000000, v7;
	s7 =	sadd.s32 $0x80, s7;
	v7 =	vshra.s32 v18, $0x1F;
	v12 =	vadd.s32 v2, v12  }
0x1a1: {  	v17 =	vor.u32 $0x80000000, v17;
	v19 =	vshra.s32 v10, $0x1F;
	v7 =	vor.u32 $0x80000000, v7;
	[tilespmem:s7+$0x30] =	vst v12  }
0x1a2: {  	v8 =	vxor.u32 v13, v8;
	v9 =	vxor.u32 v14, v9;
	v12 =	vor.u32 $0x80000000, v19  }
0x1a3: {  	v13 =	vxor.u32 v16, v5;
	v10 =	vxor.u32 v10, v12;
	v12 =	vxor.u32 v15, v6  }
0x1a4: {  	v5 =	vxor.u32 v18, v7;
	v6 =	vxor.u32 v11, v17;
	v14 =	vshrl.u32 v10, $0x10  }
0x1a5: {  	v7 =	vshrl.u32 v8, $0x10;
	v11 =	vshrl.u32 v9, $0x10;
	v15 =	vshrl.u32 v12, $0x10  }
.Ltmp9:
0x1a6: {  	v16 =	vshrl.u32 v13, $0x10;
	v18 =	vshrl.u32 v5, $0x10;
	v17 =	vshrl.u32 v6, $0x10;
	(pc) =	sbr.rel @p0 .LBB2_18-.Ltmp9, $4  }
0x1a7: {  	vm6 =	veq.s32 v7, v3;
	vm5 =	veq.s32 v11, v3;
	vm7 =	veq.s32 v14, v3  }
0x1a8: {  	vm2 =	veq.s32 v16, v3;
	vm4 =	veq.s32 v15, v3;
	vm1 =	veq.s32 v17, v3  }
0x1a9: {  	v8 =	vand.u32 $0xFFFF, v8;
	v11 =	vand.u32 $0xFFFF, v10;
	vm3 =	veq.s32 v18, v3  }
0x1aa: {  	s9 =	sadd.s32 $0x80, s9;
	v7 =	vand.u32 $0xFFFF, v13;
	v10 =	vand.u32 $0xFFFF, v9;
	v9 =	vand.u32 $0xFFFF, v12  }
0x1ab: {  	v11 =	vnsel vm7, $0x10000, v11  }
0x1ac: {  	v8 =	vnsel vm6, $0x10000, v8;
	v11 =	vadd.s32 v2, v11  }
0x1ad: {  	v10 =	vnsel vm5, $0x10000, v10;
	v8 =	vadd.s32 v2, v8;
	[tilespmem:s7+$0xFFFFFFC0] =	vst v11  }
0x1ae: {  	v9 =	vnsel vm4, $0x10000, v9;
	v10 =	vadd.s32 v2, v10;
	[tilespmem:s7+$0xFFFFFFD0] =	vst v8  }
0x1af: {  	v6 =	vand.u32 $0xFFFF, v6;
	v7 =	vnsel vm2, $0x10000, v7;
	v63 =	vadd.s32 v2, v9;
	[tilespmem:s7+$0xFFFFFFE0] =	vst v10  }
0x1b0: {  	v5 =	vand.u32 $0xFFFF, v5;
	v6 =	vnsel vm1, $0x10000, v6;
	v7 =	vadd.s32 v2, v7;
	[tilespmem:s7+$0xFFFFFFF0] =	vst v63  }
0x1b1: {  	v5 =	vnsel vm3, $0x10000, v5;
	v6 =	vadd.s32 v2, v6;
	[tilespmem:s7+$0x0] =	vst v7  }
0x1b2: {  	v2 =	vadd.s32 v2, v5;
	[tilespmem:s7+$0x10] =	vst v6  }
0x1b3: {  	s30 =	simm.s32 $0x4000;
	s8 =	simm.s32 $0x8000;
	[tilespmem:s7+$0x20] =	vst v2  }
0x1b4: {  	[spmem:s6] =	stream.indirect.scatter.add.s32 [tilespmem:s8], [sflag:$0x2], $0x1, s30, s30, $0xb8;
	[tilespmem:$0x17228] =	vst v63  }
0x1b5: {  	s6 =	simm.s32 $0x2  }
0x1b6: {  	_ =	swait.ge [sflag:s6], $0x4000  }
0x1b7: {  	[sflag:s6] =	ssyncset.done $0x0  }
0x1b8: {  	[sflag:s6] =	ssyncadd.s32 $0xFFFFC000  }
0x1b9: {  	s31 =	simm.s32 $0xC000;
	[bflag:$0x0] =	sbarrier.arrive $0xFFFF  }
0x1ba: {  	[tilespmem:s31], [sflag:$0x2] =	stream.linear.gather [spmem:s5], $0x1000, $0x38;
	[tilespmem:$0x17228] =	vst v63  }
0x1bb: {  	_ =	swait.ge [sflag:s6], $0x1000  }
0x1bc: {  	[sflag:s6] =	ssyncset.done $0x0  }
0x1bd: {  	s7 =	simm.s32 $0x1;
	s8 =	simm.s32 $0xD000;
	[sflag:s6] =	ssyncadd.s32 $0xFFFFF000  }
.LBB2_20:
0x1be: {  	s9 =	smul.u32 $0x40020, s7;
	_ =	sdelay $0x1  }
0x1bf: {  	s9 =	sshra.s32 s9, $0x2  }
0x1c0: {  	s9 =	sadd.s32 s9, s5  }
0x1c1: {  	[tilespmem:s8], [sflag:$0x2] =	stream.linear.gather [spmem:s9], $0x1000, $0x38;
	[tilespmem:$0x17228] =	vst v63  }
0x1c2: {  	_ =	swait.ge [sflag:s6], $0x1000  }
0x1c3: {  	[sflag:s6] =	ssyncset.done $0x0  }
0x1c4: {  	s9 =	simm.s32 $0xC040;
	[sflag:s6] =	ssyncadd.s32 $0xFFFFF000  }
0x1c5: {  	s10 =	simm.s32 $0xD040;
	v5 =	vld [tilespmem:s9+$0x30]  }
0x1c6: {  	v6 =	vld [tilespmem:s10+$0x30]  }
0x1c7: {  	v2 =	vld [tilespmem:s10+$0xFFFFFFC0]  }
0x1c8: {  	v7 =	vld [tilespmem:s9+$0xFFFFFFD0]  }
0x1c9: {  	v8 =	vld [tilespmem:s10+$0xFFFFFFD0]  }
0x1ca: {  	v9 =	vld [tilespmem:s9+$0xFFFFFFE0]  }
0x1cb: {  	v10 =	vld [tilespmem:s10+$0xFFFFFFE0]  }
0x1cc: {  	v11 =	vld [tilespmem:s9+$0xFFFFFFF0]  }
0x1cd: {  	v12 =	vld [tilespmem:s10+$0xFFFFFFF0]  }
0x1ce: {  	v13 =	vld [tilespmem:s9+$0x0]  }
0x1cf: {  	v14 =	vld [tilespmem:s10+$0x0]  }
0x1d0: {  	v6 =	vadd.s32 v5, v6;
	v5 =	vld [tilespmem:s9+$0x10]  }
0x1d1: {  	[tilespmem:s9+$0x30] =	vst v6;
	v6 =	vadd.s32 v7, v8;
	v7 =	vld [tilespmem:s10+$0x10]  }
0x1d2: {  	v8 =	vadd.s32 v9, v10;
	[tilespmem:s9+$0xFFFFFFD0] =	vst v6;
	v6 =	vld [tilespmem:s9+$0x20]  }
0x1d3: {  	v9 =	vadd.s32 v11, v12;
	[tilespmem:s9+$0xFFFFFFE0] =	vst v8;
	v8 =	vld [tilespmem:s10+$0x20]  }
0x1d4: {  	s11 =	simm.s32 $0x0;
	s12 =	simm.s32 $0xC0C0;
	v10 =	vadd.s32 v13, v14;
	[tilespmem:s9+$0xFFFFFFF0] =	vst v9;
	v9 =	vld [tilespmem:s9+$0xFFFFFFC0]  }
.LBB2_21:
0x1d5: {  	v11 =	vld [tilespmem:s12+$0x30];
	[tilespmem:s9+$0x0] =	vst v10;
	s10 =	sadd.s32 $0x80, s10  }
0x1d6: {  	s11 =	sadd.s32 $0x8, s11;
	v10 =	vld [tilespmem:s10+$0x30];
	v5 =	vadd.s32 v5, v7  }
0x1d7: {  	p0 =	slt.u32 s11, $0xF8;
	v7 =	vld [tilespmem:s10+$0xFFFFFFC0];
	[tilespmem:s9+$0x10] =	vst v5  }
0x1d8: {  	v5 =	vld [tilespmem:s12+$0xFFFFFFD0];
	v6 =	vadd.s32 v6, v8  }
0x1d9: {  	v8 =	vld [tilespmem:s10+$0xFFFFFFD0];
	v2 =	vadd.s32 v9, v2;
	[tilespmem:s9+$0x20] =	vst v6  }
0x1da: {  	v6 =	vld [tilespmem:s12+$0xFFFFFFE0];
	[tilespmem:s9+$0xFFFFFFC0] =	vst v2;
	s9 =	smov.u32 s12  }
0x1db: {  	v9 =	vld [tilespmem:s10+$0xFFFFFFE0];
	v11 =	vadd.s32 v11, v10  }
0x1dc: {  	v10 =	vld [tilespmem:s12+$0xFFFFFFF0];
	[tilespmem:s12+$0x30] =	vst v11;
	v2 =	vmov v7  }
0x1dd: {  	v11 =	vld [tilespmem:s10+$0xFFFFFFF0]  }
0x1de: {  	v5 =	vadd.s32 v5, v8;
	v12 =	vld [tilespmem:s12+$0x0]  }
0x1df: {  	[tilespmem:s12+$0xFFFFFFD0] =	vst v5;
	v13 =	vld [tilespmem:s10+$0x0]  }
.Ltmp10:
0x1e0: {  	v6 =	vadd.s32 v6, v9;
	v5 =	vld [tilespmem:s12+$0x10];
	(pc) =	sbr.rel @p0 .LBB2_21-.Ltmp10, $4  }
0x1e1: {  	[tilespmem:s12+$0xFFFFFFE0] =	vst v6;
	v7 =	vld [tilespmem:s10+$0x10]  }
0x1e2: {  	v8 =	vadd.s32 v10, v11;
	v6 =	vld [tilespmem:s12+$0x20]  }
0x1e3: {  	[tilespmem:s12+$0xFFFFFFF0] =	vst v8;
	v8 =	vld [tilespmem:s10+$0x20]  }
0x1e4: {  	s12 =	sadd.s32 $0x80, s12;
	v9 =	vld [tilespmem:s9+$0xFFFFFFC0];
	v10 =	vadd.s32 v12, v13  }
0x1e5: {  	s7 =	sadd.s32 $0x1, s7  }
0x1e6: {  	p0 =	sne.s32 s7, $0x8  }
.Ltmp11:
0x1e7: {  	_ = 	snop;
	(pc) =	sbr.rel @p0 .LBB2_20-.Ltmp11, $4  }
0x1e8: {  	[tilespmem:s9+$0x0] =	vst v10;
	v5 =	vadd.s32 v5, v7  }
0x1e9: {  	[tilespmem:s9+$0x10] =	vst v5;
	v5 =	vadd.s32 v6, v8  }
0x1ea: {  	v2 =	vadd.s32 v9, v2;
	[tilespmem:s9+$0x20] =	vst v5  }
0x1eb: {  	[tilespmem:s9+$0xFFFFFFC0] =	vst v2  }
0x1ec: {  	s6 =	simm.s32 $0x0  }
0x1ed: {  	v2 =	vimm.s32 $0x0;
	s5 =	simm.s32 $0x40;
	v6 =	vld [tilespmem:s6+$0xC000]  }
.LBB2_24:
0x1ee: {  	p0 =	sne.s32 s5, $0x3FC0  }
.Ltmp12:
0x1ef: {  	_ = 	snop;
	(pc) =	sbr.rel @p0 .LBB2_24-.Ltmp12, $3  }
0x1f0: {  	_ =	sdelay $0x1  }
0x1f1: {  	s6 =	sshra.s32 s5, $0x2;
	s5 =	sadd.s32 $0x40, s5;
	v2 =	vadd.s32 v2, v6  }
0x1f2: {  	v6 =	vld [tilespmem:s6+$0xC000]  }
0x1f3: {  	v5 =	vimm.s32 $0xFEDCBA98  }
0x1f4: {  	v7 =	vimm.s32 $0x76543210;
	v5 =	vunpack.c.l.s4.s8 v5  }
0x1f5: {  	v7 =	vunpack.c.l.s4.s8 v7  }
0x1f6: {  	v5 =	vunpack.c.0.s8.s32 v5  }
0x1f7: {  	v7 =	vunpack.c.0.s8.s32 v7  }
0x1f8: {  	v8 =	vimm.s32 $0xBA98FEDC;
	v5 =	vand.u32 $0xF, v5  }
0x1f9: {  	v5 =	vcombine.low v5, v7;
	v7 =	vunpack.c.l.s4.s8 v8;
	v8 =	vimm.s32 $0x32107654  }
0x1fa: {  	v10 =	vimm.s32 $0x54761032;
	v2 =	vadd.s32 v2, v6;
	v6 =	vunpack.c.l.s4.s8 v8  }
0x1fb: {  	v9 =	vimm.s32 $0xDCFE98BA;
	v10 =	vunpack.c.l.s4.s8 v10  }
0x1fc: {  	v8 =	vperm.xlane v2, v5;
	v7 =	vunpack.c.0.s8.s32 v7;
	v6 =	vunpack.c.0.s8.s32 v6  }
0x1fd: {  	v9 =	vunpack.c.l.s4.s8 v9  }
0x1fe: {  	v2 =	vadd.s32 v2, v8;
	v8 =	vunpack.c.0.s8.s32 v10;
	v6 =	vcombine.low v6, v7  }
0x1ff: {  	v10 =	vimm.s32 $0x67452301;
	v7 =	vunpack.c.0.s8.s32 v9;
	v9 =	vimm.s32 $0xEFCDAB89  }
0x200: {  	v10 =	vunpack.c.l.s4.s8 v10;
	v9 =	vunpack.c.l.s4.s8 v9;
	v12 =	vand.u32 $0xF, v6  }
0x201: {  	v8 =	vcombine.low v8, v7;
	v11 =	vperm.xlane v2, v12  }
0x202: {  	v7 =	vunpack.c.0.s8.s32 v9;
	v9 =	vunpack.c.0.s8.s32 v10  }
0x203: {  	v13 =	vand.u32 $0xF, v8;
	v2 =	vadd.s32 v11, v2  }
0x204: {  	v7 =	vcombine.low v9, v7;
	v10 =	vperm.xlane v2, v13;
	_ =	sdelay $0x1  }
0x205: {  	v9 =	vand.u32 $0xF, v7;
	v2 =	vadd.s32 v10, v2  }
0x206: {  	v10 =	vperm.xlane v2, v9  }
0x207: {  	v14 =	vlaneseq.u32  }
0x208: {  	vm1 =	veq.s32 v1, v14;
	v2 =	vadd.s32 v10, v2  }
0x209: {  	s5 =	simm.s32 $0x10;
	v2 =	vnsel vm1, $0x0, v2  }
0x20a: {  	s6 =	simm.s32 $0xF100;
	s7 =	simm.s32 $0xF000;
	s26 =	simm.s32 $0x2;
	[tilespmem:$0xF000] =	vst v2  }
0x20b: {  	[spmem:s4] =	stream.indirect.scatter.add.s32 [tilespmem:s7], [sflag:$0x2], $0x1, s6, s5, $0xb8;
	[tilespmem:$0x17228] =	vst v63  }
0x20c: {  	_ =	swait.ge [sflag:s26], $0x10  }
0x20d: {  	[sflag:s26] =	ssyncset.done $0x0  }
0x20e: {  	[sflag:s26] =	ssyncadd.s32 $0xFFFFFFF0  }
0x20f: {  	s28 =	simm.s32 $0xF080;
	[bflag:$0x0] =	sbarrier.arrive $0xFFFF  }
0x210: {  	[tilespmem:s28], [sflag:$0x2] =	stream.linear.gather [spmem:s4], $0x80, $0x38;
	[tilespmem:$0x17228] =	vst v63  }
0x211: {  	_ =	swait.ge [sflag:s26], $0x80  }
0x212: {  	[sflag:s26] =	ssyncset.done $0x0  }
0x213: {  	[sflag:s26] =	ssyncadd.s32 $0xFFFFFF80  }
0x214: {  	v2 =	vld [tilespmem:$0xF080]  }
0x215: {  	s29 =	simm.s32 $0xCFF0  }
0x216: {  	v11 =	vld [tilespmem:s29+$0x0];
	_ =	sdelay $0x1  }
0x217: {  	vm1 =	vlt.u32 v1, v14  }
0x218: {  	v1 =	vnsel vm1, $0x0, v2  }
0x219: {  	v2 =	vperm.xlane v1, v5  }
0x21a: {  	s30 =	simm.s32 $0xCFE0;
	v14 =	vperm.xlane v11, v5  }
0x21b: {  	v10 =	vld [tilespmem:s30+$0x0];
	v1 =	vadd.s32 v2, v1  }
0x21c: {  	v2 =	vperm.xlane v1, v12;
	v12 =	vadd.s32 v11, v14  }
0x21d: {  	v14 =	vperm.xlane v12, v6  }
0x21e: {  	s31 =	simm.s32 $0xCFD0;
	v1 =	vadd.s32 v2, v1  }
0x21f: {  	v2 =	vperm.xlane v1, v13;
	v13 =	vadd.s32 v14, v12;
	v12 =	vld [tilespmem:s31+$0x0]  }
0x220: {  	v14 =	vperm.xlane v10, v5;
	v15 =	vperm.xlane v13, v8  }
0x221: {  	v1 =	vadd.s32 v2, v1  }
0x222: {  	v2 =	vperm.xlane v1, v9;
	v9 =	vadd.s32 v10, v14;
	v13 =	vadd.s32 v15, v13  }
0x223: {  	v16 =	vimm.s32 $0x0;
	v14 =	vperm.xlane v9, v6;
	v15 =	vperm.xlane v13, v7  }
0x224: {  	v1 =	vadd.s32 v2, v1;
	v2 =	vimm.s32 $0x0;
	v20 =	vperm.xlane v12, v5  }
0x225: {  	s8 =	simm.s32 $0xCFC0;
	s6 =	simm.s32 $0xFF;
	v18 =	vadd.s32 v14, v9;
	v9 =	vadd.s32 v1, v15;
	v15 =	vimm.s32 $0x0  }
0x226: {  	s5 =	simm.s32 $0xFE;
	s7 =	simm.s32 $0xFC;
	s4 =	simm.s32 $0xFD;
	v17 =	vmovc v1;
	v14 =	vimm.s32 $0x0;
	v19 =	vperm.xlane v18, v8;
	v9 =	vadd.s32 v13, v9;
	v13 =	vmovc v1  }
.LBB2_26:
0x227: {  	v21 =	vld [tilespmem:s8+$0x0];
	p0 =	sne.s32 s7, $0x0;
	vm1 =	veq.s32 v16, $0x0;
	vm2 =	vge.s32 v9, v4;
	s9 =	smov.u32 s7;
	s7 =	sadd.s32 $0xFFFFFFFF, s7  }
.Ltmp13:
0x228: {  	v20 =	vadd.s32 v12, v20;
	v22 =	vadd.s32 v19, v18;
	vm1 =	vmand vm1, vm2;
	(pc) =	sbr.rel @p0 .LBB2_26-.Ltmp13, $4  }
0x229: {  	v18 =	vperm.xlane v20, v6;
	v19 =	vperm.xlane v22, v7;
	v16 =	vsel vm1, $0x1, v16  }
0x22a: {  	v15 =	vsel vm1, s6, v15;
	v13 =	vsel vm1, v17, v13;
	v14 =	vsel vm1, v11, v14;
	v11 =	vmovc v10;
	v10 =	vmovc v12;
	s6 =	smov.u32 s5;
	s5 =	smov.u32 s4;
	s4 =	smov.u32 s9  }
0x22b: {  	v17 =	vmov v9;
	v18 =	vadd.s32 v18, v20;
	v23 =	vadd.s32 v9, v19  }
0x22c: {  	s8 =	sadd.s32 $0xFFFFFFF0, s8;
	v20 =	vperm.xlane v21, v5;
	v19 =	vperm.xlane v18, v8;
	v9 =	vadd.s32 v22, v23;
	v12 =	vmovc v21  }
0x22d: {  	_ = 	snop  }
0x22e: {  	v5 =	vadd.s32 v12, v20  }
0x22f: {  	v6 =	vperm.xlane v5, v6  }
0x230: {  	vm1 =	veq.s32 v16, $0x0;
	v18 =	vadd.s32 v19, v18  }
0x231: {  	vm2 =	vge.s32 v9, v4;
	v19 =	vperm.xlane v18, v7;
	v5 =	vadd.s32 v6, v5  }
0x232: {  	vm1 =	vmand vm1, vm2;
	v6 =	vperm.xlane v5, v8  }
0x233: {  	v8 =	vsel vm1, $0x1, v16;
	v16 =	vadd.s32 v9, v19  }
0x234: {  	v15 =	vsel vm1, s6, v15;
	v18 =	vadd.s32 v18, v16;
	v5 =	vadd.s32 v6, v5  }
0x235: {  	vm2 =	veq.s32 v8, $0x0;
	vm3 =	vge.s32 v18, v4;
	v6 =	vperm.xlane v5, v7  }
0x236: {  	v13 =	vsel vm1, v17, v13;
	v7 =	vsel vm1, v11, v14;
	vm2 =	vmand vm2, vm3  }
0x237: {  	v14 =	vsel vm2, $0x1, v8;
	v8 =	vimm.s32 $0xFEDCBA98;
	v6 =	vadd.s32 v18, v6  }
0x238: {  	v8 =	vunpack.c.l.s4.s8 v8;
	v5 =	vadd.s32 v5, v6;
	v6 =	vimm.s32 $0x76543210  }
0x239: {  	vm1 =	veq.s32 v14, $0x0;
	vm3 =	vge.s32 v5, v4;
	v5 =	vunpack.c.l.s4.s8 v6  }
0x23a: {  	v6 =	vsel vm2, v10, v7;
	v7 =	vunpack.c.0.s8.s32 v8;
	v10 =	vimm.s32 $0x32107654  }
0x23b: {  	vm1 =	vmand vm1, vm3;
	v10 =	vunpack.c.l.s4.s8 v10;
	v8 =	vunpack.c.0.s8.s32 v5  }
0x23c: {  	v5 =	vimm.s32 $0xBA98FEDC;
	v11 =	vand.u32 $0xF, v7;
	v7 =	vlaneseq.u32  }
0x23d: {  	s6 =	simm.s32 $0xF;
	v16 =	vunpack.c.l.s4.s8 v5;
	v5 =	vsel vm1, v12, v6;
	v10 =	vunpack.c.0.s8.s32 v10  }
0x23e: {  	v12 =	vimm.s32 $0xDCFE98BA;
	v8 =	vcombine.low v11, v8;
	v11 =	vmov s6  }
0x23f: {  	v6 =	vunpack.c.0.s8.s32 v16;
	v16 =	vimm.s32 $0x54761032;
	vm3 =	veq.s32 v11, v7  }
0x240: {  	s7 =	simm.s32 $0xE;
	v11 =	vunpack.c.l.s4.s8 v12;
	v12 =	vunpack.c.l.s4.s8 v16;
	v16 =	vnsel vm3, $0x0, v5  }
0x241: {  	v20 =	vmov s7;
	v19 =	vimm.s32 $0x67452301;
	v17 =	vperm.xlane v16, v8  }
0x242: {  	vm3 =	veq.s32 v20, v7;
	v10 =	vcombine.low v10, v6;
	v6 =	vimm.s32 $0xEFCDAB89  }
0x243: {  	v11 =	vunpack.c.0.s8.s32 v11;
	v12 =	vunpack.c.0.s8.s32 v12;
	v16 =	vadd.s32 v16, v17  }
0x244: {  	v6 =	vunpack.c.l.s4.s8 v6;
	v17 =	vunpack.c.l.s4.s8 v19;
	v19 =	vperm.xlane v16, v10  }
0x245: {  	v21 =	vsel vm2, s5, v15;
	v20 =	vnsel vm3, $0x0, v5;
	v11 =	vcombine.low v12, v11  }
0x246: {  	v12 =	vunpack.c.0.s8.s32 v6;
	v15 =	vunpack.c.0.s8.s32 v17;
	v16 =	vadd.s32 v19, v16  }
0x247: {  	v13 =	vsel vm2, v9, v13;
	s5 =	simm.s32 $0xD;
	v9 =	vperm.xlane v20, v8;
	v17 =	vperm.xlane v16, v11  }
0x248: {  	v6 =	vsel vm1, $0x1, v14;
	v14 =	vmov s5;
	v12 =	vcombine.low v15, v12  }
0x249: {  	vm2 =	veq.s32 v14, v7;
	v14 =	vadd.s32 v20, v9;
	v15 =	vadd.s32 v17, v16  }
0x24a: {  	v17 =	vperm.xlane v14, v10;
	v16 =	vnsel vm2, $0x0, v5;
	v19 =	vperm.xlane v15, v12  }
0x24b: {  	v13 =	vsel vm1, v18, v13;
	v9 =	vsel vm1, s4, v21;
	v18 =	vperm.xlane v16, v8  }
0x24c: {  	s4 =	simm.s32 $0xC;
	v17 =	vadd.s32 v17, v14;
	v14 =	vimm.s32 $0x0;
	v19 =	vadd.s32 v2, v19  }
.LBB2_28:
0x24d: {  	v20 =	vmov s4;
	v21 =	vperm.xlane v17, v11;
	v19 =	vadd.s32 v15, v19;
	s8 =	smov.u32 s4;
	p0 =	sne.s32 s4, $0x0  }
.Ltmp14:
0x24e: {  	vm1 =	veq.s32 v20, v7;
	v20 =	vadd.s32 v16, v18;
	v16 =	vadd.s32 v13, v19;
	(pc) =	sbr.rel @p0 .LBB2_28-.Ltmp14, $4  }
0x24f: {  	vm2 =	veq.s32 v2, $0x0;
	v15 =	vadd.s32 v21, v17;
	vm3 =	vge.s32 v16, v4  }
0x250: {  	s4 =	sadd.s32 $0xFFFFFFFF, s4;
	v17 =	vperm.xlane v20, v10;
	v21 =	vperm.xlane v15, v12;
	vm2 =	vmand vm2, vm3  }
0x251: {  	v16 =	vnsel vm1, $0x0, v5;
	v14 =	vsel vm2, s6, v14;
	v2 =	vsel vm2, $0x1, v2;
	s6 =	smov.u32 s7;
	s7 =	smov.u32 s5;
	s5 =	smov.u32 s8  }
0x252: {  	v18 =	vperm.xlane v16, v8;
	v17 =	vadd.s32 v17, v20;
	v19 =	vadd.s32 v19, v21  }
0x253: {  	_ = 	snop  }
0x254: {  	v5 =	vadd.s32 v16, v18  }
0x255: {  	v7 =	vperm.xlane v17, v11;
	v8 =	vperm.xlane v5, v10;
	_ =	sdelay $0x1  }
0x256: {  	v7 =	vadd.s32 v7, v17;
	v5 =	vadd.s32 v8, v5  }
0x257: {  	v10 =	vperm.xlane v7, v12;
	v8 =	vadd.s32 v15, v19;
	v11 =	vperm.xlane v5, v11  }
0x258: {  	vm1 =	veq.s32 v2, $0x0;
	v15 =	vadd.s32 v13, v8  }
0x259: {  	v8 =	vadd.s32 v8, v10;
	vm2 =	vge.s32 v15, v4;
	v5 =	vadd.s32 v11, v5  }
0x25a: {  	v7 =	vadd.s32 v7, v8;
	vm1 =	vmand vm1, vm2;
	v8 =	vperm.xlane v5, v12  }
0x25b: {  	v10 =	vadd.s32 v13, v7;
	v2 =	vsel vm1, $0x1, v2  }
0x25c: {  	vm3 =	vge.s32 v10, v4;
	vm2 =	veq.s32 v2, $0x0;
	v7 =	vadd.s32 v7, v8  }
0x25d: {  	vm2 =	vmand vm2, vm3;
	v5 =	vadd.s32 v5, v7  }
0x25e: {  	v2 =	vsel vm2, $0x1, v2;
	v7 =	vsel vm1, s6, v14;
	v5 =	vadd.s32 v13, v5  }
0x25f: {  	vm1 =	veq.s32 v2, $0x0;
	v2 =	vsel vm2, s7, v7;
	vm3 =	vge.s32 v5, v4  }
0x260: {  	vm2 =	vlt.s32 v1, v4;
	v5 =	vshll.u32 v9, $0x4;
	vm1 =	vmand vm1, vm3  }
0x261: {  	v0 =	vadd.s32 v0, v5;
	v2 =	vsel vm1, s5, v2;
	vm1 =	vne.s32 v6, $0x0  }
0x262: {  	v1 =	vshll.u32 v3, $0x10;
	v0 =	vadd.s32 v2, v0;
	vm1 =	vmand vm2, vm1  }
0x263: {  	v0 =	vor.u32 v1, v0;
	vm0 =	vmand vm1, vm0  }
0x264: {  	s4 =	simm.s32 $0x10;
	v0 =	vnsel vm0, $0x0, v0  }
0x265: {  	s28 =	simm.s32 $0xF100;
	s29 =	simm.s32 $0xF000;
	s30 =	simm.s32 $0x2;
	[tilespmem:$0xF000] =	vst v0  }
0x266: {  	[spmem:s3] =	stream.indirect.scatter.add.s32 [tilespmem:s29], [sflag:$0x2], $0x1, s28, s4, $0xb8;
	[tilespmem:$0x17228] =	vst v63  }
0x267: {  	_ =	swait.ge [sflag:s30], $0x10  }
0x268: {  	[sflag:s30] =	ssyncset.done $0x0  }
0x269: {  	[sflag:s30] =	ssyncadd.s32 $0xFFFFFFF0  }
0x26a: {  	s31 =	simm.s32 $0xF080;
	[bflag:$0x0] =	sbarrier.arrive $0xFFFF  }
0x26b: {  	[tilespmem:s31], [sflag:$0x2] =	stream.linear.gather [spmem:s3], $0x80, $0x38;
	[tilespmem:$0x17228] =	vst v63  }
0x26c: {  	_ =	swait.ge [sflag:s30], $0x80  }
0x26d: {  	[sflag:s30] =	ssyncset.done $0x0  }
0x26e: {  	[sflag:s30] =	ssyncadd.s32 $0xFFFFFF80  }
0x26f: {  	v0 =	vld [tilespmem:$0xF080]  }
0x270: {  	s3 =	simm.s32 $0x40;
	v1 =	vld [tilespmem:$0xF180]  }
0x271: {  	v2 =	vld [tilespmem:s3+$0x30]  }
0x272: {  	v3 =	vld [tilespmem:s3+$0xFFFFFFD0]  }
0x273: {  	v57 =	vld [tilespmem:s3+$0xFFFFFFC0]  }
0x274: {  	v4 =	vld [tilespmem:s3+$0xFFFFFFE0]  }
0x275: {  	v9 =	vld [tilespmem:s3+$0xFFFFFFF0]  }
0x276: {  	v5 =	vimm.s32 $0x0;
	v10 =	vld [tilespmem:s3+$0x0]  }
0x277: {  	v0 =	vperm.xlane v0, v5;
	v5 =	vshra.s32 v2, $0x1F  }
0x278: {  	v11 =	vld [tilespmem:s3+$0x10];
	v6 =	vshra.s32 v3, $0x1F;
	v7 =	vsub.f32 v2, v1;
	v8 =	vsub.f32 v57, v1  }
0x279: {  	v56 =	vld [tilespmem:s3+$0x20];
	v5 =	vor.u32 $0x80000000, v5;
	v58 =	vor.u32 $0x80000000, v6;
	v6 =	vshra.s32 v4, $0x1F  }
0x27a: {  	v2 =	vxor.u32 v2, v5;
	v5 =	vshra.s32 v9, $0x1F;
	v59 =	vor.u32 $0x80000000, v6  }
0x27b: {  	v6 =	vshra.s32 v10, $0x1F;
	v14 =	vxor.u32 v3, v58;
	vm0 =	vlt.u32 v2, v0  }
0x27c: {  	v2 =	vmax.f32 v7, $0.0e+00;
	v61 =	vor.u32 $0x80000000, v5;
	v62 =	vor.u32 $0x80000000, v6  }
0x27d: {  	v5 =	vshra.s32 v11, $0x1F;
	v6 =	vshra.s32 v57, $0x1F;
	v7 =	vsub.f32 v4, v1  }
0x27e: {  	v15 =	vxor.u32 v4, v59;
	v4 =	vsub.f32 v56, v1;
	vm2 =	vlt.u32 v14, v0  }
0x27f: {  	v60 =	vsel vm0, $0x0, v2;
	v2 =	vsub.f32 v3, v1;
	v63 =	vor.u32 $0x80000000, v5  }
0x280: {  	v5 =	vshra.s32 v56, $0x1F;
	v3 =	vsub.f32 v11, v1;
	v17 =	vxor.u32 v9, v61  }
0x281: {  	v18 =	vxor.u32 v10, v62;
	vm4 =	vlt.u32 v15, v0;
	v20 =	vor.u32 $0x80000000, v5  }
0x282: {  	v5 =	vor.u32 $0x80000000, v6;
	v6 =	vsub.f32 v9, v1;
	v9 =	vxor.u32 v11, v63  }
0x283: {  	vm1 =	vlt.u32 v17, v0;
	vm0 =	vlt.u32 v18, v0;
	v13 =	vxor.u32 v57, v5  }
0x284: {  	s5 =	simm.s32 $0xC0;
	s4 =	simm.s32 $0x0;
	[tilespmem:s3+$0x30] =	vst v60;
	v5 =	vsub.f32 v10, v1;
	v10 =	vxor.u32 v56, v20;
	vm3 =	vlt.u32 v13, v0  }
.LBB2_30:
0x285: {  	v11 =	vld [tilespmem:s5+$0x30];
	s4 =	sadd.s32 $0x8, s4;
	v8 =	vmax.f32 v8, $0.0e+00;
	vm5 =	vlt.u32 v9, v0;
	vm6 =	vlt.u32 v10, v0  }
0x286: {  	v2 =	vmax.f32 v2, $0.0e+00;
	v7 =	vmax.f32 v7, $0.0e+00;
	v6 =	vmax.f32 v6, $0.0e+00;
	v9 =	vld [tilespmem:s5+$0xFFFFFFD0];
	p0 =	slt.u32 s4, $0x3F8  }
0x287: {  	v5 =	vmax.f32 v5, $0.0e+00;
	v3 =	vmax.f32 v3, $0.0e+00;
	v4 =	vmax.f32 v4, $0.0e+00;
	v10 =	vld [tilespmem:s5+$0xFFFFFFE0]  }
0x288: {  	v8 =	vsel vm3, $0x0, v8;
	v2 =	vsel vm2, $0x0, v2;
	v7 =	vsel vm4, $0x0, v7;
	v12 =	vld [tilespmem:s5+$0xFFFFFFF0]  }
0x289: {  	v6 =	vsel vm1, $0x0, v6;
	v5 =	vsel vm0, $0x0, v5;
	v3 =	vsel vm5, $0x0, v3;
	v13 =	vld [tilespmem:s5+$0x0];
	[tilespmem:s3+$0xFFFFFFC0] =	vst v8  }
0x28a: {  	v4 =	vsel vm6, $0x0, v4;
	v14 =	vld [tilespmem:s5+$0x10];
	v8 =	vshra.s32 v11, $0x1F;
	[tilespmem:s3+$0xFFFFFFD0] =	vst v2  }
0x28b: {  	v16 =	vsub.f32 v11, v1;
	v2 =	vshra.s32 v9, $0x1F;
	v15 =	vld [tilespmem:s5+$0x20];
	v8 =	vor.u32 $0x80000000, v8;
	[tilespmem:s3+$0xFFFFFFE0] =	vst v7  }
0x28c: {  	v17 =	vld [tilespmem:s5+$0xFFFFFFC0];
	v18 =	vor.u32 $0x80000000, v2;
	v2 =	vshra.s32 v10, $0x1F;
	v7 =	vxor.u32 v11, v8;
	[tilespmem:s3+$0xFFFFFFF0] =	vst v6  }
0x28d: {  	v6 =	vshra.s32 v12, $0x1F;
	vm0 =	vlt.u32 v7, v0;
	v7 =	vmax.f32 v16, $0.0e+00;
	[tilespmem:s3+$0x0] =	vst v5  }
0x28e: {  	v11 =	vor.u32 $0x80000000, v2;
	v2 =	vshra.s32 v13, $0x1F;
	v5 =	vsel vm0, $0x0, v7;
	[tilespmem:s3+$0x10] =	vst v3  }
0x28f: {  	v16 =	vor.u32 $0x80000000, v6;
	v19 =	vor.u32 $0x80000000, v2;
	v3 =	vshra.s32 v14, $0x1F;
	[tilespmem:s5+$0x30] =	vst v5  }
0x290: {  	v2 =	vsub.f32 v9, v1;
	v20 =	vor.u32 $0x80000000, v3;
	v3 =	vshra.s32 v15, $0x1F;
	[tilespmem:s3+$0x20] =	vst v4;
	s3 =	smov.u32 s5  }
0x291: {  	v4 =	vshra.s32 v17, $0x1F;
	v8 =	vsub.f32 v17, v1;
	v21 =	vor.u32 $0x80000000, v3  }
0x292: {  	v7 =	vsub.f32 v10, v1;
	v6 =	vsub.f32 v12, v1;
	v3 =	vor.u32 $0x80000000, v4  }
.Ltmp15:
0x293: {  	v5 =	vsub.f32 v13, v1;
	v17 =	vxor.u32 v17, v3;
	v3 =	vsub.f32 v14, v1;
	(pc) =	sbr.rel @p0 .LBB2_30-.Ltmp15, $4  }
0x294: {  	v18 =	vxor.u32 v9, v18;
	v11 =	vxor.u32 v10, v11;
	v4 =	vsub.f32 v15, v1  }
0x295: {  	v12 =	vxor.u32 v12, v16;
	v13 =	vxor.u32 v13, v19;
	v9 =	vxor.u32 v14, v20  }
0x296: {  	vm2 =	vlt.u32 v18, v0;
	v10 =	vxor.u32 v15, v21;
	vm3 =	vlt.u32 v17, v0  }
0x297: {  	vm4 =	vlt.u32 v11, v0;
	vm1 =	vlt.u32 v12, v0;
	s5 =	sadd.s32 $0x80, s5;
	vm0 =	vlt.u32 v13, v0  }
0x298: {  	v1 =	vmax.f32 v8, $0.0e+00  }
0x299: {  	v2 =	vmax.f32 v2, $0.0e+00;
	v1 =	vsel vm3, $0x0, v1  }
0x29a: {  	v7 =	vmax.f32 v7, $0.0e+00;
	v2 =	vsel vm2, $0x0, v2;
	[tilespmem:s3+$0xFFFFFFC0] =	vst v1  }
0x29b: {  	vm14 =	vlt.u32 v9, v0;
	v3 =	vmax.f32 v3, $0.0e+00;
	v60 =	vsel vm4, $0x0, v7;
	[tilespmem:s3+$0xFFFFFFD0] =	vst v2  }
0x29c: {  	vm15 =	vlt.u32 v10, v0;
	v62 =	vmax.f32 v4, $0.0e+00;
	v63 =	vsel vm14, $0x0, v3;
	[tilespmem:s3+$0xFFFFFFE0] =	vst v60  }
0x29d: {  	v59 =	vmax.f32 v6, $0.0e+00;
	v0 =	vsel vm15, $0x0, v62;
	[tilespmem:s3+$0x10] =	vst v63  }
0x29e: {  	v61 =	vmax.f32 v5, $0.0e+00;
	v1 =	vsel vm1, $0x0, v59;
	[tilespmem:s3+$0x20] =	vst v0  }
0x29f: {  	v2 =	vsel vm0, $0x0, v61;
	[tilespmem:s3+$0xFFFFFFF0] =	vst v1  }
0x2a0: {  	s30 =	simm.s32 $0x0;
	s31 =	simm.s32 $0x2;
	[tilespmem:s3+$0x0] =	vst v2  }
0x2a1: {  	[hbm4b:s2+s30] =	stream.linear.scatter [tilespmem:s30], [sflag:$0x2], $0x4000, $0x38;
	[tilespmem:$0x17228] =	vst v63  }
0x2a2: {  	_ =	swait.ge [sflag:s31], $0x4000  }
0x2a3: {  	[sflag:s31] =	ssyncset.done $0x0  }
0x2a4: {  	[sflag:s31] =	ssyncadd.s32 $0xFFFFC000  }
.LBB2_32:
0x2a5: {  	_ =	sfence.sel $0x180000  }
0x2a6: {  	[bflag:$0x0] =	sbarrier.arrive $0xFFFF  }
0x2a7: {  	p0 =	sne.s32 s1, $0x0;
	_ =	strace $0x90000047  }
0x2a8: {  	s0 =	sadd.s32 @!p0 $0x100000, s0;
	[bflag:$0x2] =	sbarrier.arrive $0xFFFF  }
0x2a9: {  	[sflag:s0] =	ssyncadd.tile.s32 @!p0 $0x1;
	_ =	shalt  }
.Lfunc_end2:
_tile_overlayer_lowered:
.L_overlay_start_2:
0x2aa: {  	(tag) =	ssettag $0x2  }
0x2ab: {  	s0 =	rddreg [dreg:$0x0];
	s2 =	stileid.u32  }
0x2ac: {  	s1 =	rddreg [dreg:$0x1];
	p0 =	sne.s32 s2, $0x0  }
0x2ad: {  	s3 =	rddreg [dreg:$0x2];
	[bflag:$0x3] =	sbarrier.arrive $0xFFFF;
	s2 =	simm.s32 @!p0 $0x1C02  }
0x2ae: {  	[timem:s3], [sflag:s2] =	dma.local @!p0 [hbm:s0], s1  }
0x2af: {  	s0 =	simm.s32 @!p0 $0x2  }
0x2b0: {  	_ =	swait.ge @!p0 [sflag:s0], s1  }
0x2b1: {  	s1 =	ssub.s32 @!p0 $0x0, s1;
	[sflag:s0] =	ssyncset.done @!p0 $0x0  }
0x2b2: {  	[sflag:s0] =	ssyncadd.s32 @!p0 s1  }
0x2b3: {  	[bflag:$0x3] =	sbarrier.arrive $0xFFFF  }
0x2b4: {  	_ =	shalt  }

</sc_bundles>
